<compile_context>
chip_gen: v7x
topology: tpu7x:2x2x1
jax: 0.10.2.dev20260603
libtpu: 0.0.44.dev20260713+nightly
codegen_flags: <defaults>
</compile_context>

<pallas_src>
import functools

import jax
import jax.numpy as jnp
from jax import lax
from jax.experimental import pallas as pl
from jax.experimental.pallas import tpu as pltpu
from jax.experimental.pallas import tpu_sc as plsc

_EPS = 0.1
_IGNORE = 0

_NC = 2
_NS = 16
_NW = _NC * _NS
_L = 16

_R_SC = 256
_CW = 1408
_NCHUNK = 71
_KTAIL = 32
_NEG = -3.0e38


def _sc_row_pass(buf, r, cw, c0, lab_v, iota, macc, sacc, tacc, g_ref):
    nv = cw // _L

    def amax_body(j, carry):
        mv, tv = carry
        v = buf[r, pl.ds(j * _L, _L)]
        return jnp.maximum(mv, v), tv + v

    mv_c, tv = lax.fori_loop(
        0, nv, amax_body,
        (jnp.full((_L,), _NEG, jnp.float32), jnp.zeros((_L,), jnp.float32)),
    )
    m_old = macc[r]
    m_new = jnp.maximum(m_old, mv_c)
    rescale = jnp.exp(m_old - m_new)
    macc[r] = m_new
    tacc[r] = tacc[r] + tv

    def exp_body(j, sv):
        v = buf[r, pl.ds(j * _L, _L)]
        return sv + jnp.exp(v - m_new)

    sv = lax.fori_loop(0, nv, exp_body, jnp.zeros((_L,), jnp.float32))
    sacc[r] = sacc[r] * rescale + sv


def _sc_chunk(buf, cw, c0, lab_vec, iota, macc, sacc, tacc, gacc):
    nv = cw // _L
    for r in range(8):
        _sc_row_pass(buf, r, cw, c0, lab_vec, iota, macc, sacc, tacc, gacc)
        lab_r = lab_vec[r]
        in_win = (lab_r >= c0) & (lab_r < c0 + cw)

        @pl.when(in_win)
        def _pick():
            off = jnp.full((_L,), lab_r - c0, jnp.int32)

            def gbody(j, gv):
                v = buf[r, pl.ds(j * _L, _L)]
                hit = (iota + j * _L) == off
                return gv + jnp.where(hit, v, 0.0)

            gacc[r] = gacc[r] + lax.fori_loop(
                0, nv, gbody, jnp.zeros((_L,), jnp.float32))


def _sc_dense_body(x_hbm, lab_hbm, m_hbm, s_hbm, t_hbm, g_hbm,
                   buf, tbuf, lab_v, macc, sacc, tacc, gacc, sem):
    wid = lax.axis_index("s") * _NC + lax.axis_index("c")
    r0 = wid * 8
    iota = lax.iota(jnp.int32, _L)

    pltpu.sync_copy(lab_hbm.at[pl.ds(r0, _L)], lab_v)
    lab_vec = lab_v[...]

    for r in range(8):
        macc[r] = jnp.full((_L,), _NEG, jnp.float32)
        sacc[r] = jnp.zeros((_L,), jnp.float32)
        tacc[r] = jnp.zeros((_L,), jnp.float32)
        gacc[r] = jnp.zeros((_L,), jnp.float32)

    def chunk_body(ci, _):
        c0 = ci * _CW
        pltpu.sync_copy(x_hbm.at[pl.ds(r0, 8), pl.ds(c0, _CW)], buf)
        _sc_chunk(buf, _CW, c0, lab_vec, iota, macc, sacc, tacc, gacc)
        return 0

    lax.fori_loop(0, _NCHUNK, chunk_body, 0)

    c0 = _NCHUNK * _CW
    pltpu.sync_copy(x_hbm.at[pl.ds(r0, 8), pl.ds(c0, _KTAIL)], tbuf)
    _sc_chunk(tbuf, _KTAIL, c0, lab_vec, iota, macc, sacc, tacc, gacc)

    pltpu.sync_copy(macc, m_hbm.at[pl.ds(r0, 8)])
    pltpu.sync_copy(sacc, s_hbm.at[pl.ds(r0, 8)])
    pltpu.sync_copy(tacc, t_hbm.at[pl.ds(r0, 8)])
    pltpu.sync_copy(gacc, g_hbm.at[pl.ds(r0, 8)])


def _sc_dense(preds, labels_i32):
    mesh = plsc.VectorSubcoreMesh(core_axis_name="c", subcore_axis_name="s")
    per_row = jax.ShapeDtypeStruct((_R_SC, _L), jnp.float32)
    return pl.kernel(
        _sc_dense_body,
        out_type=(per_row, per_row, per_row, per_row),
        mesh=mesh,
        scratch_types=[
            pltpu.VMEM((8, _CW), jnp.float32),
            pltpu.VMEM((8, _KTAIL), jnp.float32),
            pltpu.VMEM((_L,), jnp.int32),
            pltpu.VMEM((8, _L), jnp.float32),
            pltpu.VMEM((8, _L), jnp.float32),
            pltpu.VMEM((8, _L), jnp.float32),
            pltpu.VMEM((8, _L), jnp.float32),
            pltpu.SemaphoreType.DMA,
        ],
    )(preds, labels_i32)


def _tc_body(x_ref, lab_ref, num_ref, den_ref):
    i = pl.program_id(0)
    x = x_ref[...]
    lab = lab_ref[0, 0, :]
    k = x.shape[1]

    m = jnp.max(x, axis=1, keepdims=True)
    s = jnp.sum(jnp.exp(x - m), axis=1, keepdims=True)
    lse = m + jnp.log(s)

    cols = jax.lax.broadcasted_iota(jnp.int32, x.shape, 1)
    w = jnp.where(cols == lab[:, None], (1.0 - _EPS) + _EPS / k, _EPS / k)
    wx = jnp.sum(w * x, axis=1, keepdims=True)

    mask = (lab[:, None] != _IGNORE).astype(x.dtype)
    per = lse - wx
    pnum = jnp.sum(per * mask, axis=0, keepdims=True)
    pden = jnp.sum(mask, axis=0, keepdims=True)

    @pl.when(i == 0)
    def _init():
        num_ref[...] = jnp.zeros_like(num_ref)
        den_ref[...] = jnp.zeros_like(den_ref)

    num_ref[...] += pnum
    den_ref[...] += pden


def _combine_body(num_ref, den_ref, m_ref, s_ref, t_ref, g_ref, lab_ref,
                  out_ref, *, k):
    ml = m_ref[...]
    m = jnp.max(ml, axis=1, keepdims=True)
    s = jnp.sum(s_ref[...] * jnp.exp(ml - m), axis=1, keepdims=True)
    t = jnp.sum(t_ref[...], axis=1, keepdims=True)
    g = jnp.sum(g_ref[...], axis=1, keepdims=True)
    lab = lab_ref[0, 0, :][:, None]
    lse = m + jnp.log(s)
    per = lse - (1.0 - _EPS) * g - (_EPS / k) * t
    mask = (lab != _IGNORE).astype(jnp.float32)
    num = num_ref[0, 0] + jnp.sum(per * mask)
    den = den_ref[0, 0] + jnp.sum(mask)
    out_ref[...] = jnp.full((1, 1), num / den, jnp.float32)


@functools.partial(jax.jit, static_argnames=("rb",))
def _ce_loss(preds, labels, rb=32):
    r, k = preds.shape
    labels_i32 = labels.astype(jnp.int32)

    m_sc, s_sc, t_sc, g_sc = _sc_dense(preds, labels_i32)

    nb_sc = _R_SC // rb
    nb = (r - _R_SC) // rb
    lab3 = labels_i32.reshape(r // rb, 1, rb)
    num, den = pl.pallas_call(
        _tc_body,
        grid=(nb,),
        in_specs=[
            pl.BlockSpec((rb, k), lambda i: (i + nb_sc, 0)),
            pl.BlockSpec((1, 1, rb), lambda i: (i + nb_sc, 0, 0)),
        ],
        out_specs=[
            pl.BlockSpec((1, 1), lambda i: (0, 0)),
            pl.BlockSpec((1, 1), lambda i: (0, 0)),
        ],
        out_shape=[
            jax.ShapeDtypeStruct((1, 1), preds.dtype),
            jax.ShapeDtypeStruct((1, 1), preds.dtype),
        ],
    )(preds, lab3)

    lab_sc3 = labels_i32[:_R_SC].reshape(1, 1, _R_SC)
    loss = pl.pallas_call(
        functools.partial(_combine_body, k=k),
        out_shape=jax.ShapeDtypeStruct((1, 1), jnp.float32),
    )(num, den, m_sc, s_sc, t_sc, g_sc, lab_sc3)
    return loss[0, 0]


def kernel(preds, labels):
    return _ce_loss(preds, labels)

# --- scband reference (transcript-rebuilt; emitter-appended) ---
"""Pipeline reference for scband-custom-cross-entropy-loss-65111704207490 (READ-ONLY COPY).

The authoritative reference and input builder live on the scoring server;
editing this copy changes nothing except your own understanding.
"""

import jax, jax.numpy as jnp
import numpy as np

LABEL_SMOOTHING = 0.1
IGNORE_INDEX = 0

def setup_inputs(seed: int = 0) -> dict:
    key = jax.random.key(seed)
    k1, k2 = jax.random.split(key)
    preds = jax.random.normal(k1, (1024, 100000), dtype=jnp.float32)
    labels = jax.random.randint(k2, (1024,), 0, 100000, dtype=jnp.int64)
    return {"preds": preds, "labels": labels}

def reference(preds, labels):
    # Faithful to torch nn.CrossEntropyLoss(label_smoothing=0.1, ignore_index=0, reduction='mean')
    eps = LABEL_SMOOTHING
    num_classes = preds.shape[1]
    logp = jax.nn.log_softmax(preds, axis=1)
    # negative log-likelihood of true class
    nll = -jnp.take_along_axis(logp, labels[:, None], axis=1)[:, 0]
    # smoothing term: uniform eps/K mass over ALL classes (torch semantics)
    smooth = -jnp.mean(logp, axis=1)
    per_elem = (1.0 - eps) * nll + eps * smooth
    mask = (labels != IGNORE_INDEX).astype(preds.dtype)
    denom = jnp.sum(mask)
    loss = jnp.sum(per_elem * mask) / denom
    return loss

if __name__ == "__main__":
    import jax
    _d = setup_inputs()
    print(jax.jit(kernel)(*tuple(_d.values())))

</pallas_src>

<mosaic_0001>
#map = affine_map<(d0, d1) -> (0, 0)>
#map1 = affine_map<(d0, d1) -> (0)>
module attributes {stable_mosaic.version = 14 : i64} {
  func.func @_sc_dense_body(%arg0: i32, %arg1: i32, %arg2: memref<1024x100000xf32, #tpu.memory_space<hbm>>, %arg3: memref<1024xi32, #tpu.memory_space<hbm>>, %arg4: memref<256x16xf32, #tpu.memory_space<hbm>>, %arg5: memref<256x16xf32, #tpu.memory_space<hbm>>, %arg6: memref<256x16xf32, #tpu.memory_space<hbm>>, %arg7: memref<256x16xf32, #tpu.memory_space<hbm>>, %arg8: memref<8x1408xf32, #tpu.memory_space<vmem>>, %arg9: memref<8x32xf32, #tpu.memory_space<vmem>>, %arg10: memref<16xi32, #tpu.memory_space<vmem>>, %arg11: memref<8x16xf32, #tpu.memory_space<vmem>>, %arg12: memref<8x16xf32, #tpu.memory_space<vmem>>, %arg13: memref<8x16xf32, #tpu.memory_space<vmem>>, %arg14: memref<8x16xf32, #tpu.memory_space<vmem>>, %arg15: memref<!tpu.dma_semaphore, #tpu.memory_space<semaphore_mem>>) attributes {dimension_semantics = [#tpu.dimension_semantics<core_parallel>, #tpu.dimension_semantics<subcore_parallel>], iteration_bounds = array<i64: 2, 16>, scalar_prefetch = 0 : i64, scratch_operands = 8 : i64, tpu.core_type = #tpu.core_type<sc_vector_subcore>, window_params = [{transform_indices = #map}, {transform_indices = #map1}, {transform_indices = #map}, {transform_indices = #map}, {transform_indices = #map}, {transform_indices = #map}]} {
    %mul3A = arith.constant 2 : i32
    %mul3A_0 = arith.muli %arg1, %mul3A : i32
    %add3A = arith.addi %mul3A_0, %arg0 : i32
    %mul3A_1 = arith.constant 8 : i32
    %mul3A_2 = arith.muli %add3A, %mul3A_1 : i32
    %iota3A = tpu.iota {dimensions = array<i32: 0>} : vector<16xi32>
    "tpu.region"() ({
      %run_scoped3A = tpu.sem_alloc : memref<!tpu.dma_semaphore, #tpu.memory_space<semaphore_mem>>
      %dma_start3A = tpu.memref_slice %arg3[%mul3A_2] : memref<1024xi32, #tpu.memory_space<hbm>> -> memref<16xi32, #tpu.memory_space<hbm>>
      %dma_start3A_791 = tpu.memref_slice %arg3[%mul3A_2] : memref<1024xi32, #tpu.memory_space<hbm>> -> memref<16xi32, #tpu.memory_space<hbm>>
      tpu.enqueue_dma source(%dma_start3A_791 : memref<16xi32, #tpu.memory_space<hbm>>) target(%arg10 : memref<16xi32, #tpu.memory_space<vmem>>) target_semaphore(%run_scoped3A : memref<!tpu.dma_semaphore, #tpu.memory_space<semaphore_mem>>)
      %dma_wait3A = tpu.memref_slice %arg3[%mul3A_2] : memref<1024xi32, #tpu.memory_space<hbm>> -> memref<16xi32, #tpu.memory_space<hbm>>
      %dma_wait3A_792 = tpu.memref_slice %arg3[%mul3A_2] : memref<1024xi32, #tpu.memory_space<hbm>> -> memref<16xi32, #tpu.memory_space<hbm>>
      tpu.wait_dma2 semaphore(%run_scoped3A : memref<!tpu.dma_semaphore, #tpu.memory_space<semaphore_mem>>) src(%dma_wait3A_792 : memref<16xi32, #tpu.memory_space<hbm>>) dst(%arg10 : memref<16xi32, #tpu.memory_space<vmem>>)
      tpu.yield
    }) : () -> ()
    %get3A = arith.constant 0 : index
    %get3A_3 = tpu.vector_load %arg10[%get3A] {strides = array<i32>} : memref<16xi32, #tpu.memory_space<vmem>>, vector<16xi32>,
    %get3A_4 = vector.shape_cast %get3A_3 : vector<16xi32> to vector<16xi32>
    %broadcast_in_dim3A = arith.constant -3.000000e+38 : f32
    %broadcast_in_dim3A_5 = vector.broadcast %broadcast_in_dim3A : f32 to vector<16xf32>
    %swap3A = arith.constant 0 : i32
    %swap3A_6 = arith.index_cast %swap3A : i32 to index
    %swap3A_7 = arith.constant 0 : index
    %swap3A_8 = tpu.vector_load %arg11[%swap3A_6, %swap3A_7] {strides = array<i32>} : memref<8x16xf32, #tpu.memory_space<vmem>>, vector<1x16xf32>,
    %swap3A_9 = vector.shape_cast %swap3A_8 : vector<1x16xf32> to vector<16xf32>
    %swap3A_10 = vector.shape_cast %broadcast_in_dim3A_5 : vector<16xf32> to vector<1x16xf32>
    tpu.vector_store %arg11[%swap3A_6, %swap3A_7], %swap3A_10 {strides = array<i32>} : memref<8x16xf32, #tpu.memory_space<vmem>>, vector<1x16xf32>,
    %broadcast_in_dim3A_11 = arith.constant 0.000000e+00 : f32
    %broadcast_in_dim3A_12 = vector.broadcast %broadcast_in_dim3A_11 : f32 to vector<16xf32>
    %swap3A_13 = arith.constant 0 : i32
    %swap3A_14 = arith.index_cast %swap3A_13 : i32 to index
    %swap3A_15 = arith.constant 0 : index
    %swap3A_16 = tpu.vector_load %arg12[%swap3A_14, %swap3A_15] {strides = array<i32>} : memref<8x16xf32, #tpu.memory_space<vmem>>, vector<1x16xf32>,
    %swap3A_17 = vector.shape_cast %swap3A_16 : vector<1x16xf32> to vector<16xf32>
    %swap3A_18 = vector.shape_cast %broadcast_in_dim3A_12 : vector<16xf32> to vector<1x16xf32>
    tpu.vector_store %arg12[%swap3A_14, %swap3A_15], %swap3A_18 {strides = array<i32>} : memref<8x16xf32, #tpu.memory_space<vmem>>, vector<1x16xf32>,
    %broadcast_in_dim3A_19 = arith.constant 0.000000e+00 : f32
    %broadcast_in_dim3A_20 = vector.broadcast %broadcast_in_dim3A_19 : f32 to vector<16xf32>
    %swap3A_21 = arith.constant 0 : i32
    %swap3A_22 = arith.index_cast %swap3A_21 : i32 to index
    %swap3A_23 = arith.constant 0 : index
    %swap3A_24 = tpu.vector_load %arg13[%swap3A_22, %swap3A_23] {strides = array<i32>} : memref<8x16xf32, #tpu.memory_space<vmem>>, vector<1x16xf32>,
    %swap3A_25 = vector.shape_cast %swap3A_24 : vector<1x16xf32> to vector<16xf32>
    %swap3A_26 = vector.shape_cast %broadcast_in_dim3A_20 : vector<16xf32> to vector<1x16xf32>
    tpu.vector_store %arg13[%swap3A_22, %swap3A_23], %swap3A_26 {strides = array<i32>} : memref<8x16xf32, #tpu.memory_space<vmem>>, vector<1x16xf32>,
    %broadcast_in_dim3A_27 = arith.constant 0.000000e+00 : f32
    %broadcast_in_dim3A_28 = vector.broadcast %broadcast_in_dim3A_27 : f32 to vector<16xf32>
    %swap3A_29 = arith.constant 0 : i32
    %swap3A_30 = arith.index_cast %swap3A_29 : i32 to index
    %swap3A_31 = arith.constant 0 : index
    %swap3A_32 = tpu.vector_load %arg14[%swap3A_30, %swap3A_31] {strides = array<i32>} : memref<8x16xf32, #tpu.memory_space<vmem>>, vector<1x16xf32>,
    %swap3A_33 = vector.shape_cast %swap3A_32 : vector<1x16xf32> to vector<16xf32>
    %swap3A_34 = vector.shape_cast %broadcast_in_dim3A_28 : vector<16xf32> to vector<1x16xf32>
    tpu.vector_store %arg14[%swap3A_30, %swap3A_31], %swap3A_34 {strides = array<i32>} : memref<8x16xf32, #tpu.memory_space<vmem>>, vector<1x16xf32>,
    %broadcast_in_dim3A_35 = arith.constant -3.000000e+38 : f32
    %broadcast_in_dim3A_36 = vector.broadcast %broadcast_in_dim3A_35 : f32 to vector<16xf32>
    %swap3A_37 = arith.constant 1 : i32
    %swap3A_38 = arith.index_cast %swap3A_37 : i32 to index
    %swap3A_39 = arith.constant 0 : index
    %swap3A_40 = tpu.vector_load %arg11[%swap3A_38, %swap3A_39] {strides = array<i32>} : memref<8x16xf32, #tpu.memory_space<vmem>>, vector<1x16xf32>,
    %swap3A_41 = vector.shape_cast %swap3A_40 : vector<1x16xf32> to vector<16xf32>
    %swap3A_42 = vector.shape_cast %broadcast_in_dim3A_36 : vector<16xf32> to vector<1x16xf32>
    tpu.vector_store %arg11[%swap3A_38, %swap3A_39], %swap3A_42 {strides = array<i32>} : memref<8x16xf32, #tpu.memory_space<vmem>>, vector<1x16xf32>,
    %broadcast_in_dim3A_43 = arith.constant 0.000000e+00 : f32
    %broadcast_in_dim3A_44 = vector.broadcast %broadcast_in_dim3A_43 : f32 to vector<16xf32>
    %swap3A_45 = arith.constant 1 : i32
    %swap3A_46 = arith.index_cast %swap3A_45 : i32 to index
    %swap3A_47 = arith.constant 0 : index
    %swap3A_48 = tpu.vector_load %arg12[%swap3A_46, %swap3A_47] {strides = array<i32>} : memref<8x16xf32, #tpu.memory_space<vmem>>, vector<1x16xf32>,
    %swap3A_49 = vector.shape_cast %swap3A_48 : vector<1x16xf32> to vector<16xf32>
    %swap3A_50 = vector.shape_cast %broadcast_in_dim3A_44 : vector<16xf32> to vector<1x16xf32>
    tpu.vector_store %arg12[%swap3A_46, %swap3A_47], %swap3A_50 {strides = array<i32>} : memref<8x16xf32, #tpu.memory_space<vmem>>, vector<1x16xf32>,
    %broadcast_in_dim3A_51 = arith.constant 0.000000e+00 : f32
    %broadcast_in_dim3A_52 = vector.broadcast %broadcast_in_dim3A_51 : f32 to vector<16xf32>
    %swap3A_53 = arith.constant 1 : i32
    %swap3A_54 = arith.index_cast %swap3A_53 : i32 to index
    %swap3A_55 = arith.constant 0 : index
    %swap3A_56 = tpu.vector_load %arg13[%swap3A_54, %swap3A_55] {strides = array<i32>} : memref<8x16xf32, #tpu.memory_space<vmem>>, vector<1x16xf32>,
    %swap3A_57 = vector.shape_cast %swap3A_56 : vector<1x16xf32> to vector<16xf32>
    %swap3A_58 = vector.shape_cast %broadcast_in_dim3A_52 : vector<16xf32> to vector<1x16xf32>
    tpu.vector_store %arg13[%swap3A_54, %swap3A_55], %swap3A_58 {strides = array<i32>} : memref<8x16xf32, #tpu.memory_space<vmem>>, vector<1x16xf32>,
    %broadcast_in_dim3A_59 = arith.constant 0.000000e+00 : f32
    %broadcast_in_dim3A_60 = vector.broadcast %broadcast_in_dim3A_59 : f32 to vector<16xf32>
    %swap3A_61 = arith.constant 1 : i32
    %swap3A_62 = arith.index_cast %swap3A_61 : i32 to index
    %swap3A_63 = arith.constant 0 : index
    %swap3A_64 = tpu.vector_load %arg14[%swap3A_62, %swap3A_63] {strides = array<i32>} : memref<8x16xf32, #tpu.memory_space<vmem>>, vector<1x16xf32>,
    %swap3A_65 = vector.shape_cast %swap3A_64 : vector<1x16xf32> to vector<16xf32>
    %swap3A_66 = vector.shape_cast %broadcast_in_dim3A_60 : vector<16xf32> to vector<1x16xf32>
    tpu.vector_store %arg14[%swap3A_62, %swap3A_63], %swap3A_66 {strides = array<i32>} : memref<8x16xf32, #tpu.memory_space<vmem>>, vector<1x16xf32>,
    %broadcast_in_dim3A_67 = arith.constant -3.000000e+38 : f32
    %broadcast_in_dim3A_68 = vector.broadcast %broadcast_in_dim3A_67 : f32 to vector<16xf32>
    %swap3A_69 = arith.constant 2 : i32
    %swap3A_70 = arith.index_cast %swap3A_69 : i32 to index
    %swap3A_71 = arith.constant 0 : index
    %swap3A_72 = tpu.vector_load %arg11[%swap3A_70, %swap3A_71] {strides = array<i32>} : memref<8x16xf32, #tpu.memory_space<vmem>>, vector<1x16xf32>,
    %swap3A_73 = vector.shape_cast %swap3A_72 : vector<1x16xf32> to vector<16xf32>
    %swap3A_74 = vector.shape_cast %broadcast_in_dim3A_68 : vector<16xf32> to vector<1x16xf32>
    tpu.vector_store %arg11[%swap3A_70, %swap3A_71], %swap3A_74 {strides = array<i32>} : memref<8x16xf32, #tpu.memory_space<vmem>>, vector<1x16xf32>,
    %broadcast_in_dim3A_75 = arith.constant 0.000000e+00 : f32
    %broadcast_in_dim3A_76 = vector.broadcast %broadcast_in_dim3A_75 : f32 to vector<16xf32>
    %swap3A_77 = arith.constant 2 : i32
    %swap3A_78 = arith.index_cast %swap3A_77 : i32 to index
    %swap3A_79 = arith.constant 0 : index
    %swap3A_80 = tpu.vector_load %arg12[%swap3A_78, %swap3A_79] {strides = array<i32>} : memref<8x16xf32, #tpu.memory_space<vmem>>, vector<1x16xf32>,
    %swap3A_81 = vector.shape_cast %swap3A_80 : vector<1x16xf32> to vector<16xf32>
    %swap3A_82 = vector.shape_cast %broadcast_in_dim3A_76 : vector<16xf32> to vector<1x16xf32>
    tpu.vector_store %arg12[%swap3A_78, %swap3A_79], %swap3A_82 {strides = array<i32>} : memref<8x16xf32, #tpu.memory_space<vmem>>, vector<1x16xf32>,
    %broadcast_in_dim3A_83 = arith.constant 0.000000e+00 : f32
    %broadcast_in_dim3A_84 = vector.broadcast %broadcast_in_dim3A_83 : f32 to vector<16xf32>
    %swap3A_85 = arith.constant 2 : i32
    %swap3A_86 = arith.index_cast %swap3A_85 : i32 to index
    %swap3A_87 = arith.constant 0 : index
    %swap3A_88 = tpu.vector_load %arg13[%swap3A_86, %swap3A_87] {strides = array<i32>} : memref<8x16xf32, #tpu.memory_space<vmem>>, vector<1x16xf32>,
    %swap3A_89 = vector.shape_cast %swap3A_88 : vector<1x16xf32> to vector<16xf32>
    %swap3A_90 = vector.shape_cast %broadcast_in_dim3A_84 : vector<16xf32> to vector<1x16xf32>
    tpu.vector_store %arg13[%swap3A_86, %swap3A_87], %swap3A_90 {strides = array<i32>} : memref<8x16xf32, #tpu.memory_space<vmem>>, vector<1x16xf32>,
    %broadcast_in_dim3A_91 = arith.constant 0.000000e+00 : f32
    %broadcast_in_dim3A_92 = vector.broadcast %broadcast_in_dim3A_91 : f32 to vector<16xf32>
    %swap3A_93 = arith.constant 2 : i32
    %swap3A_94 = arith.index_cast %swap3A_93 : i32 to index
    %swap3A_95 = arith.constant 0 : index
    %swap3A_96 = tpu.vector_load %arg14[%swap3A_94, %swap3A_95] {strides = array<i32>} : memref<8x16xf32, #tpu.memory_space<vmem>>, vector<1x16xf32>,
    %swap3A_97 = vector.shape_cast %swap3A_96 : vector<1x16xf32> to vector<16xf32>
    %swap3A_98 = vector.shape_cast %broadcast_in_dim3A_92 : vector<16xf32> to vector<1x16xf32>
    tpu.vector_store %arg14[%swap3A_94, %swap3A_95], %swap3A_98 {strides = array<i32>} : memref<8x16xf32, #tpu.memory_space<vmem>>, vector<1x16xf32>,
    %broadcast_in_dim3A_99 = arith.constant -3.000000e+38 : f32
    %broadcast_in_dim3A_100 = vector.broadcast %broadcast_in_dim3A_99 : f32 to vector<16xf32>
    %swap3A_101 = arith.constant 3 : i32
    %swap3A_102 = arith.index_cast %swap3A_101 : i32 to index
    %swap3A_103 = arith.constant 0 : index
    %swap3A_104 = tpu.vector_load %arg11[%swap3A_102, %swap3A_103] {strides = array<i32>} : memref<8x16xf32, #tpu.memory_space<vmem>>, vector<1x16xf32>,
    %swap3A_105 = vector.shape_cast %swap3A_104 : vector<1x16xf32> to vector<16xf32>
    %swap3A_106 = vector.shape_cast %broadcast_in_dim3A_100 : vector<16xf32> to vector<1x16xf32>
    tpu.vector_store %arg11[%swap3A_102, %swap3A_103], %swap3A_106 {strides = array<i32>} : memref<8x16xf32, #tpu.memory_space<vmem>>, vector<1x16xf32>,
    %broadcast_in_dim3A_107 = arith.constant 0.000000e+00 : f32
    %broadcast_in_dim3A_108 = vector.broadcast %broadcast_in_dim3A_107 : f32 to vector<16xf32>
    %swap3A_109 = arith.constant 3 : i32
    %swap3A_110 = arith.index_cast %swap3A_109 : i32 to index
    %swap3A_111 = arith.constant 0 : index
    %swap3A_112 = tpu.vector_load %arg12[%swap3A_110, %swap3A_111] {strides = array<i32>} : memref<8x16xf32, #tpu.memory_space<vmem>>, vector<1x16xf32>,
    %swap3A_113 = vector.shape_cast %swap3A_112 : vector<1x16xf32> to vector<16xf32>
    %swap3A_114 = vector.shape_cast %broadcast_in_dim3A_108 : vector<16xf32> to vector<1x16xf32>
    tpu.vector_store %arg12[%swap3A_110, %swap3A_111], %swap3A_114 {strides = array<i32>} : memref<8x16xf32, #tpu.memory_space<vmem>>, vector<1x16xf32>,
    %broadcast_in_dim3A_115 = arith.constant 0.000000e+00 : f32
    %broadcast_in_dim3A_116 = vector.broadcast %broadcast_in_dim3A_115 : f32 to vector<16xf32>
    %swap3A_117 = arith.constant 3 : i32
    %swap3A_118 = arith.index_cast %swap3A_117 : i32 to index
    %swap3A_119 = arith.constant 0 : index
    %swap3A_120 = tpu.vector_load %arg13[%swap3A_118, %swap3A_119] {strides = array<i32>} : memref<8x16xf32, #tpu.memory_space<vmem>>, vector<1x16xf32>,
    %swap3A_121 = vector.shape_cast %swap3A_120 : vector<1x16xf32> to vector<16xf32>
    %swap3A_122 = vector.shape_cast %broadcast_in_dim3A_116 : vector<16xf32> to vector<1x16xf32>
    tpu.vector_store %arg13[%swap3A_118, %swap3A_119], %swap3A_122 {strides = array<i32>} : memref<8x16xf32, #tpu.memory_space<vmem>>, vector<1x16xf32>,
    %broadcast_in_dim3A_123 = arith.constant 0.000000e+00 : f32
    %broadcast_in_dim3A_124 = vector.broadcast %broadcast_in_dim3A_123 : f32 to vector<16xf32>
    %swap3A_125 = arith.constant 3 : i32
    %swap3A_126 = arith.index_cast %swap3A_125 : i32 to index
    %swap3A_127 = arith.constant 0 : index
    %swap3A_128 = tpu.vector_load %arg14[%swap3A_126, %swap3A_127] {strides = array<i32>} : memref<8x16xf32, #tpu.memory_space<vmem>>, vector<1x16xf32>,
    %swap3A_129 = vector.shape_cast %swap3A_128 : vector<1x16xf32> to vector<16xf32>
    %swap3A_130 = vector.shape_cast %broadcast_in_dim3A_124 : vector<16xf32> to vector<1x16xf32>
    tpu.vector_store %arg14[%swap3A_126, %swap3A_127], %swap3A_130 {strides = array<i32>} : memref<8x16xf32, #tpu.memory_space<vmem>>, vector<1x16xf32>,
    %broadcast_in_dim3A_131 = arith.constant -3.000000e+38 : f32
    %broadcast_in_dim3A_132 = vector.broadcast %broadcast_in_dim3A_131 : f32 to vector<16xf32>
    %swap3A_133 = arith.constant 4 : i32
    %swap3A_134 = arith.index_cast %swap3A_133 : i32 to index
    %swap3A_135 = arith.constant 0 : index
    %swap3A_136 = tpu.vector_load %arg11[%swap3A_134, %swap3A_135] {strides = array<i32>} : memref<8x16xf32, #tpu.memory_space<vmem>>, vector<1x16xf32>,
    %swap3A_137 = vector.shape_cast %swap3A_136 : vector<1x16xf32> to vector<16xf32>
    %swap3A_138 = vector.shape_cast %broadcast_in_dim3A_132 : vector<16xf32> to vector<1x16xf32>
    tpu.vector_store %arg11[%swap3A_134, %swap3A_135], %swap3A_138 {strides = array<i32>} : memref<8x16xf32, #tpu.memory_space<vmem>>, vector<1x16xf32>,
    %broadcast_in_dim3A_139 = arith.constant 0.000000e+00 : f32
    %broadcast_in_dim3A_140 = vector.broadcast %broadcast_in_dim3A_139 : f32 to vector<16xf32>
    %swap3A_141 = arith.constant 4 : i32
    %swap3A_142 = arith.index_cast %swap3A_141 : i32 to index
    %swap3A_143 = arith.constant 0 : index
    %swap3A_144 = tpu.vector_load %arg12[%swap3A_142, %swap3A_143] {strides = array<i32>} : memref<8x16xf32, #tpu.memory_space<vmem>>, vector<1x16xf32>,
    %swap3A_145 = vector.shape_cast %swap3A_144 : vector<1x16xf32> to vector<16xf32>
    %swap3A_146 = vector.shape_cast %broadcast_in_dim3A_140 : vector<16xf32> to vector<1x16xf32>
    tpu.vector_store %arg12[%swap3A_142, %swap3A_143], %swap3A_146 {strides = array<i32>} : memref<8x16xf32, #tpu.memory_space<vmem>>, vector<1x16xf32>,
    %broadcast_in_dim3A_147 = arith.constant 0.000000e+00 : f32
    %broadcast_in_dim3A_148 = vector.broadcast %broadcast_in_dim3A_147 : f32 to vector<16xf32>
    %swap3A_149 = arith.constant 4 : i32
    %swap3A_150 = arith.index_cast %swap3A_149 : i32 to index
    %swap3A_151 = arith.constant 0 : index
    %swap3A_152 = tpu.vector_load %arg13[%swap3A_150, %swap3A_151] {strides = array<i32>} : memref<8x16xf32, #tpu.memory_space<vmem>>, vector<1x16xf32>,
    %swap3A_153 = vector.shape_cast %swap3A_152 : vector<1x16xf32> to vector<16xf32>
    %swap3A_154 = vector.shape_cast %broadcast_in_dim3A_148 : vector<16xf32> to vector<1x16xf32>
    tpu.vector_store %arg13[%swap3A_150, %swap3A_151], %swap3A_154 {strides = array<i32>} : memref<8x16xf32, #tpu.memory_space<vmem>>, vector<1x16xf32>,
    %broadcast_in_dim3A_155 = arith.constant 0.000000e+00 : f32
    %broadcast_in_dim3A_156 = vector.broadcast %broadcast_in_dim3A_155 : f32 to vector<16xf32>
    %swap3A_157 = arith.constant 4 : i32
    %swap3A_158 = arith.index_cast %swap3A_157 : i32 to index
    %swap3A_159 = arith.constant 0 : index
    %swap3A_160 = tpu.vector_load %arg14[%swap3A_158, %swap3A_159] {strides = array<i32>} : memref<8x16xf32, #tpu.memory_space<vmem>>, vector<1x16xf32>,
    %swap3A_161 = vector.shape_cast %swap3A_160 : vector<1x16xf32> to vector<16xf32>
    %swap3A_162 = vector.shape_cast %broadcast_in_dim3A_156 : vector<16xf32> to vector<1x16xf32>
    tpu.vector_store %arg14[%swap3A_158, %swap3A_159], %swap3A_162 {strides = array<i32>} : memref<8x16xf32, #tpu.memory_space<vmem>>, vector<1x16xf32>,
    %broadcast_in_dim3A_163 = arith.constant -3.000000e+38 : f32
    %broadcast_in_dim3A_164 = vector.broadcast %broadcast_in_dim3A_163 : f32 to vector<16xf32>
    %swap3A_165 = arith.constant 5 : i32
    %swap3A_166 = arith.index_cast %swap3A_165 : i32 to index
    %swap3A_167 = arith.constant 0 : index
    %swap3A_168 = tpu.vector_load %arg11[%swap3A_166, %swap3A_167] {strides = array<i32>} : memref<8x16xf32, #tpu.memory_space<vmem>>, vector<1x16xf32>,
    %swap3A_169 = vector.shape_cast %swap3A_168 : vector<1x16xf32> to vector<16xf32>
    %swap3A_170 = vector.shape_cast %broadcast_in_dim3A_164 : vector<16xf32> to vector<1x16xf32>
    tpu.vector_store %arg11[%swap3A_166, %swap3A_167], %swap3A_170 {strides = array<i32>} : memref<8x16xf32, #tpu.memory_space<vmem>>, vector<1x16xf32>,
    %broadcast_in_dim3A_171 = arith.constant 0.000000e+00 : f32
    %broadcast_in_dim3A_172 = vector.broadcast %broadcast_in_dim3A_171 : f32 to vector<16xf32>
    %swap3A_173 = arith.constant 5 : i32
    %swap3A_174 = arith.index_cast %swap3A_173 : i32 to index
    %swap3A_175 = arith.constant 0 : index
    %swap3A_176 = tpu.vector_load %arg12[%swap3A_174, %swap3A_175] {strides = array<i32>} : memref<8x16xf32, #tpu.memory_space<vmem>>, vector<1x16xf32>,
    %swap3A_177 = vector.shape_cast %swap3A_176 : vector<1x16xf32> to vector<16xf32>
    %swap3A_178 = vector.shape_cast %broadcast_in_dim3A_172 : vector<16xf32> to vector<1x16xf32>
    tpu.vector_store %arg12[%swap3A_174, %swap3A_175], %swap3A_178 {strides = array<i32>} : memref<8x16xf32, #tpu.memory_space<vmem>>, vector<1x16xf32>,
    %broadcast_in_dim3A_179 = arith.constant 0.000000e+00 : f32
    %broadcast_in_dim3A_180 = vector.broadcast %broadcast_in_dim3A_179 : f32 to vector<16xf32>
    %swap3A_181 = arith.constant 5 : i32
    %swap3A_182 = arith.index_cast %swap3A_181 : i32 to index
    %swap3A_183 = arith.constant 0 : index
    %swap3A_184 = tpu.vector_load %arg13[%swap3A_182, %swap3A_183] {strides = array<i32>} : memref<8x16xf32, #tpu.memory_space<vmem>>, vector<1x16xf32>,
    %swap3A_185 = vector.shape_cast %swap3A_184 : vector<1x16xf32> to vector<16xf32>
    %swap3A_186 = vector.shape_cast %broadcast_in_dim3A_180 : vector<16xf32> to vector<1x16xf32>
    tpu.vector_store %arg13[%swap3A_182, %swap3A_183], %swap3A_186 {strides = array<i32>} : memref<8x16xf32, #tpu.memory_space<vmem>>, vector<1x16xf32>,
    %broadcast_in_dim3A_187 = arith.constant 0.000000e+00 : f32
    %broadcast_in_dim3A_188 = vector.broadcast %broadcast_in_dim3A_187 : f32 to vector<16xf32>
    %swap3A_189 = arith.constant 5 : i32
    %swap3A_190 = arith.index_cast %swap3A_189 : i32 to index
    %swap3A_191 = arith.constant 0 : index
    %swap3A_192 = tpu.vector_load %arg14[%swap3A_190, %swap3A_191] {strides = array<i32>} : memref<8x16xf32, #tpu.memory_space<vmem>>, vector<1x16xf32>,
    %swap3A_193 = vector.shape_cast %swap3A_192 : vector<1x16xf32> to vector<16xf32>
    %swap3A_194 = vector.shape_cast %broadcast_in_dim3A_188 : vector<16xf32> to vector<1x16xf32>
    tpu.vector_store %arg14[%swap3A_190, %swap3A_191], %swap3A_194 {strides = array<i32>} : memref<8x16xf32, #tpu.memory_space<vmem>>, vector<1x16xf32>,
    %broadcast_in_dim3A_195 = arith.constant -3.000000e+38 : f32
    %broadcast_in_dim3A_196 = vector.broadcast %broadcast_in_dim3A_195 : f32 to vector<16xf32>
    %swap3A_197 = arith.constant 6 : i32
    %swap3A_198 = arith.index_cast %swap3A_197 : i32 to index
    %swap3A_199 = arith.constant 0 : index
    %swap3A_200 = tpu.vector_load %arg11[%swap3A_198, %swap3A_199] {strides = array<i32>} : memref<8x16xf32, #tpu.memory_space<vmem>>, vector<1x16xf32>,
    %swap3A_201 = vector.shape_cast %swap3A_200 : vector<1x16xf32> to vector<16xf32>
    %swap3A_202 = vector.shape_cast %broadcast_in_dim3A_196 : vector<16xf32> to vector<1x16xf32>
    tpu.vector_store %arg11[%swap3A_198, %swap3A_199], %swap3A_202 {strides = array<i32>} : memref<8x16xf32, #tpu.memory_space<vmem>>, vector<1x16xf32>,
    %broadcast_in_dim3A_203 = arith.constant 0.000000e+00 : f32
    %broadcast_in_dim3A_204 = vector.broadcast %broadcast_in_dim3A_203 : f32 to vector<16xf32>
    %swap3A_205 = arith.constant 6 : i32
    %swap3A_206 = arith.index_cast %swap3A_205 : i32 to index
    %swap3A_207 = arith.constant 0 : index
    %swap3A_208 = tpu.vector_load %arg12[%swap3A_206, %swap3A_207] {strides = array<i32>} : memref<8x16xf32, #tpu.memory_space<vmem>>, vector<1x16xf32>,
    %swap3A_209 = vector.shape_cast %swap3A_208 : vector<1x16xf32> to vector<16xf32>
    %swap3A_210 = vector.shape_cast %broadcast_in_dim3A_204 : vector<16xf32> to vector<1x16xf32>
    tpu.vector_store %arg12[%swap3A_206, %swap3A_207], %swap3A_210 {strides = array<i32>} : memref<8x16xf32, #tpu.memory_space<vmem>>, vector<1x16xf32>,
    %broadcast_in_dim3A_211 = arith.constant 0.000000e+00 : f32
    %broadcast_in_dim3A_212 = vector.broadcast %broadcast_in_dim3A_211 : f32 to vector<16xf32>
    %swap3A_213 = arith.constant 6 : i32
    %swap3A_214 = arith.index_cast %swap3A_213 : i32 to index
    %swap3A_215 = arith.constant 0 : index
    %swap3A_216 = tpu.vector_load %arg13[%swap3A_214, %swap3A_215] {strides = array<i32>} : memref<8x16xf32, #tpu.memory_space<vmem>>, vector<1x16xf32>,
    %swap3A_217 = vector.shape_cast %swap3A_216 : vector<1x16xf32> to vector<16xf32>
    %swap3A_218 = vector.shape_cast %broadcast_in_dim3A_212 : vector<16xf32> to vector<1x16xf32>
    tpu.vector_store %arg13[%swap3A_214, %swap3A_215], %swap3A_218 {strides = array<i32>} : memref<8x16xf32, #tpu.memory_space<vmem>>, vector<1x16xf32>,
    %broadcast_in_dim3A_219 = arith.constant 0.000000e+00 : f32
    %broadcast_in_dim3A_220 = vector.broadcast %broadcast_in_dim3A_219 : f32 to vector<16xf32>
    %swap3A_221 = arith.constant 6 : i32
    %swap3A_222 = arith.index_cast %swap3A_221 : i32 to index
    %swap3A_223 = arith.constant 0 : index
    %swap3A_224 = tpu.vector_load %arg14[%swap3A_222, %swap3A_223] {strides = array<i32>} : memref<8x16xf32, #tpu.memory_space<vmem>>, vector<1x16xf32>,
    %swap3A_225 = vector.shape_cast %swap3A_224 : vector<1x16xf32> to vector<16xf32>
    %swap3A_226 = vector.shape_cast %broadcast_in_dim3A_220 : vector<16xf32> to vector<1x16xf32>
    tpu.vector_store %arg14[%swap3A_222, %swap3A_223], %swap3A_226 {strides = array<i32>} : memref<8x16xf32, #tpu.memory_space<vmem>>, vector<1x16xf32>,
    %broadcast_in_dim3A_227 = arith.constant -3.000000e+38 : f32
    %broadcast_in_dim3A_228 = vector.broadcast %broadcast_in_dim3A_227 : f32 to vector<16xf32>
    %swap3A_229 = arith.constant 7 : i32
    %swap3A_230 = arith.index_cast %swap3A_229 : i32 to index
    %swap3A_231 = arith.constant 0 : index
    %swap3A_232 = tpu.vector_load %arg11[%swap3A_230, %swap3A_231] {strides = array<i32>} : memref<8x16xf32, #tpu.memory_space<vmem>>, vector<1x16xf32>,
    %swap3A_233 = vector.shape_cast %swap3A_232 : vector<1x16xf32> to vector<16xf32>
    %swap3A_234 = vector.shape_cast %broadcast_in_dim3A_228 : vector<16xf32> to vector<1x16xf32>
    tpu.vector_store %arg11[%swap3A_230, %swap3A_231], %swap3A_234 {strides = array<i32>} : memref<8x16xf32, #tpu.memory_space<vmem>>, vector<1x16xf32>,
    %broadcast_in_dim3A_235 = arith.constant 0.000000e+00 : f32
    %broadcast_in_dim3A_236 = vector.broadcast %broadcast_in_dim3A_235 : f32 to vector<16xf32>
    %swap3A_237 = arith.constant 7 : i32
    %swap3A_238 = arith.index_cast %swap3A_237 : i32 to index
    %swap3A_239 = arith.constant 0 : index
    %swap3A_240 = tpu.vector_load %arg12[%swap3A_238, %swap3A_239] {strides = array<i32>} : memref<8x16xf32, #tpu.memory_space<vmem>>, vector<1x16xf32>,
    %swap3A_241 = vector.shape_cast %swap3A_240 : vector<1x16xf32> to vector<16xf32>
    %swap3A_242 = vector.shape_cast %broadcast_in_dim3A_236 : vector<16xf32> to vector<1x16xf32>
    tpu.vector_store %arg12[%swap3A_238, %swap3A_239], %swap3A_242 {strides = array<i32>} : memref<8x16xf32, #tpu.memory_space<vmem>>, vector<1x16xf32>,
    %broadcast_in_dim3A_243 = arith.constant 0.000000e+00 : f32
    %broadcast_in_dim3A_244 = vector.broadcast %broadcast_in_dim3A_243 : f32 to vector<16xf32>
    %swap3A_245 = arith.constant 7 : i32
    %swap3A_246 = arith.index_cast %swap3A_245 : i32 to index
    %swap3A_247 = arith.constant 0 : index
    %swap3A_248 = tpu.vector_load %arg13[%swap3A_246, %swap3A_247] {strides = array<i32>} : memref<8x16xf32, #tpu.memory_space<vmem>>, vector<1x16xf32>,
    %swap3A_249 = vector.shape_cast %swap3A_248 : vector<1x16xf32> to vector<16xf32>
    %swap3A_250 = vector.shape_cast %broadcast_in_dim3A_244 : vector<16xf32> to vector<1x16xf32>
    tpu.vector_store %arg13[%swap3A_246, %swap3A_247], %swap3A_250 {strides = array<i32>} : memref<8x16xf32, #tpu.memory_space<vmem>>, vector<1x16xf32>,
    %broadcast_in_dim3A_251 = arith.constant 0.000000e+00 : f32
    %broadcast_in_dim3A_252 = vector.broadcast %broadcast_in_dim3A_251 : f32 to vector<16xf32>
    %swap3A_253 = arith.constant 7 : i32
    %swap3A_254 = arith.index_cast %swap3A_253 : i32 to index
    %swap3A_255 = arith.constant 0 : index
    %swap3A_256 = tpu.vector_load %arg14[%swap3A_254, %swap3A_255] {strides = array<i32>} : memref<8x16xf32, #tpu.memory_space<vmem>>, vector<1x16xf32>,
    %swap3A_257 = vector.shape_cast %swap3A_256 : vector<1x16xf32> to vector<16xf32>
    %swap3A_258 = vector.shape_cast %broadcast_in_dim3A_252 : vector<16xf32> to vector<1x16xf32>
    tpu.vector_store %arg14[%swap3A_254, %swap3A_255], %swap3A_258 {strides = array<i32>} : memref<8x16xf32, #tpu.memory_space<vmem>>, vector<1x16xf32>,
    %scan3A = arith.constant 0 : i32
    %scan3A_259 = arith.constant 0 : i32
    %scan3A_260 = arith.constant 71 : i32
    %scan3A_261 = arith.addi %scan3A_259, %scan3A_260 : i32
    %scan3A_262 = arith.constant 1 : i32
    %scan3A_263 = scf.for %scan3A_791 = %scan3A_259 to %scan3A_261 step %scan3A_262 iter_args(%scan3A_792 = %scan3A) -> (i32)  : i32 {
      %mul3A_793 = arith.constant 1408 : i32
      %mul3A_794 = arith.muli %scan3A_791, %mul3A_793 : i32
      "tpu.region"() ({
        %run_scoped3A = tpu.sem_alloc : memref<!tpu.dma_semaphore, #tpu.memory_space<semaphore_mem>>
        %dma_start3A = tpu.memref_slice %arg2[%mul3A_2, %mul3A_794] : memref<1024x100000xf32, #tpu.memory_space<hbm>> -> memref<8x1408xf32, #tpu.memory_space<hbm>>
        %dma_start3A_1332 = tpu.memref_slice %arg2[%mul3A_2, %mul3A_794] : memref<1024x100000xf32, #tpu.memory_space<hbm>> -> memref<8x1408xf32, #tpu.memory_space<hbm>>
        tpu.enqueue_dma source(%dma_start3A_1332 : memref<8x1408xf32, #tpu.memory_space<hbm>>) target(%arg8 : memref<8x1408xf32, #tpu.memory_space<vmem>>) target_semaphore(%run_scoped3A : memref<!tpu.dma_semaphore, #tpu.memory_space<semaphore_mem>>)
        %dma_wait3A = tpu.memref_slice %arg2[%mul3A_2, %mul3A_794] : memref<1024x100000xf32, #tpu.memory_space<hbm>> -> memref<8x1408xf32, #tpu.memory_space<hbm>>
        %dma_wait3A_1333 = tpu.memref_slice %arg2[%mul3A_2, %mul3A_794] : memref<1024x100000xf32, #tpu.memory_space<hbm>> -> memref<8x1408xf32, #tpu.memory_space<hbm>>
        tpu.wait_dma2 semaphore(%run_scoped3A : memref<!tpu.dma_semaphore, #tpu.memory_space<semaphore_mem>>) src(%dma_wait3A_1333 : memref<8x1408xf32, #tpu.memory_space<hbm>>) dst(%arg8 : memref<8x1408xf32, #tpu.memory_space<vmem>>)
        tpu.yield
      }) : () -> ()
      %broadcast_in_dim3A_795 = arith.constant -3.000000e+38 : f32
      %broadcast_in_dim3A_796 = vector.broadcast %broadcast_in_dim3A_795 : f32 to vector<16xf32>
      %broadcast_in_dim3A_797 = arith.constant 0.000000e+00 : f32
      %broadcast_in_dim3A_798 = vector.broadcast %broadcast_in_dim3A_797 : f32 to vector<16xf32>
      %scan3A_799 = arith.constant 0 : i32
      %scan3A_800 = arith.constant 88 : i32
      %scan3A_801 = arith.addi %scan3A_799, %scan3A_800 : i32
      %scan3A_802 = arith.constant 1 : i32
      %scan3A_803:2 = scf.for %scan3A_1332 = %scan3A_799 to %scan3A_801 step %scan3A_802 iter_args(%scan3A_1333 = %broadcast_in_dim3A_796, %scan3A_1334 = %broadcast_in_dim3A_798) -> (vector<16xf32>, vector<16xf32>)  : i32 {
        %mul3A_1335 = arith.constant 16 : i32
        %mul3A_1336 = arith.muli %scan3A_1332, %mul3A_1335 : i32
        %get3A_1337 = arith.constant 0 : i32
        %get3A_1338 = arith.index_cast %get3A_1337 : i32 to index
        %get3A_1339 = arith.index_cast %mul3A_1336 : i32 to index
        %get3A_1340 = tpu.vector_load %arg8[%get3A_1338, %get3A_1339] {strides = array<i32>} : memref<8x1408xf32, #tpu.memory_space<vmem>>, vector<1x16xf32>,
        %get3A_1341 = vector.shape_cast %get3A_1340 : vector<1x16xf32> to vector<16xf32>
        %max3A_1342 = arith.maximumf %scan3A_1333, %get3A_1341 : vector<16xf32>
        %add3A_1343 = arith.addf %scan3A_1334, %get3A_1341 : vector<16xf32>
        scf.yield %max3A_1342, %add3A_1343 : vector<16xf32>, vector<16xf32>
      }
      %scan3A_804 = arith.constant 88 : i32
      %get3A_805 = arith.constant 0 : i32
      %get3A_806 = arith.index_cast %get3A_805 : i32 to index
      %get3A_807 = arith.constant 0 : index
      %get3A_808 = tpu.vector_load %arg11[%get3A_806, %get3A_807] {strides = array<i32>} : memref<8x16xf32, #tpu.memory_space<vmem>>, vector<1x16xf32>,
      %get3A_809 = vector.shape_cast %get3A_808 : vector<1x16xf32> to vector<16xf32>
      %max3A_810 = arith.maximumf %get3A_809, %scan3A_803#0 : vector<16xf32>
      %sub3A_811 = arith.subf %get3A_809, %max3A_810 : vector<16xf32>
      %exp3A_812 = math.exp %sub3A_811 : vector<16xf32>
      %swap3A_813 = arith.constant 0 : i32
      %swap3A_814 = arith.index_cast %swap3A_813 : i32 to index
      %swap3A_815 = arith.constant 0 : index
      %swap3A_816 = tpu.vector_load %arg11[%swap3A_814, %swap3A_815] {strides = array<i32>} : memref<8x16xf32, #tpu.memory_space<vmem>>, vector<1x16xf32>,
      %swap3A_817 = vector.shape_cast %swap3A_816 : vector<1x16xf32> to vector<16xf32>
      %swap3A_818 = vector.shape_cast %max3A_810 : vector<16xf32> to vector<1x16xf32>
      tpu.vector_store %arg11[%swap3A_814, %swap3A_815], %swap3A_818 {strides = array<i32>} : memref<8x16xf32, #tpu.memory_space<vmem>>, vector<1x16xf32>,
      %get3A_819 = arith.constant 0 : i32
      %get3A_820 = arith.index_cast %get3A_819 : i32 to index
      %get3A_821 = arith.constant 0 : index
      %get3A_822 = tpu.vector_load %arg13[%get3A_820, %get3A_821] {strides = array<i32>} : memref<8x16xf32, #tpu.memory_space<vmem>>, vector<1x16xf32>,
      %get3A_823 = vector.shape_cast %get3A_822 : vector<1x16xf32> to vector<16xf32>
      %add3A_824 = arith.addf %get3A_823, %scan3A_803#1 : vector<16xf32>
      %swap3A_825 = arith.constant 0 : i32
      %swap3A_826 = arith.index_cast %swap3A_825 : i32 to index
      %swap3A_827 = arith.constant 0 : index
      %swap3A_828 = tpu.vector_load %arg13[%swap3A_826, %swap3A_827] {strides = array<i32>} : memref<8x16xf32, #tpu.memory_space<vmem>>, vector<1x16xf32>,
      %swap3A_829 = vector.shape_cast %swap3A_828 : vector<1x16xf32> to vector<16xf32>
      %swap3A_830 = vector.shape_cast %add3A_824 : vector<16xf32> to vector<1x16xf32>
      tpu.vector_store %arg13[%swap3A_826, %swap3A_827], %swap3A_830 {strides = array<i32>} : memref<8x16xf32, #tpu.memory_space<vmem>>, vector<1x16xf32>,
      %broadcast_in_dim3A_831 = arith.constant 0.000000e+00 : f32
      %broadcast_in_dim3A_832 = vector.broadcast %broadcast_in_dim3A_831 : f32 to vector<16xf32>
      %scan3A_833 = arith.constant 0 : i32
      %scan3A_834 = arith.constant 88 : i32
      %scan3A_835 = arith.addi %scan3A_833, %scan3A_834 : i32
      %scan3A_836 = arith.constant 1 : i32
      %scan3A_837 = scf.for %scan3A_1332 = %scan3A_833 to %scan3A_835 step %scan3A_836 iter_args(%scan3A_1333 = %broadcast_in_dim3A_832) -> (vector<16xf32>)  : i32 {
        %mul3A_1334 = arith.constant 16 : i32
        %mul3A_1335 = arith.muli %scan3A_1332, %mul3A_1334 : i32
        %get3A_1336 = arith.constant 0 : i32
        %get3A_1337 = arith.index_cast %get3A_1336 : i32 to index
        %get3A_1338 = arith.index_cast %mul3A_1335 : i32 to index
        %get3A_1339 = tpu.vector_load %arg8[%get3A_1337, %get3A_1338] {strides = array<i32>} : memref<8x1408xf32, #tpu.memory_space<vmem>>, vector<1x16xf32>,
        %get3A_1340 = vector.shape_cast %get3A_1339 : vector<1x16xf32> to vector<16xf32>
        %sub3A_1341 = arith.subf %get3A_1340, %max3A_810 : vector<16xf32>
        %exp3A_1342 = math.exp %sub3A_1341 : vector<16xf32>
        %add3A_1343 = arith.addf %scan3A_1333, %exp3A_1342 : vector<16xf32>
        scf.yield %add3A_1343 : vector<16xf32>
      }
      %scan3A_838 = arith.constant 88 : i32
      %get3A_839 = arith.constant 0 : i32
      %get3A_840 = arith.index_cast %get3A_839 : i32 to index
      %get3A_841 = arith.constant 0 : index
      %get3A_842 = tpu.vector_load %arg12[%get3A_840, %get3A_841] {strides = array<i32>} : memref<8x16xf32, #tpu.memory_space<vmem>>, vector<1x16xf32>,
      %get3A_843 = vector.shape_cast %get3A_842 : vector<1x16xf32> to vector<16xf32>
      %mul3A_844 = arith.mulf %get3A_843, %exp3A_812 : vector<16xf32>
      %add3A_845 = arith.addf %mul3A_844, %scan3A_837 : vector<16xf32>
      %swap3A_846 = arith.constant 0 : i32
      %swap3A_847 = arith.index_cast %swap3A_846 : i32 to index
      %swap3A_848 = arith.constant 0 : index
      %swap3A_849 = tpu.vector_load %arg12[%swap3A_847, %swap3A_848] {strides = array<i32>} : memref<8x16xf32, #tpu.memory_space<vmem>>, vector<1x16xf32>,
      %swap3A_850 = vector.shape_cast %swap3A_849 : vector<1x16xf32> to vector<16xf32>
      %swap3A_851 = vector.shape_cast %add3A_845 : vector<16xf32> to vector<1x16xf32>
      tpu.vector_store %arg12[%swap3A_847, %swap3A_848], %swap3A_851 {strides = array<i32>} : memref<8x16xf32, #tpu.memory_space<vmem>>, vector<1x16xf32>,
      %slice3A_852 = vector.extract_strided_slice %get3A_4 {offsets = [0], sizes = [1], strides = [1]} : vector<16xi32> to vector<1xi32>
      %squeeze3A_853 = vector.extract %slice3A_852[0] : i32 from vector<1xi32>
      %ge3A_854 = arith.cmpi sge, %squeeze3A_853, %mul3A_794 : i32
      %add3A_855 = arith.constant 1408 : i32
      %add3A_856 = arith.addi %mul3A_794, %add3A_855 : i32
      %lt3A_857 = arith.cmpi slt, %squeeze3A_853, %add3A_856 : i32
      %and3A_858 = arith.andi %ge3A_854, %lt3A_857 : i1
      %convert_element_type3A_859 = arith.extui %and3A_858 : i1 to i32
      %cond3A_860 = arith.constant 0 : i32
      %cond3A_861 = arith.cmpi ne, %convert_element_type3A_859, %cond3A_860 : i32
      scf.if %cond3A_861 {
        %sub3A_1332 = arith.subi %squeeze3A_853, %mul3A_794 : i32
        %broadcast_in_dim3A_1333 = vector.broadcast %sub3A_1332 : i32 to vector<16xi32>
        %get3A_1334 = arith.constant 0 : i32
        %get3A_1335 = arith.index_cast %get3A_1334 : i32 to index
        %get3A_1336 = arith.constant 0 : index
        %get3A_1337 = tpu.vector_load %arg14[%get3A_1335, %get3A_1336] {strides = array<i32>} : memref<8x16xf32, #tpu.memory_space<vmem>>, vector<1x16xf32>,
        %get3A_1338 = vector.shape_cast %get3A_1337 : vector<1x16xf32> to vector<16xf32>
        %broadcast_in_dim3A_1339 = arith.constant 0.000000e+00 : f32
        %broadcast_in_dim3A_1340 = vector.broadcast %broadcast_in_dim3A_1339 : f32 to vector<16xf32>
        %scan3A_1341 = arith.constant 0 : i32
        %scan3A_1342 = arith.constant 88 : i32
        %scan3A_1343 = arith.addi %scan3A_1341, %scan3A_1342 : i32
        %scan3A_1344 = arith.constant 1 : i32
        %scan3A_1345 = scf.for %scan3A_1354 = %scan3A_1341 to %scan3A_1343 step %scan3A_1344 iter_args(%scan3A_1355 = %broadcast_in_dim3A_1340) -> (vector<16xf32>)  : i32 {
          %mul3A_1356 = arith.constant 16 : i32
          %mul3A_1357 = arith.muli %scan3A_1354, %mul3A_1356 : i32
          %get3A_1358 = arith.constant 0 : i32
          %get3A_1359 = arith.index_cast %get3A_1358 : i32 to index
          %get3A_1360 = arith.index_cast %mul3A_1357 : i32 to index
          %get3A_1361 = tpu.vector_load %arg8[%get3A_1359, %get3A_1360] {strides = array<i32>} : memref<8x1408xf32, #tpu.memory_space<vmem>>, vector<1x16xf32>,
          %get3A_1362 = vector.shape_cast %get3A_1361 : vector<1x16xf32> to vector<16xf32>
          %mul3A_1363 = arith.constant 16 : i32
          %mul3A_1364 = arith.muli %scan3A_1354, %mul3A_1363 : i32
          %add3A_1365 = vector.broadcast %mul3A_1364 : i32 to vector<16xi32>
          %add3A_1366 = arith.addi %iota3A, %add3A_1365 : vector<16xi32>
          %eq3A = arith.cmpi eq, %add3A_1366, %broadcast_in_dim3A_1333 : vector<16xi32>
          %jit3A = arith.constant 0.000000e+00 : f32
          %broadcast_in_dim3A_1367 = vector.broadcast %jit3A : f32 to vector<16xf32>
          %select_n3A = arith.select %eq3A, %get3A_1362, %broadcast_in_dim3A_1367 : vector<16xi1>, vector<16xf32>
          %add3A_1368 = arith.addf %scan3A_1355, %select_n3A : vector<16xf32>
          scf.yield %add3A_1368 : vector<16xf32>
        }
        %scan3A_1346 = arith.constant 88 : i32
        %add3A_1347 = arith.addf %get3A_1338, %scan3A_1345 : vector<16xf32>
        %swap3A_1348 = arith.constant 0 : i32
        %swap3A_1349 = arith.index_cast %swap3A_1348 : i32 to index
        %swap3A_1350 = arith.constant 0 : index
        %swap3A_1351 = tpu.vector_load %arg14[%swap3A_1349, %swap3A_1350] {strides = array<i32>} : memref<8x16xf32, #tpu.memory_space<vmem>>, vector<1x16xf32>,
        %swap3A_1352 = vector.shape_cast %swap3A_1351 : vector<1x16xf32> to vector<16xf32>
        %swap3A_1353 = vector.shape_cast %add3A_1347 : vector<16xf32> to vector<1x16xf32>
        tpu.vector_store %arg14[%swap3A_1349, %swap3A_1350], %swap3A_1353 {strides = array<i32>} : memref<8x16xf32, #tpu.memory_space<vmem>>, vector<1x16xf32>,
      } else {
      }
      %broadcast_in_dim3A_862 = arith.constant -3.000000e+38 : f32
      %broadcast_in_dim3A_863 = vector.broadcast %broadcast_in_dim3A_862 : f32 to vector<16xf32>
      %broadcast_in_dim3A_864 = arith.constant 0.000000e+00 : f32
      %broadcast_in_dim3A_865 = vector.broadcast %broadcast_in_dim3A_864 : f32 to vector<16xf32>
      %scan3A_866 = arith.constant 0 : i32
      %scan3A_867 = arith.constant 88 : i32
      %scan3A_868 = arith.addi %scan3A_866, %scan3A_867 : i32
      %scan3A_869 = arith.constant 1 : i32
      %scan3A_870:2 = scf.for %scan3A_1332 = %scan3A_866 to %scan3A_868 step %scan3A_869 iter_args(%scan3A_1333 = %broadcast_in_dim3A_863, %scan3A_1334 = %broadcast_in_dim3A_865) -> (vector<16xf32>, vector<16xf32>)  : i32 {
        %mul3A_1335 = arith.constant 16 : i32
        %mul3A_1336 = arith.muli %scan3A_1332, %mul3A_1335 : i32
        %get3A_1337 = arith.constant 1 : i32
        %get3A_1338 = arith.index_cast %get3A_1337 : i32 to index
        %get3A_1339 = arith.index_cast %mul3A_1336 : i32 to index
        %get3A_1340 = tpu.vector_load %arg8[%get3A_1338, %get3A_1339] {strides = array<i32>} : memref<8x1408xf32, #tpu.memory_space<vmem>>, vector<1x16xf32>,
        %get3A_1341 = vector.shape_cast %get3A_1340 : vector<1x16xf32> to vector<16xf32>
        %max3A_1342 = arith.maximumf %scan3A_1333, %get3A_1341 : vector<16xf32>
        %add3A_1343 = arith.addf %scan3A_1334, %get3A_1341 : vector<16xf32>
        scf.yield %max3A_1342, %add3A_1343 : vector<16xf32>, vector<16xf32>
      }
      %scan3A_871 = arith.constant 88 : i32
      %get3A_872 = arith.constant 1 : i32
      %get3A_873 = arith.index_cast %get3A_872 : i32 to index
      %get3A_874 = arith.constant 0 : index
      %get3A_875 = tpu.vector_load %arg11[%get3A_873, %get3A_874] {strides = array<i32>} : memref<8x16xf32, #tpu.memory_space<vmem>>, vector<1x16xf32>,
      %get3A_876 = vector.shape_cast %get3A_875 : vector<1x16xf32> to vector<16xf32>
      %max3A_877 = arith.maximumf %get3A_876, %scan3A_870#0 : vector<16xf32>
      %sub3A_878 = arith.subf %get3A_876, %max3A_877 : vector<16xf32>
      %exp3A_879 = math.exp %sub3A_878 : vector<16xf32>
      %swap3A_880 = arith.constant 1 : i32
      %swap3A_881 = arith.index_cast %swap3A_880 : i32 to index
      %swap3A_882 = arith.constant 0 : index
      %swap3A_883 = tpu.vector_load %arg11[%swap3A_881, %swap3A_882] {strides = array<i32>} : memref<8x16xf32, #tpu.memory_space<vmem>>, vector<1x16xf32>,
      %swap3A_884 = vector.shape_cast %swap3A_883 : vector<1x16xf32> to vector<16xf32>
      %swap3A_885 = vector.shape_cast %max3A_877 : vector<16xf32> to vector<1x16xf32>
      tpu.vector_store %arg11[%swap3A_881, %swap3A_882], %swap3A_885 {strides = array<i32>} : memref<8x16xf32, #tpu.memory_space<vmem>>, vector<1x16xf32>,
      %get3A_886 = arith.constant 1 : i32
      %get3A_887 = arith.index_cast %get3A_886 : i32 to index
      %get3A_888 = arith.constant 0 : index
      %get3A_889 = tpu.vector_load %arg13[%get3A_887, %get3A_888] {strides = array<i32>} : memref<8x16xf32, #tpu.memory_space<vmem>>, vector<1x16xf32>,
      %get3A_890 = vector.shape_cast %get3A_889 : vector<1x16xf32> to vector<16xf32>
      %add3A_891 = arith.addf %get3A_890, %scan3A_870#1 : vector<16xf32>
      %swap3A_892 = arith.constant 1 : i32
      %swap3A_893 = arith.index_cast %swap3A_892 : i32 to index
      %swap3A_894 = arith.constant 0 : index
      %swap3A_895 = tpu.vector_load %arg13[%swap3A_893, %swap3A_894] {strides = array<i32>} : memref<8x16xf32, #tpu.memory_space<vmem>>, vector<1x16xf32>,
      %swap3A_896 = vector.shape_cast %swap3A_895 : vector<1x16xf32> to vector<16xf32>
      %swap3A_897 = vector.shape_cast %add3A_891 : vector<16xf32> to vector<1x16xf32>
      tpu.vector_store %arg13[%swap3A_893, %swap3A_894], %swap3A_897 {strides = array<i32>} : memref<8x16xf32, #tpu.memory_space<vmem>>, vector<1x16xf32>,
      %broadcast_in_dim3A_898 = arith.constant 0.000000e+00 : f32
      %broadcast_in_dim3A_899 = vector.broadcast %broadcast_in_dim3A_898 : f32 to vector<16xf32>
      %scan3A_900 = arith.constant 0 : i32
      %scan3A_901 = arith.constant 88 : i32
      %scan3A_902 = arith.addi %scan3A_900, %scan3A_901 : i32
      %scan3A_903 = arith.constant 1 : i32
      %scan3A_904 = scf.for %scan3A_1332 = %scan3A_900 to %scan3A_902 step %scan3A_903 iter_args(%scan3A_1333 = %broadcast_in_dim3A_899) -> (vector<16xf32>)  : i32 {
        %mul3A_1334 = arith.constant 16 : i32
        %mul3A_1335 = arith.muli %scan3A_1332, %mul3A_1334 : i32
        %get3A_1336 = arith.constant 1 : i32
        %get3A_1337 = arith.index_cast %get3A_1336 : i32 to index
        %get3A_1338 = arith.index_cast %mul3A_1335 : i32 to index
        %get3A_1339 = tpu.vector_load %arg8[%get3A_1337, %get3A_1338] {strides = array<i32>} : memref<8x1408xf32, #tpu.memory_space<vmem>>, vector<1x16xf32>,
        %get3A_1340 = vector.shape_cast %get3A_1339 : vector<1x16xf32> to vector<16xf32>
        %sub3A_1341 = arith.subf %get3A_1340, %max3A_877 : vector<16xf32>
        %exp3A_1342 = math.exp %sub3A_1341 : vector<16xf32>
        %add3A_1343 = arith.addf %scan3A_1333, %exp3A_1342 : vector<16xf32>
        scf.yield %add3A_1343 : vector<16xf32>
      }
      %scan3A_905 = arith.constant 88 : i32
      %get3A_906 = arith.constant 1 : i32
      %get3A_907 = arith.index_cast %get3A_906 : i32 to index
      %get3A_908 = arith.constant 0 : index
      %get3A_909 = tpu.vector_load %arg12[%get3A_907, %get3A_908] {strides = array<i32>} : memref<8x16xf32, #tpu.memory_space<vmem>>, vector<1x16xf32>,
      %get3A_910 = vector.shape_cast %get3A_909 : vector<1x16xf32> to vector<16xf32>
      %mul3A_911 = arith.mulf %get3A_910, %exp3A_879 : vector<16xf32>
      %add3A_912 = arith.addf %mul3A_911, %scan3A_904 : vector<16xf32>
      %swap3A_913 = arith.constant 1 : i32
      %swap3A_914 = arith.index_cast %swap3A_913 : i32 to index
      %swap3A_915 = arith.constant 0 : index
      %swap3A_916 = tpu.vector_load %arg12[%swap3A_914, %swap3A_915] {strides = array<i32>} : memref<8x16xf32, #tpu.memory_space<vmem>>, vector<1x16xf32>,
      %swap3A_917 = vector.shape_cast %swap3A_916 : vector<1x16xf32> to vector<16xf32>
      %swap3A_918 = vector.shape_cast %add3A_912 : vector<16xf32> to vector<1x16xf32>
      tpu.vector_store %arg12[%swap3A_914, %swap3A_915], %swap3A_918 {strides = array<i32>} : memref<8x16xf32, #tpu.memory_space<vmem>>, vector<1x16xf32>,
      %slice3A_919 = vector.extract_strided_slice %get3A_4 {offsets = [1], sizes = [1], strides = [1]} : vector<16xi32> to vector<1xi32>
      %squeeze3A_920 = vector.extract %slice3A_919[0] : i32 from vector<1xi32>
      %ge3A_921 = arith.cmpi sge, %squeeze3A_920, %mul3A_794 : i32
      %add3A_922 = arith.constant 1408 : i32
      %add3A_923 = arith.addi %mul3A_794, %add3A_922 : i32
      %lt3A_924 = arith.cmpi slt, %squeeze3A_920, %add3A_923 : i32
      %and3A_925 = arith.andi %ge3A_921, %lt3A_924 : i1
      %convert_element_type3A_926 = arith.extui %and3A_925 : i1 to i32
      %cond3A_927 = arith.constant 0 : i32
      %cond3A_928 = arith.cmpi ne, %convert_element_type3A_926, %cond3A_927 : i32
      scf.if %cond3A_928 {
        %sub3A_1332 = arith.subi %squeeze3A_920, %mul3A_794 : i32
        %broadcast_in_dim3A_1333 = vector.broadcast %sub3A_1332 : i32 to vector<16xi32>
        %get3A_1334 = arith.constant 1 : i32
        %get3A_1335 = arith.index_cast %get3A_1334 : i32 to index
        %get3A_1336 = arith.constant 0 : index
        %get3A_1337 = tpu.vector_load %arg14[%get3A_1335, %get3A_1336] {strides = array<i32>} : memref<8x16xf32, #tpu.memory_space<vmem>>, vector<1x16xf32>,
        %get3A_1338 = vector.shape_cast %get3A_1337 : vector<1x16xf32> to vector<16xf32>
        %broadcast_in_dim3A_1339 = arith.constant 0.000000e+00 : f32
        %broadcast_in_dim3A_1340 = vector.broadcast %broadcast_in_dim3A_1339 : f32 to vector<16xf32>
        %scan3A_1341 = arith.constant 0 : i32
        %scan3A_1342 = arith.constant 88 : i32
        %scan3A_1343 = arith.addi %scan3A_1341, %scan3A_1342 : i32
        %scan3A_1344 = arith.constant 1 : i32
        %scan3A_1345 = scf.for %scan3A_1354 = %scan3A_1341 to %scan3A_1343 step %scan3A_1344 iter_args(%scan3A_1355 = %broadcast_in_dim3A_1340) -> (vector<16xf32>)  : i32 {
          %mul3A_1356 = arith.constant 16 : i32
          %mul3A_1357 = arith.muli %scan3A_1354, %mul3A_1356 : i32
          %get3A_1358 = arith.constant 1 : i32
          %get3A_1359 = arith.index_cast %get3A_1358 : i32 to index
          %get3A_1360 = arith.index_cast %mul3A_1357 : i32 to index
          %get3A_1361 = tpu.vector_load %arg8[%get3A_1359, %get3A_1360] {strides = array<i32>} : memref<8x1408xf32, #tpu.memory_space<vmem>>, vector<1x16xf32>,
          %get3A_1362 = vector.shape_cast %get3A_1361 : vector<1x16xf32> to vector<16xf32>
          %mul3A_1363 = arith.constant 16 : i32
          %mul3A_1364 = arith.muli %scan3A_1354, %mul3A_1363 : i32
          %add3A_1365 = vector.broadcast %mul3A_1364 : i32 to vector<16xi32>
          %add3A_1366 = arith.addi %iota3A, %add3A_1365 : vector<16xi32>
          %eq3A = arith.cmpi eq, %add3A_1366, %broadcast_in_dim3A_1333 : vector<16xi32>
          %jit3A = arith.constant 0.000000e+00 : f32
          %broadcast_in_dim3A_1367 = vector.broadcast %jit3A : f32 to vector<16xf32>
          %select_n3A = arith.select %eq3A, %get3A_1362, %broadcast_in_dim3A_1367 : vector<16xi1>, vector<16xf32>
          %add3A_1368 = arith.addf %scan3A_1355, %select_n3A : vector<16xf32>
          scf.yield %add3A_1368 : vector<16xf32>
        }
        %scan3A_1346 = arith.constant 88 : i32
        %add3A_1347 = arith.addf %get3A_1338, %scan3A_1345 : vector<16xf32>
        %swap3A_1348 = arith.constant 1 : i32
        %swap3A_1349 = arith.index_cast %swap3A_1348 : i32 to index
        %swap3A_1350 = arith.constant 0 : index
        %swap3A_1351 = tpu.vector_load %arg14[%swap3A_1349, %swap3A_1350] {strides = array<i32>} : memref<8x16xf32, #tpu.memory_space<vmem>>, vector<1x16xf32>,
        %swap3A_1352 = vector.shape_cast %swap3A_1351 : vector<1x16xf32> to vector<16xf32>
        %swap3A_1353 = vector.shape_cast %add3A_1347 : vector<16xf32> to vector<1x16xf32>
        tpu.vector_store %arg14[%swap3A_1349, %swap3A_1350], %swap3A_1353 {strides = array<i32>} : memref<8x16xf32, #tpu.memory_space<vmem>>, vector<1x16xf32>,
      } else {
      }
      %broadcast_in_dim3A_929 = arith.constant -3.000000e+38 : f32
      %broadcast_in_dim3A_930 = vector.broadcast %broadcast_in_dim3A_929 : f32 to vector<16xf32>
      %broadcast_in_dim3A_931 = arith.constant 0.000000e+00 : f32
      %broadcast_in_dim3A_932 = vector.broadcast %broadcast_in_dim3A_931 : f32 to vector<16xf32>
      %scan3A_933 = arith.constant 0 : i32
      %scan3A_934 = arith.constant 88 : i32
      %scan3A_935 = arith.addi %scan3A_933, %scan3A_934 : i32
      %scan3A_936 = arith.constant 1 : i32
      %scan3A_937:2 = scf.for %scan3A_1332 = %scan3A_933 to %scan3A_935 step %scan3A_936 iter_args(%scan3A_1333 = %broadcast_in_dim3A_930, %scan3A_1334 = %broadcast_in_dim3A_932) -> (vector<16xf32>, vector<16xf32>)  : i32 {
        %mul3A_1335 = arith.constant 16 : i32
        %mul3A_1336 = arith.muli %scan3A_1332, %mul3A_1335 : i32
        %get3A_1337 = arith.constant 2 : i32
        %get3A_1338 = arith.index_cast %get3A_1337 : i32 to index
        %get3A_1339 = arith.index_cast %mul3A_1336 : i32 to index
        %get3A_1340 = tpu.vector_load %arg8[%get3A_1338, %get3A_1339] {strides = array<i32>} : memref<8x1408xf32, #tpu.memory_space<vmem>>, vector<1x16xf32>,
        %get3A_1341 = vector.shape_cast %get3A_1340 : vector<1x16xf32> to vector<16xf32>
        %max3A_1342 = arith.maximumf %scan3A_1333, %get3A_1341 : vector<16xf32>
        %add3A_1343 = arith.addf %scan3A_1334, %get3A_1341 : vector<16xf32>
        scf.yield %max3A_1342, %add3A_1343 : vector<16xf32>, vector<16xf32>
      }
      %scan3A_938 = arith.constant 88 : i32
      %get3A_939 = arith.constant 2 : i32
      %get3A_940 = arith.index_cast %get3A_939 : i32 to index
      %get3A_941 = arith.constant 0 : index
      %get3A_942 = tpu.vector_load %arg11[%get3A_940, %get3A_941] {strides = array<i32>} : memref<8x16xf32, #tpu.memory_space<vmem>>, vector<1x16xf32>,
      %get3A_943 = vector.shape_cast %get3A_942 : vector<1x16xf32> to vector<16xf32>
      %max3A_944 = arith.maximumf %get3A_943, %scan3A_937#0 : vector<16xf32>
      %sub3A_945 = arith.subf %get3A_943, %max3A_944 : vector<16xf32>
      %exp3A_946 = math.exp %sub3A_945 : vector<16xf32>
      %swap3A_947 = arith.constant 2 : i32
      %swap3A_948 = arith.index_cast %swap3A_947 : i32 to index
      %swap3A_949 = arith.constant 0 : index
      %swap3A_950 = tpu.vector_load %arg11[%swap3A_948, %swap3A_949] {strides = array<i32>} : memref<8x16xf32, #tpu.memory_space<vmem>>, vector<1x16xf32>,
      %swap3A_951 = vector.shape_cast %swap3A_950 : vector<1x16xf32> to vector<16xf32>
      %swap3A_952 = vector.shape_cast %max3A_944 : vector<16xf32> to vector<1x16xf32>
      tpu.vector_store %arg11[%swap3A_948, %swap3A_949], %swap3A_952 {strides = array<i32>} : memref<8x16xf32, #tpu.memory_space<vmem>>, vector<1x16xf32>,
      %get3A_953 = arith.constant 2 : i32
      %get3A_954 = arith.index_cast %get3A_953 : i32 to index
      %get3A_955 = arith.constant 0 : index
      %get3A_956 = tpu.vector_load %arg13[%get3A_954, %get3A_955] {strides = array<i32>} : memref<8x16xf32, #tpu.memory_space<vmem>>, vector<1x16xf32>,
      %get3A_957 = vector.shape_cast %get3A_956 : vector<1x16xf32> to vector<16xf32>
      %add3A_958 = arith.addf %get3A_957, %scan3A_937#1 : vector<16xf32>
      %swap3A_959 = arith.constant 2 : i32
      %swap3A_960 = arith.index_cast %swap3A_959 : i32 to index
      %swap3A_961 = arith.constant 0 : index
      %swap3A_962 = tpu.vector_load %arg13[%swap3A_960, %swap3A_961] {strides = array<i32>} : memref<8x16xf32, #tpu.memory_space<vmem>>, vector<1x16xf32>,
      %swap3A_963 = vector.shape_cast %swap3A_962 : vector<1x16xf32> to vector<16xf32>
      %swap3A_964 = vector.shape_cast %add3A_958 : vector<16xf32> to vector<1x16xf32>
      tpu.vector_store %arg13[%swap3A_960, %swap3A_961], %swap3A_964 {strides = array<i32>} : memref<8x16xf32, #tpu.memory_space<vmem>>, vector<1x16xf32>,
      %broadcast_in_dim3A_965 = arith.constant 0.000000e+00 : f32
      %broadcast_in_dim3A_966 = vector.broadcast %broadcast_in_dim3A_965 : f32 to vector<16xf32>
      %scan3A_967 = arith.constant 0 : i32
      %scan3A_968 = arith.constant 88 : i32
      %scan3A_969 = arith.addi %scan3A_967, %scan3A_968 : i32
      %scan3A_970 = arith.constant 1 : i32
      %scan3A_971 = scf.for %scan3A_1332 = %scan3A_967 to %scan3A_969 step %scan3A_970 iter_args(%scan3A_1333 = %broadcast_in_dim3A_966) -> (vector<16xf32>)  : i32 {
        %mul3A_1334 = arith.constant 16 : i32
        %mul3A_1335 = arith.muli %scan3A_1332, %mul3A_1334 : i32
        %get3A_1336 = arith.constant 2 : i32
        %get3A_1337 = arith.index_cast %get3A_1336 : i32 to index
        %get3A_1338 = arith.index_cast %mul3A_1335 : i32 to index
        %get3A_1339 = tpu.vector_load %arg8[%get3A_1337, %get3A_1338] {strides = array<i32>} : memref<8x1408xf32, #tpu.memory_space<vmem>>, vector<1x16xf32>,
        %get3A_1340 = vector.shape_cast %get3A_1339 : vector<1x16xf32> to vector<16xf32>
        %sub3A_1341 = arith.subf %get3A_1340, %max3A_944 : vector<16xf32>
        %exp3A_1342 = math.exp %sub3A_1341 : vector<16xf32>
        %add3A_1343 = arith.addf %scan3A_1333, %exp3A_1342 : vector<16xf32>
        scf.yield %add3A_1343 : vector<16xf32>
      }
      %scan3A_972 = arith.constant 88 : i32
      %get3A_973 = arith.constant 2 : i32
      %get3A_974 = arith.index_cast %get3A_973 : i32 to index
      %get3A_975 = arith.constant 0 : index
      %get3A_976 = tpu.vector_load %arg12[%get3A_974, %get3A_975] {strides = array<i32>} : memref<8x16xf32, #tpu.memory_space<vmem>>, vector<1x16xf32>,
      %get3A_977 = vector.shape_cast %get3A_976 : vector<1x16xf32> to vector<16xf32>
      %mul3A_978 = arith.mulf %get3A_977, %exp3A_946 : vector<16xf32>
      %add3A_979 = arith.addf %mul3A_978, %scan3A_971 : vector<16xf32>
      %swap3A_980 = arith.constant 2 : i32
      %swap3A_981 = arith.index_cast %swap3A_980 : i32 to index
      %swap3A_982 = arith.constant 0 : index
      %swap3A_983 = tpu.vector_load %arg12[%swap3A_981, %swap3A_982] {strides = array<i32>} : memref<8x16xf32, #tpu.memory_space<vmem>>, vector<1x16xf32>,
      %swap3A_984 = vector.shape_cast %swap3A_983 : vector<1x16xf32> to vector<16xf32>
      %swap3A_985 = vector.shape_cast %add3A_979 : vector<16xf32> to vector<1x16xf32>
      tpu.vector_store %arg12[%swap3A_981, %swap3A_982], %swap3A_985 {strides = array<i32>} : memref<8x16xf32, #tpu.memory_space<vmem>>, vector<1x16xf32>,
      %slice3A_986 = vector.extract_strided_slice %get3A_4 {offsets = [2], sizes = [1], strides = [1]} : vector<16xi32> to vector<1xi32>
      %squeeze3A_987 = vector.extract %slice3A_986[0] : i32 from vector<1xi32>
      %ge3A_988 = arith.cmpi sge, %squeeze3A_987, %mul3A_794 : i32
      %add3A_989 = arith.constant 1408 : i32
      %add3A_990 = arith.addi %mul3A_794, %add3A_989 : i32
      %lt3A_991 = arith.cmpi slt, %squeeze3A_987, %add3A_990 : i32
      %and3A_992 = arith.andi %ge3A_988, %lt3A_991 : i1
      %convert_element_type3A_993 = arith.extui %and3A_992 : i1 to i32
      %cond3A_994 = arith.constant 0 : i32
      %cond3A_995 = arith.cmpi ne, %convert_element_type3A_993, %cond3A_994 : i32
      scf.if %cond3A_995 {
        %sub3A_1332 = arith.subi %squeeze3A_987, %mul3A_794 : i32
        %broadcast_in_dim3A_1333 = vector.broadcast %sub3A_1332 : i32 to vector<16xi32>
        %get3A_1334 = arith.constant 2 : i32
        %get3A_1335 = arith.index_cast %get3A_1334 : i32 to index
        %get3A_1336 = arith.constant 0 : index
        %get3A_1337 = tpu.vector_load %arg14[%get3A_1335, %get3A_1336] {strides = array<i32>} : memref<8x16xf32, #tpu.memory_space<vmem>>, vector<1x16xf32>,
        %get3A_1338 = vector.shape_cast %get3A_1337 : vector<1x16xf32> to vector<16xf32>
        %broadcast_in_dim3A_1339 = arith.constant 0.000000e+00 : f32
        %broadcast_in_dim3A_1340 = vector.broadcast %broadcast_in_dim3A_1339 : f32 to vector<16xf32>
        %scan3A_1341 = arith.constant 0 : i32
        %scan3A_1342 = arith.constant 88 : i32
        %scan3A_1343 = arith.addi %scan3A_1341, %scan3A_1342 : i32
        %scan3A_1344 = arith.constant 1 : i32
        %scan3A_1345 = scf.for %scan3A_1354 = %scan3A_1341 to %scan3A_1343 step %scan3A_1344 iter_args(%scan3A_1355 = %broadcast_in_dim3A_1340) -> (vector<16xf32>)  : i32 {
          %mul3A_1356 = arith.constant 16 : i32
          %mul3A_1357 = arith.muli %scan3A_1354, %mul3A_1356 : i32
          %get3A_1358 = arith.constant 2 : i32
          %get3A_1359 = arith.index_cast %get3A_1358 : i32 to index
          %get3A_1360 = arith.index_cast %mul3A_1357 : i32 to index
          %get3A_1361 = tpu.vector_load %arg8[%get3A_1359, %get3A_1360] {strides = array<i32>} : memref<8x1408xf32, #tpu.memory_space<vmem>>, vector<1x16xf32>,
          %get3A_1362 = vector.shape_cast %get3A_1361 : vector<1x16xf32> to vector<16xf32>
          %mul3A_1363 = arith.constant 16 : i32
          %mul3A_1364 = arith.muli %scan3A_1354, %mul3A_1363 : i32
          %add3A_1365 = vector.broadcast %mul3A_1364 : i32 to vector<16xi32>
          %add3A_1366 = arith.addi %iota3A, %add3A_1365 : vector<16xi32>
          %eq3A = arith.cmpi eq, %add3A_1366, %broadcast_in_dim3A_1333 : vector<16xi32>
          %jit3A = arith.constant 0.000000e+00 : f32
          %broadcast_in_dim3A_1367 = vector.broadcast %jit3A : f32 to vector<16xf32>
          %select_n3A = arith.select %eq3A, %get3A_1362, %broadcast_in_dim3A_1367 : vector<16xi1>, vector<16xf32>
          %add3A_1368 = arith.addf %scan3A_1355, %select_n3A : vector<16xf32>
          scf.yield %add3A_1368 : vector<16xf32>
        }
        %scan3A_1346 = arith.constant 88 : i32
        %add3A_1347 = arith.addf %get3A_1338, %scan3A_1345 : vector<16xf32>
        %swap3A_1348 = arith.constant 2 : i32
        %swap3A_1349 = arith.index_cast %swap3A_1348 : i32 to index
        %swap3A_1350 = arith.constant 0 : index
        %swap3A_1351 = tpu.vector_load %arg14[%swap3A_1349, %swap3A_1350] {strides = array<i32>} : memref<8x16xf32, #tpu.memory_space<vmem>>, vector<1x16xf32>,
        %swap3A_1352 = vector.shape_cast %swap3A_1351 : vector<1x16xf32> to vector<16xf32>
        %swap3A_1353 = vector.shape_cast %add3A_1347 : vector<16xf32> to vector<1x16xf32>
        tpu.vector_store %arg14[%swap3A_1349, %swap3A_1350], %swap3A_1353 {strides = array<i32>} : memref<8x16xf32, #tpu.memory_space<vmem>>, vector<1x16xf32>,
      } else {
      }
      %broadcast_in_dim3A_996 = arith.constant -3.000000e+38 : f32
      %broadcast_in_dim3A_997 = vector.broadcast %broadcast_in_dim3A_996 : f32 to vector<16xf32>
      %broadcast_in_dim3A_998 = arith.constant 0.000000e+00 : f32
      %broadcast_in_dim3A_999 = vector.broadcast %broadcast_in_dim3A_998 : f32 to vector<16xf32>
      %scan3A_1000 = arith.constant 0 : i32
      %scan3A_1001 = arith.constant 88 : i32
      %scan3A_1002 = arith.addi %scan3A_1000, %scan3A_1001 : i32
      %scan3A_1003 = arith.constant 1 : i32
      %scan3A_1004:2 = scf.for %scan3A_1332 = %scan3A_1000 to %scan3A_1002 step %scan3A_1003 iter_args(%scan3A_1333 = %broadcast_in_dim3A_997, %scan3A_1334 = %broadcast_in_dim3A_999) -> (vector<16xf32>, vector<16xf32>)  : i32 {
        %mul3A_1335 = arith.constant 16 : i32
        %mul3A_1336 = arith.muli %scan3A_1332, %mul3A_1335 : i32
        %get3A_1337 = arith.constant 3 : i32
        %get3A_1338 = arith.index_cast %get3A_1337 : i32 to index
        %get3A_1339 = arith.index_cast %mul3A_1336 : i32 to index
        %get3A_1340 = tpu.vector_load %arg8[%get3A_1338, %get3A_1339] {strides = array<i32>} : memref<8x1408xf32, #tpu.memory_space<vmem>>, vector<1x16xf32>,
        %get3A_1341 = vector.shape_cast %get3A_1340 : vector<1x16xf32> to vector<16xf32>
        %max3A_1342 = arith.maximumf %scan3A_1333, %get3A_1341 : vector<16xf32>
        %add3A_1343 = arith.addf %scan3A_1334, %get3A_1341 : vector<16xf32>
        scf.yield %max3A_1342, %add3A_1343 : vector<16xf32>, vector<16xf32>
      }
      %scan3A_1005 = arith.constant 88 : i32
      %get3A_1006 = arith.constant 3 : i32
      %get3A_1007 = arith.index_cast %get3A_1006 : i32 to index
      %get3A_1008 = arith.constant 0 : index
      %get3A_1009 = tpu.vector_load %arg11[%get3A_1007, %get3A_1008] {strides = array<i32>} : memref<8x16xf32, #tpu.memory_space<vmem>>, vector<1x16xf32>,
      %get3A_1010 = vector.shape_cast %get3A_1009 : vector<1x16xf32> to vector<16xf32>
      %max3A_1011 = arith.maximumf %get3A_1010, %scan3A_1004#0 : vector<16xf32>
      %sub3A_1012 = arith.subf %get3A_1010, %max3A_1011 : vector<16xf32>
      %exp3A_1013 = math.exp %sub3A_1012 : vector<16xf32>
      %swap3A_1014 = arith.constant 3 : i32
      %swap3A_1015 = arith.index_cast %swap3A_1014 : i32 to index
      %swap3A_1016 = arith.constant 0 : index
      %swap3A_1017 = tpu.vector_load %arg11[%swap3A_1015, %swap3A_1016] {strides = array<i32>} : memref<8x16xf32, #tpu.memory_space<vmem>>, vector<1x16xf32>,
      %swap3A_1018 = vector.shape_cast %swap3A_1017 : vector<1x16xf32> to vector<16xf32>
      %swap3A_1019 = vector.shape_cast %max3A_1011 : vector<16xf32> to vector<1x16xf32>
      tpu.vector_store %arg11[%swap3A_1015, %swap3A_1016], %swap3A_1019 {strides = array<i32>} : memref<8x16xf32, #tpu.memory_space<vmem>>, vector<1x16xf32>,
      %get3A_1020 = arith.constant 3 : i32
      %get3A_1021 = arith.index_cast %get3A_1020 : i32 to index
      %get3A_1022 = arith.constant 0 : index
      %get3A_1023 = tpu.vector_load %arg13[%get3A_1021, %get3A_1022] {strides = array<i32>} : memref<8x16xf32, #tpu.memory_space<vmem>>, vector<1x16xf32>,
      %get3A_1024 = vector.shape_cast %get3A_1023 : vector<1x16xf32> to vector<16xf32>
      %add3A_1025 = arith.addf %get3A_1024, %scan3A_1004#1 : vector<16xf32>
      %swap3A_1026 = arith.constant 3 : i32
      %swap3A_1027 = arith.index_cast %swap3A_1026 : i32 to index
      %swap3A_1028 = arith.constant 0 : index
      %swap3A_1029 = tpu.vector_load %arg13[%swap3A_1027, %swap3A_1028] {strides = array<i32>} : memref<8x16xf32, #tpu.memory_space<vmem>>, vector<1x16xf32>,
      %swap3A_1030 = vector.shape_cast %swap3A_1029 : vector<1x16xf32> to vector<16xf32>
      %swap3A_1031 = vector.shape_cast %add3A_1025 : vector<16xf32> to vector<1x16xf32>
      tpu.vector_store %arg13[%swap3A_1027, %swap3A_1028], %swap3A_1031 {strides = array<i32>} : memref<8x16xf32, #tpu.memory_space<vmem>>, vector<1x16xf32>,
      %broadcast_in_dim3A_1032 = arith.constant 0.000000e+00 : f32
      %broadcast_in_dim3A_1033 = vector.broadcast %broadcast_in_dim3A_1032 : f32 to vector<16xf32>
      %scan3A_1034 = arith.constant 0 : i32
      %scan3A_1035 = arith.constant 88 : i32
      %scan3A_1036 = arith.addi %scan3A_1034, %scan3A_1035 : i32
      %scan3A_1037 = arith.constant 1 : i32
      %scan3A_1038 = scf.for %scan3A_1332 = %scan3A_1034 to %scan3A_1036 step %scan3A_1037 iter_args(%scan3A_1333 = %broadcast_in_dim3A_1033) -> (vector<16xf32>)  : i32 {
        %mul3A_1334 = arith.constant 16 : i32
        %mul3A_1335 = arith.muli %scan3A_1332, %mul3A_1334 : i32
        %get3A_1336 = arith.constant 3 : i32
        %get3A_1337 = arith.index_cast %get3A_1336 : i32 to index
        %get3A_1338 = arith.index_cast %mul3A_1335 : i32 to index
        %get3A_1339 = tpu.vector_load %arg8[%get3A_1337, %get3A_1338] {strides = array<i32>} : memref<8x1408xf32, #tpu.memory_space<vmem>>, vector<1x16xf32>,
        %get3A_1340 = vector.shape_cast %get3A_1339 : vector<1x16xf32> to vector<16xf32>
        %sub3A_1341 = arith.subf %get3A_1340, %max3A_1011 : vector<16xf32>
        %exp3A_1342 = math.exp %sub3A_1341 : vector<16xf32>
        %add3A_1343 = arith.addf %scan3A_1333, %exp3A_1342 : vector<16xf32>
        scf.yield %add3A_1343 : vector<16xf32>
      }
      %scan3A_1039 = arith.constant 88 : i32
      %get3A_1040 = arith.constant 3 : i32
      %get3A_1041 = arith.index_cast %get3A_1040 : i32 to index
      %get3A_1042 = arith.constant 0 : index
      %get3A_1043 = tpu.vector_load %arg12[%get3A_1041, %get3A_1042] {strides = array<i32>} : memref<8x16xf32, #tpu.memory_space<vmem>>, vector<1x16xf32>,
      %get3A_1044 = vector.shape_cast %get3A_1043 : vector<1x16xf32> to vector<16xf32>
      %mul3A_1045 = arith.mulf %get3A_1044, %exp3A_1013 : vector<16xf32>
      %add3A_1046 = arith.addf %mul3A_1045, %scan3A_1038 : vector<16xf32>
      %swap3A_1047 = arith.constant 3 : i32
      %swap3A_1048 = arith.index_cast %swap3A_1047 : i32 to index
      %swap3A_1049 = arith.constant 0 : index
      %swap3A_1050 = tpu.vector_load %arg12[%swap3A_1048, %swap3A_1049] {strides = array<i32>} : memref<8x16xf32, #tpu.memory_space<vmem>>, vector<1x16xf32>,
      %swap3A_1051 = vector.shape_cast %swap3A_1050 : vector<1x16xf32> to vector<16xf32>
      %swap3A_1052 = vector.shape_cast %add3A_1046 : vector<16xf32> to vector<1x16xf32>
      tpu.vector_store %arg12[%swap3A_1048, %swap3A_1049], %swap3A_1052 {strides = array<i32>} : memref<8x16xf32, #tpu.memory_space<vmem>>, vector<1x16xf32>,
      %slice3A_1053 = vector.extract_strided_slice %get3A_4 {offsets = [3], sizes = [1], strides = [1]} : vector<16xi32> to vector<1xi32>
      %squeeze3A_1054 = vector.extract %slice3A_1053[0] : i32 from vector<1xi32>
      %ge3A_1055 = arith.cmpi sge, %squeeze3A_1054, %mul3A_794 : i32
      %add3A_1056 = arith.constant 1408 : i32
      %add3A_1057 = arith.addi %mul3A_794, %add3A_1056 : i32
      %lt3A_1058 = arith.cmpi slt, %squeeze3A_1054, %add3A_1057 : i32
      %and3A_1059 = arith.andi %ge3A_1055, %lt3A_1058 : i1
      %convert_element_type3A_1060 = arith.extui %and3A_1059 : i1 to i32
      %cond3A_1061 = arith.constant 0 : i32
      %cond3A_1062 = arith.cmpi ne, %convert_element_type3A_1060, %cond3A_1061 : i32
      scf.if %cond3A_1062 {
        %sub3A_1332 = arith.subi %squeeze3A_1054, %mul3A_794 : i32
        %broadcast_in_dim3A_1333 = vector.broadcast %sub3A_1332 : i32 to vector<16xi32>
        %get3A_1334 = arith.constant 3 : i32
        %get3A_1335 = arith.index_cast %get3A_1334 : i32 to index
        %get3A_1336 = arith.constant 0 : index
        %get3A_1337 = tpu.vector_load %arg14[%get3A_1335, %get3A_1336] {strides = array<i32>} : memref<8x16xf32, #tpu.memory_space<vmem>>, vector<1x16xf32>,
        %get3A_1338 = vector.shape_cast %get3A_1337 : vector<1x16xf32> to vector<16xf32>
        %broadcast_in_dim3A_1339 = arith.constant 0.000000e+00 : f32
        %broadcast_in_dim3A_1340 = vector.broadcast %broadcast_in_dim3A_1339 : f32 to vector<16xf32>
        %scan3A_1341 = arith.constant 0 : i32
        %scan3A_1342 = arith.constant 88 : i32
        %scan3A_1343 = arith.addi %scan3A_1341, %scan3A_1342 : i32
        %scan3A_1344 = arith.constant 1 : i32
        %scan3A_1345 = scf.for %scan3A_1354 = %scan3A_1341 to %scan3A_1343 step %scan3A_1344 iter_args(%scan3A_1355 = %broadcast_in_dim3A_1340) -> (vector<16xf32>)  : i32 {
          %mul3A_1356 = arith.constant 16 : i32
          %mul3A_1357 = arith.muli %scan3A_1354, %mul3A_1356 : i32
          %get3A_1358 = arith.constant 3 : i32
          %get3A_1359 = arith.index_cast %get3A_1358 : i32 to index
          %get3A_1360 = arith.index_cast %mul3A_1357 : i32 to index
          %get3A_1361 = tpu.vector_load %arg8[%get3A_1359, %get3A_1360] {strides = array<i32>} : memref<8x1408xf32, #tpu.memory_space<vmem>>, vector<1x16xf32>,
          %get3A_1362 = vector.shape_cast %get3A_1361 : vector<1x16xf32> to vector<16xf32>
          %mul3A_1363 = arith.constant 16 : i32
          %mul3A_1364 = arith.muli %scan3A_1354, %mul3A_1363 : i32
          %add3A_1365 = vector.broadcast %mul3A_1364 : i32 to vector<16xi32>
          %add3A_1366 = arith.addi %iota3A, %add3A_1365 : vector<16xi32>
          %eq3A = arith.cmpi eq, %add3A_1366, %broadcast_in_dim3A_1333 : vector<16xi32>
          %jit3A = arith.constant 0.000000e+00 : f32
          %broadcast_in_dim3A_1367 = vector.broadcast %jit3A : f32 to vector<16xf32>
          %select_n3A = arith.select %eq3A, %get3A_1362, %broadcast_in_dim3A_1367 : vector<16xi1>, vector<16xf32>
          %add3A_1368 = arith.addf %scan3A_1355, %select_n3A : vector<16xf32>
          scf.yield %add3A_1368 : vector<16xf32>
        }
        %scan3A_1346 = arith.constant 88 : i32
        %add3A_1347 = arith.addf %get3A_1338, %scan3A_1345 : vector<16xf32>
        %swap3A_1348 = arith.constant 3 : i32
        %swap3A_1349 = arith.index_cast %swap3A_1348 : i32 to index
        %swap3A_1350 = arith.constant 0 : index
        %swap3A_1351 = tpu.vector_load %arg14[%swap3A_1349, %swap3A_1350] {strides = array<i32>} : memref<8x16xf32, #tpu.memory_space<vmem>>, vector<1x16xf32>,
        %swap3A_1352 = vector.shape_cast %swap3A_1351 : vector<1x16xf32> to vector<16xf32>
        %swap3A_1353 = vector.shape_cast %add3A_1347 : vector<16xf32> to vector<1x16xf32>
        tpu.vector_store %arg14[%swap3A_1349, %swap3A_1350], %swap3A_1353 {strides = array<i32>} : memref<8x16xf32, #tpu.memory_space<vmem>>, vector<1x16xf32>,
      } else {
      }
      %broadcast_in_dim3A_1063 = arith.constant -3.000000e+38 : f32
      %broadcast_in_dim3A_1064 = vector.broadcast %broadcast_in_dim3A_1063 : f32 to vector<16xf32>
      %broadcast_in_dim3A_1065 = arith.constant 0.000000e+00 : f32
      %broadcast_in_dim3A_1066 = vector.broadcast %broadcast_in_dim3A_1065 : f32 to vector<16xf32>
      %scan3A_1067 = arith.constant 0 : i32
      %scan3A_1068 = arith.constant 88 : i32
      %scan3A_1069 = arith.addi %scan3A_1067, %scan3A_1068 : i32
      %scan3A_1070 = arith.constant 1 : i32
      %scan3A_1071:2 = scf.for %scan3A_1332 = %scan3A_1067 to %scan3A_1069 step %scan3A_1070 iter_args(%scan3A_1333 = %broadcast_in_dim3A_1064, %scan3A_1334 = %broadcast_in_dim3A_1066) -> (vector<16xf32>, vector<16xf32>)  : i32 {
        %mul3A_1335 = arith.constant 16 : i32
        %mul3A_1336 = arith.muli %scan3A_1332, %mul3A_1335 : i32
        %get3A_1337 = arith.constant 4 : i32
        %get3A_1338 = arith.index_cast %get3A_1337 : i32 to index
        %get3A_1339 = arith.index_cast %mul3A_1336 : i32 to index
        %get3A_1340 = tpu.vector_load %arg8[%get3A_1338, %get3A_1339] {strides = array<i32>} : memref<8x1408xf32, #tpu.memory_space<vmem>>, vector<1x16xf32>,
        %get3A_1341 = vector.shape_cast %get3A_1340 : vector<1x16xf32> to vector<16xf32>
        %max3A_1342 = arith.maximumf %scan3A_1333, %get3A_1341 : vector<16xf32>
        %add3A_1343 = arith.addf %scan3A_1334, %get3A_1341 : vector<16xf32>
        scf.yield %max3A_1342, %add3A_1343 : vector<16xf32>, vector<16xf32>
      }
      %scan3A_1072 = arith.constant 88 : i32
      %get3A_1073 = arith.constant 4 : i32
      %get3A_1074 = arith.index_cast %get3A_1073 : i32 to index
      %get3A_1075 = arith.constant 0 : index
      %get3A_1076 = tpu.vector_load %arg11[%get3A_1074, %get3A_1075] {strides = array<i32>} : memref<8x16xf32, #tpu.memory_space<vmem>>, vector<1x16xf32>,
      %get3A_1077 = vector.shape_cast %get3A_1076 : vector<1x16xf32> to vector<16xf32>
      %max3A_1078 = arith.maximumf %get3A_1077, %scan3A_1071#0 : vector<16xf32>
      %sub3A_1079 = arith.subf %get3A_1077, %max3A_1078 : vector<16xf32>
      %exp3A_1080 = math.exp %sub3A_1079 : vector<16xf32>
      %swap3A_1081 = arith.constant 4 : i32
      %swap3A_1082 = arith.index_cast %swap3A_1081 : i32 to index
      %swap3A_1083 = arith.constant 0 : index
      %swap3A_1084 = tpu.vector_load %arg11[%swap3A_1082, %swap3A_1083] {strides = array<i32>} : memref<8x16xf32, #tpu.memory_space<vmem>>, vector<1x16xf32>,
      %swap3A_1085 = vector.shape_cast %swap3A_1084 : vector<1x16xf32> to vector<16xf32>
      %swap3A_1086 = vector.shape_cast %max3A_1078 : vector<16xf32> to vector<1x16xf32>
      tpu.vector_store %arg11[%swap3A_1082, %swap3A_1083], %swap3A_1086 {strides = array<i32>} : memref<8x16xf32, #tpu.memory_space<vmem>>, vector<1x16xf32>,
      %get3A_1087 = arith.constant 4 : i32
      %get3A_1088 = arith.index_cast %get3A_1087 : i32 to index
      %get3A_1089 = arith.constant 0 : index
      %get3A_1090 = tpu.vector_load %arg13[%get3A_1088, %get3A_1089] {strides = array<i32>} : memref<8x16xf32, #tpu.memory_space<vmem>>, vector<1x16xf32>,
      %get3A_1091 = vector.shape_cast %get3A_1090 : vector<1x16xf32> to vector<16xf32>
      %add3A_1092 = arith.addf %get3A_1091, %scan3A_1071#1 : vector<16xf32>
      %swap3A_1093 = arith.constant 4 : i32
      %swap3A_1094 = arith.index_cast %swap3A_1093 : i32 to index
      %swap3A_1095 = arith.constant 0 : index
      %swap3A_1096 = tpu.vector_load %arg13[%swap3A_1094, %swap3A_1095] {strides = array<i32>} : memref<8x16xf32, #tpu.memory_space<vmem>>, vector<1x16xf32>,
      %swap3A_1097 = vector.shape_cast %swap3A_1096 : vector<1x16xf32> to vector<16xf32>
      %swap3A_1098 = vector.shape_cast %add3A_1092 : vector<16xf32> to vector<1x16xf32>
      tpu.vector_store %arg13[%swap3A_1094, %swap3A_1095], %swap3A_1098 {strides = array<i32>} : memref<8x16xf32, #tpu.memory_space<vmem>>, vector<1x16xf32>,
      %broadcast_in_dim3A_1099 = arith.constant 0.000000e+00 : f32
      %broadcast_in_dim3A_1100 = vector.broadcast %broadcast_in_dim3A_1099 : f32 to vector<16xf32>
      %scan3A_1101 = arith.constant 0 : i32
      %scan3A_1102 = arith.constant 88 : i32
      %scan3A_1103 = arith.addi %scan3A_1101, %scan3A_1102 : i32
      %scan3A_1104 = arith.constant 1 : i32
      %scan3A_1105 = scf.for %scan3A_1332 = %scan3A_1101 to %scan3A_1103 step %scan3A_1104 iter_args(%scan3A_1333 = %broadcast_in_dim3A_1100) -> (vector<16xf32>)  : i32 {
        %mul3A_1334 = arith.constant 16 : i32
        %mul3A_1335 = arith.muli %scan3A_1332, %mul3A_1334 : i32
        %get3A_1336 = arith.constant 4 : i32
        %get3A_1337 = arith.index_cast %get3A_1336 : i32 to index
        %get3A_1338 = arith.index_cast %mul3A_1335 : i32 to index
        %get3A_1339 = tpu.vector_load %arg8[%get3A_1337, %get3A_1338] {strides = array<i32>} : memref<8x1408xf32, #tpu.memory_space<vmem>>, vector<1x16xf32>,
        %get3A_1340 = vector.shape_cast %get3A_1339 : vector<1x16xf32> to vector<16xf32>
        %sub3A_1341 = arith.subf %get3A_1340, %max3A_1078 : vector<16xf32>
        %exp3A_1342 = math.exp %sub3A_1341 : vector<16xf32>
        %add3A_1343 = arith.addf %scan3A_1333, %exp3A_1342 : vector<16xf32>
        scf.yield %add3A_1343 : vector<16xf32>
      }
      %scan3A_1106 = arith.constant 88 : i32
      %get3A_1107 = arith.constant 4 : i32
      %get3A_1108 = arith.index_cast %get3A_1107 : i32 to index
      %get3A_1109 = arith.constant 0 : index
      %get3A_1110 = tpu.vector_load %arg12[%get3A_1108, %get3A_1109] {strides = array<i32>} : memref<8x16xf32, #tpu.memory_space<vmem>>, vector<1x16xf32>,
      %get3A_1111 = vector.shape_cast %get3A_1110 : vector<1x16xf32> to vector<16xf32>
      %mul3A_1112 = arith.mulf %get3A_1111, %exp3A_1080 : vector<16xf32>
      %add3A_1113 = arith.addf %mul3A_1112, %scan3A_1105 : vector<16xf32>
      %swap3A_1114 = arith.constant 4 : i32
      %swap3A_1115 = arith.index_cast %swap3A_1114 : i32 to index
      %swap3A_1116 = arith.constant 0 : index
      %swap3A_1117 = tpu.vector_load %arg12[%swap3A_1115, %swap3A_1116] {strides = array<i32>} : memref<8x16xf32, #tpu.memory_space<vmem>>, vector<1x16xf32>,
      %swap3A_1118 = vector.shape_cast %swap3A_1117 : vector<1x16xf32> to vector<16xf32>
      %swap3A_1119 = vector.shape_cast %add3A_1113 : vector<16xf32> to vector<1x16xf32>
      tpu.vector_store %arg12[%swap3A_1115, %swap3A_1116], %swap3A_1119 {strides = array<i32>} : memref<8x16xf32, #tpu.memory_space<vmem>>, vector<1x16xf32>,
      %slice3A_1120 = vector.extract_strided_slice %get3A_4 {offsets = [4], sizes = [1], strides = [1]} : vector<16xi32> to vector<1xi32>
      %squeeze3A_1121 = vector.extract %slice3A_1120[0] : i32 from vector<1xi32>
      %ge3A_1122 = arith.cmpi sge, %squeeze3A_1121, %mul3A_794 : i32
      %add3A_1123 = arith.constant 1408 : i32
      %add3A_1124 = arith.addi %mul3A_794, %add3A_1123 : i32
      %lt3A_1125 = arith.cmpi slt, %squeeze3A_1121, %add3A_1124 : i32
      %and3A_1126 = arith.andi %ge3A_1122, %lt3A_1125 : i1
      %convert_element_type3A_1127 = arith.extui %and3A_1126 : i1 to i32
      %cond3A_1128 = arith.constant 0 : i32
      %cond3A_1129 = arith.cmpi ne, %convert_element_type3A_1127, %cond3A_1128 : i32
      scf.if %cond3A_1129 {
        %sub3A_1332 = arith.subi %squeeze3A_1121, %mul3A_794 : i32
        %broadcast_in_dim3A_1333 = vector.broadcast %sub3A_1332 : i32 to vector<16xi32>
        %get3A_1334 = arith.constant 4 : i32
        %get3A_1335 = arith.index_cast %get3A_1334 : i32 to index
        %get3A_1336 = arith.constant 0 : index
        %get3A_1337 = tpu.vector_load %arg14[%get3A_1335, %get3A_1336] {strides = array<i32>} : memref<8x16xf32, #tpu.memory_space<vmem>>, vector<1x16xf32>,
        %get3A_1338 = vector.shape_cast %get3A_1337 : vector<1x16xf32> to vector<16xf32>
        %broadcast_in_dim3A_1339 = arith.constant 0.000000e+00 : f32
        %broadcast_in_dim3A_1340 = vector.broadcast %broadcast_in_dim3A_1339 : f32 to vector<16xf32>
        %scan3A_1341 = arith.constant 0 : i32
        %scan3A_1342 = arith.constant 88 : i32
        %scan3A_1343 = arith.addi %scan3A_1341, %scan3A_1342 : i32
        %scan3A_1344 = arith.constant 1 : i32
        %scan3A_1345 = scf.for %scan3A_1354 = %scan3A_1341 to %scan3A_1343 step %scan3A_1344 iter_args(%scan3A_1355 = %broadcast_in_dim3A_1340) -> (vector<16xf32>)  : i32 {
          %mul3A_1356 = arith.constant 16 : i32
          %mul3A_1357 = arith.muli %scan3A_1354, %mul3A_1356 : i32
          %get3A_1358 = arith.constant 4 : i32
          %get3A_1359 = arith.index_cast %get3A_1358 : i32 to index
          %get3A_1360 = arith.index_cast %mul3A_1357 : i32 to index
          %get3A_1361 = tpu.vector_load %arg8[%get3A_1359, %get3A_1360] {strides = array<i32>} : memref<8x1408xf32, #tpu.memory_space<vmem>>, vector<1x16xf32>,
          %get3A_1362 = vector.shape_cast %get3A_1361 : vector<1x16xf32> to vector<16xf32>
          %mul3A_1363 = arith.constant 16 : i32
          %mul3A_1364 = arith.muli %scan3A_1354, %mul3A_1363 : i32
          %add3A_1365 = vector.broadcast %mul3A_1364 : i32 to vector<16xi32>
          %add3A_1366 = arith.addi %iota3A, %add3A_1365 : vector<16xi32>
          %eq3A = arith.cmpi eq, %add3A_1366, %broadcast_in_dim3A_1333 : vector<16xi32>
          %jit3A = arith.constant 0.000000e+00 : f32
          %broadcast_in_dim3A_1367 = vector.broadcast %jit3A : f32 to vector<16xf32>
          %select_n3A = arith.select %eq3A, %get3A_1362, %broadcast_in_dim3A_1367 : vector<16xi1>, vector<16xf32>
          %add3A_1368 = arith.addf %scan3A_1355, %select_n3A : vector<16xf32>
          scf.yield %add3A_1368 : vector<16xf32>
        }
        %scan3A_1346 = arith.constant 88 : i32
        %add3A_1347 = arith.addf %get3A_1338, %scan3A_1345 : vector<16xf32>
        %swap3A_1348 = arith.constant 4 : i32
        %swap3A_1349 = arith.index_cast %swap3A_1348 : i32 to index
        %swap3A_1350 = arith.constant 0 : index
        %swap3A_1351 = tpu.vector_load %arg14[%swap3A_1349, %swap3A_1350] {strides = array<i32>} : memref<8x16xf32, #tpu.memory_space<vmem>>, vector<1x16xf32>,
        %swap3A_1352 = vector.shape_cast %swap3A_1351 : vector<1x16xf32> to vector<16xf32>
        %swap3A_1353 = vector.shape_cast %add3A_1347 : vector<16xf32> to vector<1x16xf32>
        tpu.vector_store %arg14[%swap3A_1349, %swap3A_1350], %swap3A_1353 {strides = array<i32>} : memref<8x16xf32, #tpu.memory_space<vmem>>, vector<1x16xf32>,
      } else {
      }
      %broadcast_in_dim3A_1130 = arith.constant -3.000000e+38 : f32
      %broadcast_in_dim3A_1131 = vector.broadcast %broadcast_in_dim3A_1130 : f32 to vector<16xf32>
      %broadcast_in_dim3A_1132 = arith.constant 0.000000e+00 : f32
      %broadcast_in_dim3A_1133 = vector.broadcast %broadcast_in_dim3A_1132 : f32 to vector<16xf32>
      %scan3A_1134 = arith.constant 0 : i32
      %scan3A_1135 = arith.constant 88 : i32
      %scan3A_1136 = arith.addi %scan3A_1134, %scan3A_1135 : i32
      %scan3A_1137 = arith.constant 1 : i32
      %scan3A_1138:2 = scf.for %scan3A_1332 = %scan3A_1134 to %scan3A_1136 step %scan3A_1137 iter_args(%scan3A_1333 = %broadcast_in_dim3A_1131, %scan3A_1334 = %broadcast_in_dim3A_1133) -> (vector<16xf32>, vector<16xf32>)  : i32 {
        %mul3A_1335 = arith.constant 16 : i32
        %mul3A_1336 = arith.muli %scan3A_1332, %mul3A_1335 : i32
        %get3A_1337 = arith.constant 5 : i32
        %get3A_1338 = arith.index_cast %get3A_1337 : i32 to index
        %get3A_1339 = arith.index_cast %mul3A_1336 : i32 to index
        %get3A_1340 = tpu.vector_load %arg8[%get3A_1338, %get3A_1339] {strides = array<i32>} : memref<8x1408xf32, #tpu.memory_space<vmem>>, vector<1x16xf32>,
        %get3A_1341 = vector.shape_cast %get3A_1340 : vector<1x16xf32> to vector<16xf32>
        %max3A_1342 = arith.maximumf %scan3A_1333, %get3A_1341 : vector<16xf32>
        %add3A_1343 = arith.addf %scan3A_1334, %get3A_1341 : vector<16xf32>
        scf.yield %max3A_1342, %add3A_1343 : vector<16xf32>, vector<16xf32>
      }
      %scan3A_1139 = arith.constant 88 : i32
      %get3A_1140 = arith.constant 5 : i32
      %get3A_1141 = arith.index_cast %get3A_1140 : i32 to index
      %get3A_1142 = arith.constant 0 : index
      %get3A_1143 = tpu.vector_load %arg11[%get3A_1141, %get3A_1142] {strides = array<i32>} : memref<8x16xf32, #tpu.memory_space<vmem>>, vector<1x16xf32>,
      %get3A_1144 = vector.shape_cast %get3A_1143 : vector<1x16xf32> to vector<16xf32>
      %max3A_1145 = arith.maximumf %get3A_1144, %scan3A_1138#0 : vector<16xf32>
      %sub3A_1146 = arith.subf %get3A_1144, %max3A_1145 : vector<16xf32>
      %exp3A_1147 = math.exp %sub3A_1146 : vector<16xf32>
      %swap3A_1148 = arith.constant 5 : i32
      %swap3A_1149 = arith.index_cast %swap3A_1148 : i32 to index
      %swap3A_1150 = arith.constant 0 : index
      %swap3A_1151 = tpu.vector_load %arg11[%swap3A_1149, %swap3A_1150] {strides = array<i32>} : memref<8x16xf32, #tpu.memory_space<vmem>>, vector<1x16xf32>,
      %swap3A_1152 = vector.shape_cast %swap3A_1151 : vector<1x16xf32> to vector<16xf32>
      %swap3A_1153 = vector.shape_cast %max3A_1145 : vector<16xf32> to vector<1x16xf32>
      tpu.vector_store %arg11[%swap3A_1149, %swap3A_1150], %swap3A_1153 {strides = array<i32>} : memref<8x16xf32, #tpu.memory_space<vmem>>, vector<1x16xf32>,
      %get3A_1154 = arith.constant 5 : i32
      %get3A_1155 = arith.index_cast %get3A_1154 : i32 to index
      %get3A_1156 = arith.constant 0 : index
      %get3A_1157 = tpu.vector_load %arg13[%get3A_1155, %get3A_1156] {strides = array<i32>} : memref<8x16xf32, #tpu.memory_space<vmem>>, vector<1x16xf32>,
      %get3A_1158 = vector.shape_cast %get3A_1157 : vector<1x16xf32> to vector<16xf32>
      %add3A_1159 = arith.addf %get3A_1158, %scan3A_1138#1 : vector<16xf32>
      %swap3A_1160 = arith.constant 5 : i32
      %swap3A_1161 = arith.index_cast %swap3A_1160 : i32 to index
      %swap3A_1162 = arith.constant 0 : index
      %swap3A_1163 = tpu.vector_load %arg13[%swap3A_1161, %swap3A_1162] {strides = array<i32>} : memref<8x16xf32, #tpu.memory_space<vmem>>, vector<1x16xf32>,
      %swap3A_1164 = vector.shape_cast %swap3A_1163 : vector<1x16xf32> to vector<16xf32>
      %swap3A_1165 = vector.shape_cast %add3A_1159 : vector<16xf32> to vector<1x16xf32>
      tpu.vector_store %arg13[%swap3A_1161, %swap3A_1162], %swap3A_1165 {strides = array<i32>} : memref<8x16xf32, #tpu.memory_space<vmem>>, vector<1x16xf32>,
      %broadcast_in_dim3A_1166 = arith.constant 0.000000e+00 : f32
      %broadcast_in_dim3A_1167 = vector.broadcast %broadcast_in_dim3A_1166 : f32 to vector<16xf32>
      %scan3A_1168 = arith.constant 0 : i32
      %scan3A_1169 = arith.constant 88 : i32
      %scan3A_1170 = arith.addi %scan3A_1168, %scan3A_1169 : i32
      %scan3A_1171 = arith.constant 1 : i32
      %scan3A_1172 = scf.for %scan3A_1332 = %scan3A_1168 to %scan3A_1170 step %scan3A_1171 iter_args(%scan3A_1333 = %broadcast_in_dim3A_1167) -> (vector<16xf32>)  : i32 {
        %mul3A_1334 = arith.constant 16 : i32
        %mul3A_1335 = arith.muli %scan3A_1332, %mul3A_1334 : i32
        %get3A_1336 = arith.constant 5 : i32
        %get3A_1337 = arith.index_cast %get3A_1336 : i32 to index
        %get3A_1338 = arith.index_cast %mul3A_1335 : i32 to index
        %get3A_1339 = tpu.vector_load %arg8[%get3A_1337, %get3A_1338] {strides = array<i32>} : memref<8x1408xf32, #tpu.memory_space<vmem>>, vector<1x16xf32>,
        %get3A_1340 = vector.shape_cast %get3A_1339 : vector<1x16xf32> to vector<16xf32>
        %sub3A_1341 = arith.subf %get3A_1340, %max3A_1145 : vector<16xf32>
        %exp3A_1342 = math.exp %sub3A_1341 : vector<16xf32>
        %add3A_1343 = arith.addf %scan3A_1333, %exp3A_1342 : vector<16xf32>
        scf.yield %add3A_1343 : vector<16xf32>
      }
      %scan3A_1173 = arith.constant 88 : i32
      %get3A_1174 = arith.constant 5 : i32
      %get3A_1175 = arith.index_cast %get3A_1174 : i32 to index
      %get3A_1176 = arith.constant 0 : index
      %get3A_1177 = tpu.vector_load %arg12[%get3A_1175, %get3A_1176] {strides = array<i32>} : memref<8x16xf32, #tpu.memory_space<vmem>>, vector<1x16xf32>,
      %get3A_1178 = vector.shape_cast %get3A_1177 : vector<1x16xf32> to vector<16xf32>
      %mul3A_1179 = arith.mulf %get3A_1178, %exp3A_1147 : vector<16xf32>
      %add3A_1180 = arith.addf %mul3A_1179, %scan3A_1172 : vector<16xf32>
      %swap3A_1181 = arith.constant 5 : i32
      %swap3A_1182 = arith.index_cast %swap3A_1181 : i32 to index
      %swap3A_1183 = arith.constant 0 : index
      %swap3A_1184 = tpu.vector_load %arg12[%swap3A_1182, %swap3A_1183] {strides = array<i32>} : memref<8x16xf32, #tpu.memory_space<vmem>>, vector<1x16xf32>,
      %swap3A_1185 = vector.shape_cast %swap3A_1184 : vector<1x16xf32> to vector<16xf32>
      %swap3A_1186 = vector.shape_cast %add3A_1180 : vector<16xf32> to vector<1x16xf32>
      tpu.vector_store %arg12[%swap3A_1182, %swap3A_1183], %swap3A_1186 {strides = array<i32>} : memref<8x16xf32, #tpu.memory_space<vmem>>, vector<1x16xf32>,
      %slice3A_1187 = vector.extract_strided_slice %get3A_4 {offsets = [5], sizes = [1], strides = [1]} : vector<16xi32> to vector<1xi32>
      %squeeze3A_1188 = vector.extract %slice3A_1187[0] : i32 from vector<1xi32>
      %ge3A_1189 = arith.cmpi sge, %squeeze3A_1188, %mul3A_794 : i32
      %add3A_1190 = arith.constant 1408 : i32
      %add3A_1191 = arith.addi %mul3A_794, %add3A_1190 : i32
      %lt3A_1192 = arith.cmpi slt, %squeeze3A_1188, %add3A_1191 : i32
      %and3A_1193 = arith.andi %ge3A_1189, %lt3A_1192 : i1
      %convert_element_type3A_1194 = arith.extui %and3A_1193 : i1 to i32
      %cond3A_1195 = arith.constant 0 : i32
      %cond3A_1196 = arith.cmpi ne, %convert_element_type3A_1194, %cond3A_1195 : i32
      scf.if %cond3A_1196 {
        %sub3A_1332 = arith.subi %squeeze3A_1188, %mul3A_794 : i32
        %broadcast_in_dim3A_1333 = vector.broadcast %sub3A_1332 : i32 to vector<16xi32>
        %get3A_1334 = arith.constant 5 : i32
        %get3A_1335 = arith.index_cast %get3A_1334 : i32 to index
        %get3A_1336 = arith.constant 0 : index
        %get3A_1337 = tpu.vector_load %arg14[%get3A_1335, %get3A_1336] {strides = array<i32>} : memref<8x16xf32, #tpu.memory_space<vmem>>, vector<1x16xf32>,
        %get3A_1338 = vector.shape_cast %get3A_1337 : vector<1x16xf32> to vector<16xf32>
        %broadcast_in_dim3A_1339 = arith.constant 0.000000e+00 : f32
        %broadcast_in_dim3A_1340 = vector.broadcast %broadcast_in_dim3A_1339 : f32 to vector<16xf32>
        %scan3A_1341 = arith.constant 0 : i32
        %scan3A_1342 = arith.constant 88 : i32
        %scan3A_1343 = arith.addi %scan3A_1341, %scan3A_1342 : i32
        %scan3A_1344 = arith.constant 1 : i32
        %scan3A_1345 = scf.for %scan3A_1354 = %scan3A_1341 to %scan3A_1343 step %scan3A_1344 iter_args(%scan3A_1355 = %broadcast_in_dim3A_1340) -> (vector<16xf32>)  : i32 {
          %mul3A_1356 = arith.constant 16 : i32
          %mul3A_1357 = arith.muli %scan3A_1354, %mul3A_1356 : i32
          %get3A_1358 = arith.constant 5 : i32
          %get3A_1359 = arith.index_cast %get3A_1358 : i32 to index
          %get3A_1360 = arith.index_cast %mul3A_1357 : i32 to index
          %get3A_1361 = tpu.vector_load %arg8[%get3A_1359, %get3A_1360] {strides = array<i32>} : memref<8x1408xf32, #tpu.memory_space<vmem>>, vector<1x16xf32>,
          %get3A_1362 = vector.shape_cast %get3A_1361 : vector<1x16xf32> to vector<16xf32>
          %mul3A_1363 = arith.constant 16 : i32
          %mul3A_1364 = arith.muli %scan3A_1354, %mul3A_1363 : i32
          %add3A_1365 = vector.broadcast %mul3A_1364 : i32 to vector<16xi32>
          %add3A_1366 = arith.addi %iota3A, %add3A_1365 : vector<16xi32>
          %eq3A = arith.cmpi eq, %add3A_1366, %broadcast_in_dim3A_1333 : vector<16xi32>
          %jit3A = arith.constant 0.000000e+00 : f32
          %broadcast_in_dim3A_1367 = vector.broadcast %jit3A : f32 to vector<16xf32>
          %select_n3A = arith.select %eq3A, %get3A_1362, %broadcast_in_dim3A_1367 : vector<16xi1>, vector<16xf32>
          %add3A_1368 = arith.addf %scan3A_1355, %select_n3A : vector<16xf32>
          scf.yield %add3A_1368 : vector<16xf32>
        }
        %scan3A_1346 = arith.constant 88 : i32
        %add3A_1347 = arith.addf %get3A_1338, %scan3A_1345 : vector<16xf32>
        %swap3A_1348 = arith.constant 5 : i32
        %swap3A_1349 = arith.index_cast %swap3A_1348 : i32 to index
        %swap3A_1350 = arith.constant 0 : index
        %swap3A_1351 = tpu.vector_load %arg14[%swap3A_1349, %swap3A_1350] {strides = array<i32>} : memref<8x16xf32, #tpu.memory_space<vmem>>, vector<1x16xf32>,
        %swap3A_1352 = vector.shape_cast %swap3A_1351 : vector<1x16xf32> to vector<16xf32>
        %swap3A_1353 = vector.shape_cast %add3A_1347 : vector<16xf32> to vector<1x16xf32>
        tpu.vector_store %arg14[%swap3A_1349, %swap3A_1350], %swap3A_1353 {strides = array<i32>} : memref<8x16xf32, #tpu.memory_space<vmem>>, vector<1x16xf32>,
      } else {
      }
      %broadcast_in_dim3A_1197 = arith.constant -3.000000e+38 : f32
      %broadcast_in_dim3A_1198 = vector.broadcast %broadcast_in_dim3A_1197 : f32 to vector<16xf32>
      %broadcast_in_dim3A_1199 = arith.constant 0.000000e+00 : f32
      %broadcast_in_dim3A_1200 = vector.broadcast %broadcast_in_dim3A_1199 : f32 to vector<16xf32>
      %scan3A_1201 = arith.constant 0 : i32
      %scan3A_1202 = arith.constant 88 : i32
      %scan3A_1203 = arith.addi %scan3A_1201, %scan3A_1202 : i32
      %scan3A_1204 = arith.constant 1 : i32
      %scan3A_1205:2 = scf.for %scan3A_1332 = %scan3A_1201 to %scan3A_1203 step %scan3A_1204 iter_args(%scan3A_1333 = %broadcast_in_dim3A_1198, %scan3A_1334 = %broadcast_in_dim3A_1200) -> (vector<16xf32>, vector<16xf32>)  : i32 {
        %mul3A_1335 = arith.constant 16 : i32
        %mul3A_1336 = arith.muli %scan3A_1332, %mul3A_1335 : i32
        %get3A_1337 = arith.constant 6 : i32
        %get3A_1338 = arith.index_cast %get3A_1337 : i32 to index
        %get3A_1339 = arith.index_cast %mul3A_1336 : i32 to index
        %get3A_1340 = tpu.vector_load %arg8[%get3A_1338, %get3A_1339] {strides = array<i32>} : memref<8x1408xf32, #tpu.memory_space<vmem>>, vector<1x16xf32>,
        %get3A_1341 = vector.shape_cast %get3A_1340 : vector<1x16xf32> to vector<16xf32>
        %max3A_1342 = arith.maximumf %scan3A_1333, %get3A_1341 : vector<16xf32>
        %add3A_1343 = arith.addf %scan3A_1334, %get3A_1341 : vector<16xf32>
        scf.yield %max3A_1342, %add3A_1343 : vector<16xf32>, vector<16xf32>
      }
      %scan3A_1206 = arith.constant 88 : i32
      %get3A_1207 = arith.constant 6 : i32
      %get3A_1208 = arith.index_cast %get3A_1207 : i32 to index
      %get3A_1209 = arith.constant 0 : index
      %get3A_1210 = tpu.vector_load %arg11[%get3A_1208, %get3A_1209] {strides = array<i32>} : memref<8x16xf32, #tpu.memory_space<vmem>>, vector<1x16xf32>,
      %get3A_1211 = vector.shape_cast %get3A_1210 : vector<1x16xf32> to vector<16xf32>
      %max3A_1212 = arith.maximumf %get3A_1211, %scan3A_1205#0 : vector<16xf32>
      %sub3A_1213 = arith.subf %get3A_1211, %max3A_1212 : vector<16xf32>
      %exp3A_1214 = math.exp %sub3A_1213 : vector<16xf32>
      %swap3A_1215 = arith.constant 6 : i32
      %swap3A_1216 = arith.index_cast %swap3A_1215 : i32 to index
      %swap3A_1217 = arith.constant 0 : index
      %swap3A_1218 = tpu.vector_load %arg11[%swap3A_1216, %swap3A_1217] {strides = array<i32>} : memref<8x16xf32, #tpu.memory_space<vmem>>, vector<1x16xf32>,
      %swap3A_1219 = vector.shape_cast %swap3A_1218 : vector<1x16xf32> to vector<16xf32>
      %swap3A_1220 = vector.shape_cast %max3A_1212 : vector<16xf32> to vector<1x16xf32>
      tpu.vector_store %arg11[%swap3A_1216, %swap3A_1217], %swap3A_1220 {strides = array<i32>} : memref<8x16xf32, #tpu.memory_space<vmem>>, vector<1x16xf32>,
      %get3A_1221 = arith.constant 6 : i32
      %get3A_1222 = arith.index_cast %get3A_1221 : i32 to index
      %get3A_1223 = arith.constant 0 : index
      %get3A_1224 = tpu.vector_load %arg13[%get3A_1222, %get3A_1223] {strides = array<i32>} : memref<8x16xf32, #tpu.memory_space<vmem>>, vector<1x16xf32>,
      %get3A_1225 = vector.shape_cast %get3A_1224 : vector<1x16xf32> to vector<16xf32>
      %add3A_1226 = arith.addf %get3A_1225, %scan3A_1205#1 : vector<16xf32>
      %swap3A_1227 = arith.constant 6 : i32
      %swap3A_1228 = arith.index_cast %swap3A_1227 : i32 to index
      %swap3A_1229 = arith.constant 0 : index
      %swap3A_1230 = tpu.vector_load %arg13[%swap3A_1228, %swap3A_1229] {strides = array<i32>} : memref<8x16xf32, #tpu.memory_space<vmem>>, vector<1x16xf32>,
      %swap3A_1231 = vector.shape_cast %swap3A_1230 : vector<1x16xf32> to vector<16xf32>
      %swap3A_1232 = vector.shape_cast %add3A_1226 : vector<16xf32> to vector<1x16xf32>
      tpu.vector_store %arg13[%swap3A_1228, %swap3A_1229], %swap3A_1232 {strides = array<i32>} : memref<8x16xf32, #tpu.memory_space<vmem>>, vector<1x16xf32>,
      %broadcast_in_dim3A_1233 = arith.constant 0.000000e+00 : f32
      %broadcast_in_dim3A_1234 = vector.broadcast %broadcast_in_dim3A_1233 : f32 to vector<16xf32>
      %scan3A_1235 = arith.constant 0 : i32
      %scan3A_1236 = arith.constant 88 : i32
      %scan3A_1237 = arith.addi %scan3A_1235, %scan3A_1236 : i32
      %scan3A_1238 = arith.constant 1 : i32
      %scan3A_1239 = scf.for %scan3A_1332 = %scan3A_1235 to %scan3A_1237 step %scan3A_1238 iter_args(%scan3A_1333 = %broadcast_in_dim3A_1234) -> (vector<16xf32>)  : i32 {
        %mul3A_1334 = arith.constant 16 : i32
        %mul3A_1335 = arith.muli %scan3A_1332, %mul3A_1334 : i32
        %get3A_1336 = arith.constant 6 : i32
        %get3A_1337 = arith.index_cast %get3A_1336 : i32 to index
        %get3A_1338 = arith.index_cast %mul3A_1335 : i32 to index
        %get3A_1339 = tpu.vector_load %arg8[%get3A_1337, %get3A_1338] {strides = array<i32>} : memref<8x1408xf32, #tpu.memory_space<vmem>>, vector<1x16xf32>,
        %get3A_1340 = vector.shape_cast %get3A_1339 : vector<1x16xf32> to vector<16xf32>
        %sub3A_1341 = arith.subf %get3A_1340, %max3A_1212 : vector<16xf32>
        %exp3A_1342 = math.exp %sub3A_1341 : vector<16xf32>
        %add3A_1343 = arith.addf %scan3A_1333, %exp3A_1342 : vector<16xf32>
        scf.yield %add3A_1343 : vector<16xf32>
      }
      %scan3A_1240 = arith.constant 88 : i32
      %get3A_1241 = arith.constant 6 : i32
      %get3A_1242 = arith.index_cast %get3A_1241 : i32 to index
      %get3A_1243 = arith.constant 0 : index
      %get3A_1244 = tpu.vector_load %arg12[%get3A_1242, %get3A_1243] {strides = array<i32>} : memref<8x16xf32, #tpu.memory_space<vmem>>, vector<1x16xf32>,
      %get3A_1245 = vector.shape_cast %get3A_1244 : vector<1x16xf32> to vector<16xf32>
      %mul3A_1246 = arith.mulf %get3A_1245, %exp3A_1214 : vector<16xf32>
      %add3A_1247 = arith.addf %mul3A_1246, %scan3A_1239 : vector<16xf32>
      %swap3A_1248 = arith.constant 6 : i32
      %swap3A_1249 = arith.index_cast %swap3A_1248 : i32 to index
      %swap3A_1250 = arith.constant 0 : index
      %swap3A_1251 = tpu.vector_load %arg12[%swap3A_1249, %swap3A_1250] {strides = array<i32>} : memref<8x16xf32, #tpu.memory_space<vmem>>, vector<1x16xf32>,
      %swap3A_1252 = vector.shape_cast %swap3A_1251 : vector<1x16xf32> to vector<16xf32>
      %swap3A_1253 = vector.shape_cast %add3A_1247 : vector<16xf32> to vector<1x16xf32>
      tpu.vector_store %arg12[%swap3A_1249, %swap3A_1250], %swap3A_1253 {strides = array<i32>} : memref<8x16xf32, #tpu.memory_space<vmem>>, vector<1x16xf32>,
      %slice3A_1254 = vector.extract_strided_slice %get3A_4 {offsets = [6], sizes = [1], strides = [1]} : vector<16xi32> to vector<1xi32>
      %squeeze3A_1255 = vector.extract %slice3A_1254[0] : i32 from vector<1xi32>
      %ge3A_1256 = arith.cmpi sge, %squeeze3A_1255, %mul3A_794 : i32
      %add3A_1257 = arith.constant 1408 : i32
      %add3A_1258 = arith.addi %mul3A_794, %add3A_1257 : i32
      %lt3A_1259 = arith.cmpi slt, %squeeze3A_1255, %add3A_1258 : i32
      %and3A_1260 = arith.andi %ge3A_1256, %lt3A_1259 : i1
      %convert_element_type3A_1261 = arith.extui %and3A_1260 : i1 to i32
      %cond3A_1262 = arith.constant 0 : i32
      %cond3A_1263 = arith.cmpi ne, %convert_element_type3A_1261, %cond3A_1262 : i32
      scf.if %cond3A_1263 {
        %sub3A_1332 = arith.subi %squeeze3A_1255, %mul3A_794 : i32
        %broadcast_in_dim3A_1333 = vector.broadcast %sub3A_1332 : i32 to vector<16xi32>
        %get3A_1334 = arith.constant 6 : i32
        %get3A_1335 = arith.index_cast %get3A_1334 : i32 to index
        %get3A_1336 = arith.constant 0 : index
        %get3A_1337 = tpu.vector_load %arg14[%get3A_1335, %get3A_1336] {strides = array<i32>} : memref<8x16xf32, #tpu.memory_space<vmem>>, vector<1x16xf32>,
        %get3A_1338 = vector.shape_cast %get3A_1337 : vector<1x16xf32> to vector<16xf32>
        %broadcast_in_dim3A_1339 = arith.constant 0.000000e+00 : f32
        %broadcast_in_dim3A_1340 = vector.broadcast %broadcast_in_dim3A_1339 : f32 to vector<16xf32>
        %scan3A_1341 = arith.constant 0 : i32
        %scan3A_1342 = arith.constant 88 : i32
        %scan3A_1343 = arith.addi %scan3A_1341, %scan3A_1342 : i32
        %scan3A_1344 = arith.constant 1 : i32
        %scan3A_1345 = scf.for %scan3A_1354 = %scan3A_1341 to %scan3A_1343 step %scan3A_1344 iter_args(%scan3A_1355 = %broadcast_in_dim3A_1340) -> (vector<16xf32>)  : i32 {
          %mul3A_1356 = arith.constant 16 : i32
          %mul3A_1357 = arith.muli %scan3A_1354, %mul3A_1356 : i32
          %get3A_1358 = arith.constant 6 : i32
          %get3A_1359 = arith.index_cast %get3A_1358 : i32 to index
          %get3A_1360 = arith.index_cast %mul3A_1357 : i32 to index
          %get3A_1361 = tpu.vector_load %arg8[%get3A_1359, %get3A_1360] {strides = array<i32>} : memref<8x1408xf32, #tpu.memory_space<vmem>>, vector<1x16xf32>,
          %get3A_1362 = vector.shape_cast %get3A_1361 : vector<1x16xf32> to vector<16xf32>
          %mul3A_1363 = arith.constant 16 : i32
          %mul3A_1364 = arith.muli %scan3A_1354, %mul3A_1363 : i32
          %add3A_1365 = vector.broadcast %mul3A_1364 : i32 to vector<16xi32>
          %add3A_1366 = arith.addi %iota3A, %add3A_1365 : vector<16xi32>
          %eq3A = arith.cmpi eq, %add3A_1366, %broadcast_in_dim3A_1333 : vector<16xi32>
          %jit3A = arith.constant 0.000000e+00 : f32
          %broadcast_in_dim3A_1367 = vector.broadcast %jit3A : f32 to vector<16xf32>
          %select_n3A = arith.select %eq3A, %get3A_1362, %broadcast_in_dim3A_1367 : vector<16xi1>, vector<16xf32>
          %add3A_1368 = arith.addf %scan3A_1355, %select_n3A : vector<16xf32>
          scf.yield %add3A_1368 : vector<16xf32>
        }
        %scan3A_1346 = arith.constant 88 : i32
        %add3A_1347 = arith.addf %get3A_1338, %scan3A_1345 : vector<16xf32>
        %swap3A_1348 = arith.constant 6 : i32
        %swap3A_1349 = arith.index_cast %swap3A_1348 : i32 to index
        %swap3A_1350 = arith.constant 0 : index
        %swap3A_1351 = tpu.vector_load %arg14[%swap3A_1349, %swap3A_1350] {strides = array<i32>} : memref<8x16xf32, #tpu.memory_space<vmem>>, vector<1x16xf32>,
        %swap3A_1352 = vector.shape_cast %swap3A_1351 : vector<1x16xf32> to vector<16xf32>
        %swap3A_1353 = vector.shape_cast %add3A_1347 : vector<16xf32> to vector<1x16xf32>
        tpu.vector_store %arg14[%swap3A_1349, %swap3A_1350], %swap3A_1353 {strides = array<i32>} : memref<8x16xf32, #tpu.memory_space<vmem>>, vector<1x16xf32>,
      } else {
      }
      %broadcast_in_dim3A_1264 = arith.constant -3.000000e+38 : f32
      %broadcast_in_dim3A_1265 = vector.broadcast %broadcast_in_dim3A_1264 : f32 to vector<16xf32>
      %broadcast_in_dim3A_1266 = arith.constant 0.000000e+00 : f32
      %broadcast_in_dim3A_1267 = vector.broadcast %broadcast_in_dim3A_1266 : f32 to vector<16xf32>
      %scan3A_1268 = arith.constant 0 : i32
      %scan3A_1269 = arith.constant 88 : i32
      %scan3A_1270 = arith.addi %scan3A_1268, %scan3A_1269 : i32
      %scan3A_1271 = arith.constant 1 : i32
      %scan3A_1272:2 = scf.for %scan3A_1332 = %scan3A_1268 to %scan3A_1270 step %scan3A_1271 iter_args(%scan3A_1333 = %broadcast_in_dim3A_1265, %scan3A_1334 = %broadcast_in_dim3A_1267) -> (vector<16xf32>, vector<16xf32>)  : i32 {
        %mul3A_1335 = arith.constant 16 : i32
        %mul3A_1336 = arith.muli %scan3A_1332, %mul3A_1335 : i32
        %get3A_1337 = arith.constant 7 : i32
        %get3A_1338 = arith.index_cast %get3A_1337 : i32 to index
        %get3A_1339 = arith.index_cast %mul3A_1336 : i32 to index
        %get3A_1340 = tpu.vector_load %arg8[%get3A_1338, %get3A_1339] {strides = array<i32>} : memref<8x1408xf32, #tpu.memory_space<vmem>>, vector<1x16xf32>,
        %get3A_1341 = vector.shape_cast %get3A_1340 : vector<1x16xf32> to vector<16xf32>
        %max3A_1342 = arith.maximumf %scan3A_1333, %get3A_1341 : vector<16xf32>
        %add3A_1343 = arith.addf %scan3A_1334, %get3A_1341 : vector<16xf32>
        scf.yield %max3A_1342, %add3A_1343 : vector<16xf32>, vector<16xf32>
      }
      %scan3A_1273 = arith.constant 88 : i32
      %get3A_1274 = arith.constant 7 : i32
      %get3A_1275 = arith.index_cast %get3A_1274 : i32 to index
      %get3A_1276 = arith.constant 0 : index
      %get3A_1277 = tpu.vector_load %arg11[%get3A_1275, %get3A_1276] {strides = array<i32>} : memref<8x16xf32, #tpu.memory_space<vmem>>, vector<1x16xf32>,
      %get3A_1278 = vector.shape_cast %get3A_1277 : vector<1x16xf32> to vector<16xf32>
      %max3A_1279 = arith.maximumf %get3A_1278, %scan3A_1272#0 : vector<16xf32>
      %sub3A_1280 = arith.subf %get3A_1278, %max3A_1279 : vector<16xf32>
      %exp3A_1281 = math.exp %sub3A_1280 : vector<16xf32>
      %swap3A_1282 = arith.constant 7 : i32
      %swap3A_1283 = arith.index_cast %swap3A_1282 : i32 to index
      %swap3A_1284 = arith.constant 0 : index
      %swap3A_1285 = tpu.vector_load %arg11[%swap3A_1283, %swap3A_1284] {strides = array<i32>} : memref<8x16xf32, #tpu.memory_space<vmem>>, vector<1x16xf32>,
      %swap3A_1286 = vector.shape_cast %swap3A_1285 : vector<1x16xf32> to vector<16xf32>
      %swap3A_1287 = vector.shape_cast %max3A_1279 : vector<16xf32> to vector<1x16xf32>
      tpu.vector_store %arg11[%swap3A_1283, %swap3A_1284], %swap3A_1287 {strides = array<i32>} : memref<8x16xf32, #tpu.memory_space<vmem>>, vector<1x16xf32>,
      %get3A_1288 = arith.constant 7 : i32
      %get3A_1289 = arith.index_cast %get3A_1288 : i32 to index
      %get3A_1290 = arith.constant 0 : index
      %get3A_1291 = tpu.vector_load %arg13[%get3A_1289, %get3A_1290] {strides = array<i32>} : memref<8x16xf32, #tpu.memory_space<vmem>>, vector<1x16xf32>,
      %get3A_1292 = vector.shape_cast %get3A_1291 : vector<1x16xf32> to vector<16xf32>
      %add3A_1293 = arith.addf %get3A_1292, %scan3A_1272#1 : vector<16xf32>
      %swap3A_1294 = arith.constant 7 : i32
      %swap3A_1295 = arith.index_cast %swap3A_1294 : i32 to index
      %swap3A_1296 = arith.constant 0 : index
      %swap3A_1297 = tpu.vector_load %arg13[%swap3A_1295, %swap3A_1296] {strides = array<i32>} : memref<8x16xf32, #tpu.memory_space<vmem>>, vector<1x16xf32>,
      %swap3A_1298 = vector.shape_cast %swap3A_1297 : vector<1x16xf32> to vector<16xf32>
      %swap3A_1299 = vector.shape_cast %add3A_1293 : vector<16xf32> to vector<1x16xf32>
      tpu.vector_store %arg13[%swap3A_1295, %swap3A_1296], %swap3A_1299 {strides = array<i32>} : memref<8x16xf32, #tpu.memory_space<vmem>>, vector<1x16xf32>,
      %broadcast_in_dim3A_1300 = arith.constant 0.000000e+00 : f32
      %broadcast_in_dim3A_1301 = vector.broadcast %broadcast_in_dim3A_1300 : f32 to vector<16xf32>
      %scan3A_1302 = arith.constant 0 : i32
      %scan3A_1303 = arith.constant 88 : i32
      %scan3A_1304 = arith.addi %scan3A_1302, %scan3A_1303 : i32
      %scan3A_1305 = arith.constant 1 : i32
      %scan3A_1306 = scf.for %scan3A_1332 = %scan3A_1302 to %scan3A_1304 step %scan3A_1305 iter_args(%scan3A_1333 = %broadcast_in_dim3A_1301) -> (vector<16xf32>)  : i32 {
        %mul3A_1334 = arith.constant 16 : i32
        %mul3A_1335 = arith.muli %scan3A_1332, %mul3A_1334 : i32
        %get3A_1336 = arith.constant 7 : i32
        %get3A_1337 = arith.index_cast %get3A_1336 : i32 to index
        %get3A_1338 = arith.index_cast %mul3A_1335 : i32 to index
        %get3A_1339 = tpu.vector_load %arg8[%get3A_1337, %get3A_1338] {strides = array<i32>} : memref<8x1408xf32, #tpu.memory_space<vmem>>, vector<1x16xf32>,
        %get3A_1340 = vector.shape_cast %get3A_1339 : vector<1x16xf32> to vector<16xf32>
        %sub3A_1341 = arith.subf %get3A_1340, %max3A_1279 : vector<16xf32>
        %exp3A_1342 = math.exp %sub3A_1341 : vector<16xf32>
        %add3A_1343 = arith.addf %scan3A_1333, %exp3A_1342 : vector<16xf32>
        scf.yield %add3A_1343 : vector<16xf32>
      }
      %scan3A_1307 = arith.constant 88 : i32
      %get3A_1308 = arith.constant 7 : i32
      %get3A_1309 = arith.index_cast %get3A_1308 : i32 to index
      %get3A_1310 = arith.constant 0 : index
      %get3A_1311 = tpu.vector_load %arg12[%get3A_1309, %get3A_1310] {strides = array<i32>} : memref<8x16xf32, #tpu.memory_space<vmem>>, vector<1x16xf32>,
      %get3A_1312 = vector.shape_cast %get3A_1311 : vector<1x16xf32> to vector<16xf32>
      %mul3A_1313 = arith.mulf %get3A_1312, %exp3A_1281 : vector<16xf32>
      %add3A_1314 = arith.addf %mul3A_1313, %scan3A_1306 : vector<16xf32>
      %swap3A_1315 = arith.constant 7 : i32
      %swap3A_1316 = arith.index_cast %swap3A_1315 : i32 to index
      %swap3A_1317 = arith.constant 0 : index
      %swap3A_1318 = tpu.vector_load %arg12[%swap3A_1316, %swap3A_1317] {strides = array<i32>} : memref<8x16xf32, #tpu.memory_space<vmem>>, vector<1x16xf32>,
      %swap3A_1319 = vector.shape_cast %swap3A_1318 : vector<1x16xf32> to vector<16xf32>
      %swap3A_1320 = vector.shape_cast %add3A_1314 : vector<16xf32> to vector<1x16xf32>
      tpu.vector_store %arg12[%swap3A_1316, %swap3A_1317], %swap3A_1320 {strides = array<i32>} : memref<8x16xf32, #tpu.memory_space<vmem>>, vector<1x16xf32>,
      %slice3A_1321 = vector.extract_strided_slice %get3A_4 {offsets = [7], sizes = [1], strides = [1]} : vector<16xi32> to vector<1xi32>
      %squeeze3A_1322 = vector.extract %slice3A_1321[0] : i32 from vector<1xi32>
      %ge3A_1323 = arith.cmpi sge, %squeeze3A_1322, %mul3A_794 : i32
      %add3A_1324 = arith.constant 1408 : i32
      %add3A_1325 = arith.addi %mul3A_794, %add3A_1324 : i32
      %lt3A_1326 = arith.cmpi slt, %squeeze3A_1322, %add3A_1325 : i32
      %and3A_1327 = arith.andi %ge3A_1323, %lt3A_1326 : i1
      %convert_element_type3A_1328 = arith.extui %and3A_1327 : i1 to i32
      %cond3A_1329 = arith.constant 0 : i32
      %cond3A_1330 = arith.cmpi ne, %convert_element_type3A_1328, %cond3A_1329 : i32
      scf.if %cond3A_1330 {
        %sub3A_1332 = arith.subi %squeeze3A_1322, %mul3A_794 : i32
        %broadcast_in_dim3A_1333 = vector.broadcast %sub3A_1332 : i32 to vector<16xi32>
        %get3A_1334 = arith.constant 7 : i32
        %get3A_1335 = arith.index_cast %get3A_1334 : i32 to index
        %get3A_1336 = arith.constant 0 : index
        %get3A_1337 = tpu.vector_load %arg14[%get3A_1335, %get3A_1336] {strides = array<i32>} : memref<8x16xf32, #tpu.memory_space<vmem>>, vector<1x16xf32>,
        %get3A_1338 = vector.shape_cast %get3A_1337 : vector<1x16xf32> to vector<16xf32>
        %broadcast_in_dim3A_1339 = arith.constant 0.000000e+00 : f32
        %broadcast_in_dim3A_1340 = vector.broadcast %broadcast_in_dim3A_1339 : f32 to vector<16xf32>
        %scan3A_1341 = arith.constant 0 : i32
        %scan3A_1342 = arith.constant 88 : i32
        %scan3A_1343 = arith.addi %scan3A_1341, %scan3A_1342 : i32
        %scan3A_1344 = arith.constant 1 : i32
        %scan3A_1345 = scf.for %scan3A_1354 = %scan3A_1341 to %scan3A_1343 step %scan3A_1344 iter_args(%scan3A_1355 = %broadcast_in_dim3A_1340) -> (vector<16xf32>)  : i32 {
          %mul3A_1356 = arith.constant 16 : i32
          %mul3A_1357 = arith.muli %scan3A_1354, %mul3A_1356 : i32
          %get3A_1358 = arith.constant 7 : i32
          %get3A_1359 = arith.index_cast %get3A_1358 : i32 to index
          %get3A_1360 = arith.index_cast %mul3A_1357 : i32 to index
          %get3A_1361 = tpu.vector_load %arg8[%get3A_1359, %get3A_1360] {strides = array<i32>} : memref<8x1408xf32, #tpu.memory_space<vmem>>, vector<1x16xf32>,
          %get3A_1362 = vector.shape_cast %get3A_1361 : vector<1x16xf32> to vector<16xf32>
          %mul3A_1363 = arith.constant 16 : i32
          %mul3A_1364 = arith.muli %scan3A_1354, %mul3A_1363 : i32
          %add3A_1365 = vector.broadcast %mul3A_1364 : i32 to vector<16xi32>
          %add3A_1366 = arith.addi %iota3A, %add3A_1365 : vector<16xi32>
          %eq3A = arith.cmpi eq, %add3A_1366, %broadcast_in_dim3A_1333 : vector<16xi32>
          %jit3A = arith.constant 0.000000e+00 : f32
          %broadcast_in_dim3A_1367 = vector.broadcast %jit3A : f32 to vector<16xf32>
          %select_n3A = arith.select %eq3A, %get3A_1362, %broadcast_in_dim3A_1367 : vector<16xi1>, vector<16xf32>
          %add3A_1368 = arith.addf %scan3A_1355, %select_n3A : vector<16xf32>
          scf.yield %add3A_1368 : vector<16xf32>
        }
        %scan3A_1346 = arith.constant 88 : i32
        %add3A_1347 = arith.addf %get3A_1338, %scan3A_1345 : vector<16xf32>
        %swap3A_1348 = arith.constant 7 : i32
        %swap3A_1349 = arith.index_cast %swap3A_1348 : i32 to index
        %swap3A_1350 = arith.constant 0 : index
        %swap3A_1351 = tpu.vector_load %arg14[%swap3A_1349, %swap3A_1350] {strides = array<i32>} : memref<8x16xf32, #tpu.memory_space<vmem>>, vector<1x16xf32>,
        %swap3A_1352 = vector.shape_cast %swap3A_1351 : vector<1x16xf32> to vector<16xf32>
        %swap3A_1353 = vector.shape_cast %add3A_1347 : vector<16xf32> to vector<1x16xf32>
        tpu.vector_store %arg14[%swap3A_1349, %swap3A_1350], %swap3A_1353 {strides = array<i32>} : memref<8x16xf32, #tpu.memory_space<vmem>>, vector<1x16xf32>,
      } else {
      }
      %scan3A_1331 = arith.constant 0 : i32
      scf.yield %scan3A_1331 : i32
    }
    %scan3A_264 = arith.constant 71 : i32
    "tpu.region"() ({
      %run_scoped3A = tpu.sem_alloc : memref<!tpu.dma_semaphore, #tpu.memory_space<semaphore_mem>>
      %dma_start3A = arith.constant 99968 : i32
      %dma_start3A_791 = tpu.memref_slice %arg2[%mul3A_2, %dma_start3A] : memref<1024x100000xf32, #tpu.memory_space<hbm>> -> memref<8x32xf32, #tpu.memory_space<hbm>>
      %dma_start3A_792 = arith.constant 99968 : i32
      %dma_start3A_793 = tpu.memref_slice %arg2[%mul3A_2, %dma_start3A_792] : memref<1024x100000xf32, #tpu.memory_space<hbm>> -> memref<8x32xf32, #tpu.memory_space<hbm>>
      tpu.enqueue_dma source(%dma_start3A_793 : memref<8x32xf32, #tpu.memory_space<hbm>>) target(%arg9 : memref<8x32xf32, #tpu.memory_space<vmem>>) target_semaphore(%run_scoped3A : memref<!tpu.dma_semaphore, #tpu.memory_space<semaphore_mem>>)
      %dma_wait3A = arith.constant 99968 : i32
      %dma_wait3A_794 = tpu.memref_slice %arg2[%mul3A_2, %dma_wait3A] : memref<1024x100000xf32, #tpu.memory_space<hbm>> -> memref<8x32xf32, #tpu.memory_space<hbm>>
      %dma_wait3A_795 = arith.constant 99968 : i32
      %dma_wait3A_796 = tpu.memref_slice %arg2[%mul3A_2, %dma_wait3A_795] : memref<1024x100000xf32, #tpu.memory_space<hbm>> -> memref<8x32xf32, #tpu.memory_space<hbm>>
      tpu.wait_dma2 semaphore(%run_scoped3A : memref<!tpu.dma_semaphore, #tpu.memory_space<semaphore_mem>>) src(%dma_wait3A_796 : memref<8x32xf32, #tpu.memory_space<hbm>>) dst(%arg9 : memref<8x32xf32, #tpu.memory_space<vmem>>)
      tpu.yield
    }) : () -> ()
    %broadcast_in_dim3A_265 = arith.constant -3.000000e+38 : f32
    %broadcast_in_dim3A_266 = vector.broadcast %broadcast_in_dim3A_265 : f32 to vector<16xf32>
    %broadcast_in_dim3A_267 = arith.constant 0.000000e+00 : f32
    %broadcast_in_dim3A_268 = vector.broadcast %broadcast_in_dim3A_267 : f32 to vector<16xf32>
    %scan3A_269 = arith.constant 0 : i32
    %scan3A_270 = arith.constant 2 : i32
    %scan3A_271 = arith.addi %scan3A_269, %scan3A_270 : i32
    %scan3A_272 = arith.constant 1 : i32
    %scan3A_273:2 = scf.for %scan3A_791 = %scan3A_269 to %scan3A_271 step %scan3A_272 iter_args(%scan3A_792 = %broadcast_in_dim3A_266, %scan3A_793 = %broadcast_in_dim3A_268) -> (vector<16xf32>, vector<16xf32>)  : i32 {
      %mul3A_794 = arith.constant 16 : i32
      %mul3A_795 = arith.muli %scan3A_791, %mul3A_794 : i32
      %get3A_796 = arith.constant 0 : i32
      %get3A_797 = arith.index_cast %get3A_796 : i32 to index
      %get3A_798 = arith.index_cast %mul3A_795 : i32 to index
      %get3A_799 = tpu.vector_load %arg9[%get3A_797, %get3A_798] {strides = array<i32>} : memref<8x32xf32, #tpu.memory_space<vmem>>, vector<1x16xf32>,
      %get3A_800 = vector.shape_cast %get3A_799 : vector<1x16xf32> to vector<16xf32>
      %max3A_801 = arith.maximumf %scan3A_792, %get3A_800 : vector<16xf32>
      %add3A_802 = arith.addf %scan3A_793, %get3A_800 : vector<16xf32>
      scf.yield %max3A_801, %add3A_802 : vector<16xf32>, vector<16xf32>
    }
    %scan3A_274 = arith.constant 2 : i32
    %get3A_275 = arith.constant 0 : i32
    %get3A_276 = arith.index_cast %get3A_275 : i32 to index
    %get3A_277 = arith.constant 0 : index
    %get3A_278 = tpu.vector_load %arg11[%get3A_276, %get3A_277] {strides = array<i32>} : memref<8x16xf32, #tpu.memory_space<vmem>>, vector<1x16xf32>,
    %get3A_279 = vector.shape_cast %get3A_278 : vector<1x16xf32> to vector<16xf32>
    %max3A = arith.maximumf %get3A_279, %scan3A_273#0 : vector<16xf32>
    %sub3A = arith.subf %get3A_279, %max3A : vector<16xf32>
    %exp3A = math.exp %sub3A : vector<16xf32>
    %swap3A_280 = arith.constant 0 : i32
    %swap3A_281 = arith.index_cast %swap3A_280 : i32 to index
    %swap3A_282 = arith.constant 0 : index
    %swap3A_283 = tpu.vector_load %arg11[%swap3A_281, %swap3A_282] {strides = array<i32>} : memref<8x16xf32, #tpu.memory_space<vmem>>, vector<1x16xf32>,
    %swap3A_284 = vector.shape_cast %swap3A_283 : vector<1x16xf32> to vector<16xf32>
    %swap3A_285 = vector.shape_cast %max3A : vector<16xf32> to vector<1x16xf32>
    tpu.vector_store %arg11[%swap3A_281, %swap3A_282], %swap3A_285 {strides = array<i32>} : memref<8x16xf32, #tpu.memory_space<vmem>>, vector<1x16xf32>,
    %get3A_286 = arith.constant 0 : i32
    %get3A_287 = arith.index_cast %get3A_286 : i32 to index
    %get3A_288 = arith.constant 0 : index
    %get3A_289 = tpu.vector_load %arg13[%get3A_287, %get3A_288] {strides = array<i32>} : memref<8x16xf32, #tpu.memory_space<vmem>>, vector<1x16xf32>,
    %get3A_290 = vector.shape_cast %get3A_289 : vector<1x16xf32> to vector<16xf32>
    %add3A_291 = arith.addf %get3A_290, %scan3A_273#1 : vector<16xf32>
    %swap3A_292 = arith.constant 0 : i32
    %swap3A_293 = arith.index_cast %swap3A_292 : i32 to index
    %swap3A_294 = arith.constant 0 : index
    %swap3A_295 = tpu.vector_load %arg13[%swap3A_293, %swap3A_294] {strides = array<i32>} : memref<8x16xf32, #tpu.memory_space<vmem>>, vector<1x16xf32>,
    %swap3A_296 = vector.shape_cast %swap3A_295 : vector<1x16xf32> to vector<16xf32>
    %swap3A_297 = vector.shape_cast %add3A_291 : vector<16xf32> to vector<1x16xf32>
    tpu.vector_store %arg13[%swap3A_293, %swap3A_294], %swap3A_297 {strides = array<i32>} : memref<8x16xf32, #tpu.memory_space<vmem>>, vector<1x16xf32>,
    %broadcast_in_dim3A_298 = arith.constant 0.000000e+00 : f32
    %broadcast_in_dim3A_299 = vector.broadcast %broadcast_in_dim3A_298 : f32 to vector<16xf32>
    %scan3A_300 = arith.constant 0 : i32
    %scan3A_301 = arith.constant 2 : i32
    %scan3A_302 = arith.addi %scan3A_300, %scan3A_301 : i32
    %scan3A_303 = arith.constant 1 : i32
    %scan3A_304 = scf.for %scan3A_791 = %scan3A_300 to %scan3A_302 step %scan3A_303 iter_args(%scan3A_792 = %broadcast_in_dim3A_299) -> (vector<16xf32>)  : i32 {
      %mul3A_793 = arith.constant 16 : i32
      %mul3A_794 = arith.muli %scan3A_791, %mul3A_793 : i32
      %get3A_795 = arith.constant 0 : i32
      %get3A_796 = arith.index_cast %get3A_795 : i32 to index
      %get3A_797 = arith.index_cast %mul3A_794 : i32 to index
      %get3A_798 = tpu.vector_load %arg9[%get3A_796, %get3A_797] {strides = array<i32>} : memref<8x32xf32, #tpu.memory_space<vmem>>, vector<1x16xf32>,
      %get3A_799 = vector.shape_cast %get3A_798 : vector<1x16xf32> to vector<16xf32>
      %sub3A_800 = arith.subf %get3A_799, %max3A : vector<16xf32>
      %exp3A_801 = math.exp %sub3A_800 : vector<16xf32>
      %add3A_802 = arith.addf %scan3A_792, %exp3A_801 : vector<16xf32>
      scf.yield %add3A_802 : vector<16xf32>
    }
    %scan3A_305 = arith.constant 2 : i32
    %get3A_306 = arith.constant 0 : i32
    %get3A_307 = arith.index_cast %get3A_306 : i32 to index
    %get3A_308 = arith.constant 0 : index
    %get3A_309 = tpu.vector_load %arg12[%get3A_307, %get3A_308] {strides = array<i32>} : memref<8x16xf32, #tpu.memory_space<vmem>>, vector<1x16xf32>,
    %get3A_310 = vector.shape_cast %get3A_309 : vector<1x16xf32> to vector<16xf32>
    %mul3A_311 = arith.mulf %get3A_310, %exp3A : vector<16xf32>
    %add3A_312 = arith.addf %mul3A_311, %scan3A_304 : vector<16xf32>
    %swap3A_313 = arith.constant 0 : i32
    %swap3A_314 = arith.index_cast %swap3A_313 : i32 to index
    %swap3A_315 = arith.constant 0 : index
    %swap3A_316 = tpu.vector_load %arg12[%swap3A_314, %swap3A_315] {strides = array<i32>} : memref<8x16xf32, #tpu.memory_space<vmem>>, vector<1x16xf32>,
    %swap3A_317 = vector.shape_cast %swap3A_316 : vector<1x16xf32> to vector<16xf32>
    %swap3A_318 = vector.shape_cast %add3A_312 : vector<16xf32> to vector<1x16xf32>
    tpu.vector_store %arg12[%swap3A_314, %swap3A_315], %swap3A_318 {strides = array<i32>} : memref<8x16xf32, #tpu.memory_space<vmem>>, vector<1x16xf32>,
    %slice3A = vector.extract_strided_slice %get3A_4 {offsets = [0], sizes = [1], strides = [1]} : vector<16xi32> to vector<1xi32>
    %squeeze3A = vector.extract %slice3A[0] : i32 from vector<1xi32>
    %ge3A = arith.constant 99968 : i32
    %ge3A_319 = arith.cmpi sge, %squeeze3A, %ge3A : i32
    %lt3A = arith.constant 100000 : i32
    %lt3A_320 = arith.cmpi slt, %squeeze3A, %lt3A : i32
    %and3A = arith.andi %ge3A_319, %lt3A_320 : i1
    %convert_element_type3A = arith.extui %and3A : i1 to i32
    %cond3A = arith.constant 0 : i32
    %cond3A_321 = arith.cmpi ne, %convert_element_type3A, %cond3A : i32
    scf.if %cond3A_321 {
      %sub3A_791 = arith.constant 99968 : i32
      %sub3A_792 = arith.subi %squeeze3A, %sub3A_791 : i32
      %broadcast_in_dim3A_793 = vector.broadcast %sub3A_792 : i32 to vector<16xi32>
      %get3A_794 = arith.constant 0 : i32
      %get3A_795 = arith.index_cast %get3A_794 : i32 to index
      %get3A_796 = arith.constant 0 : index
      %get3A_797 = tpu.vector_load %arg14[%get3A_795, %get3A_796] {strides = array<i32>} : memref<8x16xf32, #tpu.memory_space<vmem>>, vector<1x16xf32>,
      %get3A_798 = vector.shape_cast %get3A_797 : vector<1x16xf32> to vector<16xf32>
      %broadcast_in_dim3A_799 = arith.constant 0.000000e+00 : f32
      %broadcast_in_dim3A_800 = vector.broadcast %broadcast_in_dim3A_799 : f32 to vector<16xf32>
      %scan3A_801 = arith.constant 0 : i32
      %scan3A_802 = arith.constant 2 : i32
      %scan3A_803 = arith.addi %scan3A_801, %scan3A_802 : i32
      %scan3A_804 = arith.constant 1 : i32
      %scan3A_805 = scf.for %scan3A_814 = %scan3A_801 to %scan3A_803 step %scan3A_804 iter_args(%scan3A_815 = %broadcast_in_dim3A_800) -> (vector<16xf32>)  : i32 {
        %mul3A_816 = arith.constant 16 : i32
        %mul3A_817 = arith.muli %scan3A_814, %mul3A_816 : i32
        %get3A_818 = arith.constant 0 : i32
        %get3A_819 = arith.index_cast %get3A_818 : i32 to index
        %get3A_820 = arith.index_cast %mul3A_817 : i32 to index
        %get3A_821 = tpu.vector_load %arg9[%get3A_819, %get3A_820] {strides = array<i32>} : memref<8x32xf32, #tpu.memory_space<vmem>>, vector<1x16xf32>,
        %get3A_822 = vector.shape_cast %get3A_821 : vector<1x16xf32> to vector<16xf32>
        %mul3A_823 = arith.constant 16 : i32
        %mul3A_824 = arith.muli %scan3A_814, %mul3A_823 : i32
        %add3A_825 = vector.broadcast %mul3A_824 : i32 to vector<16xi32>
        %add3A_826 = arith.addi %iota3A, %add3A_825 : vector<16xi32>
        %eq3A = arith.cmpi eq, %add3A_826, %broadcast_in_dim3A_793 : vector<16xi32>
        %jit3A = arith.constant 0.000000e+00 : f32
        %broadcast_in_dim3A_827 = vector.broadcast %jit3A : f32 to vector<16xf32>
        %select_n3A = arith.select %eq3A, %get3A_822, %broadcast_in_dim3A_827 : vector<16xi1>, vector<16xf32>
        %add3A_828 = arith.addf %scan3A_815, %select_n3A : vector<16xf32>
        scf.yield %add3A_828 : vector<16xf32>
      }
      %scan3A_806 = arith.constant 2 : i32
      %add3A_807 = arith.addf %get3A_798, %scan3A_805 : vector<16xf32>
      %swap3A_808 = arith.constant 0 : i32
      %swap3A_809 = arith.index_cast %swap3A_808 : i32 to index
      %swap3A_810 = arith.constant 0 : index
      %swap3A_811 = tpu.vector_load %arg14[%swap3A_809, %swap3A_810] {strides = array<i32>} : memref<8x16xf32, #tpu.memory_space<vmem>>, vector<1x16xf32>,
      %swap3A_812 = vector.shape_cast %swap3A_811 : vector<1x16xf32> to vector<16xf32>
      %swap3A_813 = vector.shape_cast %add3A_807 : vector<16xf32> to vector<1x16xf32>
      tpu.vector_store %arg14[%swap3A_809, %swap3A_810], %swap3A_813 {strides = array<i32>} : memref<8x16xf32, #tpu.memory_space<vmem>>, vector<1x16xf32>,
    } else {
    }
    %broadcast_in_dim3A_322 = arith.constant -3.000000e+38 : f32
    %broadcast_in_dim3A_323 = vector.broadcast %broadcast_in_dim3A_322 : f32 to vector<16xf32>
    %broadcast_in_dim3A_324 = arith.constant 0.000000e+00 : f32
    %broadcast_in_dim3A_325 = vector.broadcast %broadcast_in_dim3A_324 : f32 to vector<16xf32>
    %scan3A_326 = arith.constant 0 : i32
    %scan3A_327 = arith.constant 2 : i32
    %scan3A_328 = arith.addi %scan3A_326, %scan3A_327 : i32
    %scan3A_329 = arith.constant 1 : i32
    %scan3A_330:2 = scf.for %scan3A_791 = %scan3A_326 to %scan3A_328 step %scan3A_329 iter_args(%scan3A_792 = %broadcast_in_dim3A_323, %scan3A_793 = %broadcast_in_dim3A_325) -> (vector<16xf32>, vector<16xf32>)  : i32 {
      %mul3A_794 = arith.constant 16 : i32
      %mul3A_795 = arith.muli %scan3A_791, %mul3A_794 : i32
      %get3A_796 = arith.constant 1 : i32
      %get3A_797 = arith.index_cast %get3A_796 : i32 to index
      %get3A_798 = arith.index_cast %mul3A_795 : i32 to index
      %get3A_799 = tpu.vector_load %arg9[%get3A_797, %get3A_798] {strides = array<i32>} : memref<8x32xf32, #tpu.memory_space<vmem>>, vector<1x16xf32>,
      %get3A_800 = vector.shape_cast %get3A_799 : vector<1x16xf32> to vector<16xf32>
      %max3A_801 = arith.maximumf %scan3A_792, %get3A_800 : vector<16xf32>
      %add3A_802 = arith.addf %scan3A_793, %get3A_800 : vector<16xf32>
      scf.yield %max3A_801, %add3A_802 : vector<16xf32>, vector<16xf32>
    }
    %scan3A_331 = arith.constant 2 : i32
    %get3A_332 = arith.constant 1 : i32
    %get3A_333 = arith.index_cast %get3A_332 : i32 to index
    %get3A_334 = arith.constant 0 : index
    %get3A_335 = tpu.vector_load %arg11[%get3A_333, %get3A_334] {strides = array<i32>} : memref<8x16xf32, #tpu.memory_space<vmem>>, vector<1x16xf32>,
    %get3A_336 = vector.shape_cast %get3A_335 : vector<1x16xf32> to vector<16xf32>
    %max3A_337 = arith.maximumf %get3A_336, %scan3A_330#0 : vector<16xf32>
    %sub3A_338 = arith.subf %get3A_336, %max3A_337 : vector<16xf32>
    %exp3A_339 = math.exp %sub3A_338 : vector<16xf32>
    %swap3A_340 = arith.constant 1 : i32
    %swap3A_341 = arith.index_cast %swap3A_340 : i32 to index
    %swap3A_342 = arith.constant 0 : index
    %swap3A_343 = tpu.vector_load %arg11[%swap3A_341, %swap3A_342] {strides = array<i32>} : memref<8x16xf32, #tpu.memory_space<vmem>>, vector<1x16xf32>,
    %swap3A_344 = vector.shape_cast %swap3A_343 : vector<1x16xf32> to vector<16xf32>
    %swap3A_345 = vector.shape_cast %max3A_337 : vector<16xf32> to vector<1x16xf32>
    tpu.vector_store %arg11[%swap3A_341, %swap3A_342], %swap3A_345 {strides = array<i32>} : memref<8x16xf32, #tpu.memory_space<vmem>>, vector<1x16xf32>,
    %get3A_346 = arith.constant 1 : i32
    %get3A_347 = arith.index_cast %get3A_346 : i32 to index
    %get3A_348 = arith.constant 0 : index
    %get3A_349 = tpu.vector_load %arg13[%get3A_347, %get3A_348] {strides = array<i32>} : memref<8x16xf32, #tpu.memory_space<vmem>>, vector<1x16xf32>,
    %get3A_350 = vector.shape_cast %get3A_349 : vector<1x16xf32> to vector<16xf32>
    %add3A_351 = arith.addf %get3A_350, %scan3A_330#1 : vector<16xf32>
    %swap3A_352 = arith.constant 1 : i32
    %swap3A_353 = arith.index_cast %swap3A_352 : i32 to index
    %swap3A_354 = arith.constant 0 : index
    %swap3A_355 = tpu.vector_load %arg13[%swap3A_353, %swap3A_354] {strides = array<i32>} : memref<8x16xf32, #tpu.memory_space<vmem>>, vector<1x16xf32>,
    %swap3A_356 = vector.shape_cast %swap3A_355 : vector<1x16xf32> to vector<16xf32>
    %swap3A_357 = vector.shape_cast %add3A_351 : vector<16xf32> to vector<1x16xf32>
    tpu.vector_store %arg13[%swap3A_353, %swap3A_354], %swap3A_357 {strides = array<i32>} : memref<8x16xf32, #tpu.memory_space<vmem>>, vector<1x16xf32>,
    %broadcast_in_dim3A_358 = arith.constant 0.000000e+00 : f32
    %broadcast_in_dim3A_359 = vector.broadcast %broadcast_in_dim3A_358 : f32 to vector<16xf32>
    %scan3A_360 = arith.constant 0 : i32
    %scan3A_361 = arith.constant 2 : i32
    %scan3A_362 = arith.addi %scan3A_360, %scan3A_361 : i32
    %scan3A_363 = arith.constant 1 : i32
    %scan3A_364 = scf.for %scan3A_791 = %scan3A_360 to %scan3A_362 step %scan3A_363 iter_args(%scan3A_792 = %broadcast_in_dim3A_359) -> (vector<16xf32>)  : i32 {
      %mul3A_793 = arith.constant 16 : i32
      %mul3A_794 = arith.muli %scan3A_791, %mul3A_793 : i32
      %get3A_795 = arith.constant 1 : i32
      %get3A_796 = arith.index_cast %get3A_795 : i32 to index
      %get3A_797 = arith.index_cast %mul3A_794 : i32 to index
      %get3A_798 = tpu.vector_load %arg9[%get3A_796, %get3A_797] {strides = array<i32>} : memref<8x32xf32, #tpu.memory_space<vmem>>, vector<1x16xf32>,
      %get3A_799 = vector.shape_cast %get3A_798 : vector<1x16xf32> to vector<16xf32>
      %sub3A_800 = arith.subf %get3A_799, %max3A_337 : vector<16xf32>
      %exp3A_801 = math.exp %sub3A_800 : vector<16xf32>
      %add3A_802 = arith.addf %scan3A_792, %exp3A_801 : vector<16xf32>
      scf.yield %add3A_802 : vector<16xf32>
    }
    %scan3A_365 = arith.constant 2 : i32
    %get3A_366 = arith.constant 1 : i32
    %get3A_367 = arith.index_cast %get3A_366 : i32 to index
    %get3A_368 = arith.constant 0 : index
    %get3A_369 = tpu.vector_load %arg12[%get3A_367, %get3A_368] {strides = array<i32>} : memref<8x16xf32, #tpu.memory_space<vmem>>, vector<1x16xf32>,
    %get3A_370 = vector.shape_cast %get3A_369 : vector<1x16xf32> to vector<16xf32>
    %mul3A_371 = arith.mulf %get3A_370, %exp3A_339 : vector<16xf32>
    %add3A_372 = arith.addf %mul3A_371, %scan3A_364 : vector<16xf32>
    %swap3A_373 = arith.constant 1 : i32
    %swap3A_374 = arith.index_cast %swap3A_373 : i32 to index
    %swap3A_375 = arith.constant 0 : index
    %swap3A_376 = tpu.vector_load %arg12[%swap3A_374, %swap3A_375] {strides = array<i32>} : memref<8x16xf32, #tpu.memory_space<vmem>>, vector<1x16xf32>,
    %swap3A_377 = vector.shape_cast %swap3A_376 : vector<1x16xf32> to vector<16xf32>
    %swap3A_378 = vector.shape_cast %add3A_372 : vector<16xf32> to vector<1x16xf32>
    tpu.vector_store %arg12[%swap3A_374, %swap3A_375], %swap3A_378 {strides = array<i32>} : memref<8x16xf32, #tpu.memory_space<vmem>>, vector<1x16xf32>,
    %slice3A_379 = vector.extract_strided_slice %get3A_4 {offsets = [1], sizes = [1], strides = [1]} : vector<16xi32> to vector<1xi32>
    %squeeze3A_380 = vector.extract %slice3A_379[0] : i32 from vector<1xi32>
    %ge3A_381 = arith.constant 99968 : i32
    %ge3A_382 = arith.cmpi sge, %squeeze3A_380, %ge3A_381 : i32
    %lt3A_383 = arith.constant 100000 : i32
    %lt3A_384 = arith.cmpi slt, %squeeze3A_380, %lt3A_383 : i32
    %and3A_385 = arith.andi %ge3A_382, %lt3A_384 : i1
    %convert_element_type3A_386 = arith.extui %and3A_385 : i1 to i32
    %cond3A_387 = arith.constant 0 : i32
    %cond3A_388 = arith.cmpi ne, %convert_element_type3A_386, %cond3A_387 : i32
    scf.if %cond3A_388 {
      %sub3A_791 = arith.constant 99968 : i32
      %sub3A_792 = arith.subi %squeeze3A_380, %sub3A_791 : i32
      %broadcast_in_dim3A_793 = vector.broadcast %sub3A_792 : i32 to vector<16xi32>
      %get3A_794 = arith.constant 1 : i32
      %get3A_795 = arith.index_cast %get3A_794 : i32 to index
      %get3A_796 = arith.constant 0 : index
      %get3A_797 = tpu.vector_load %arg14[%get3A_795, %get3A_796] {strides = array<i32>} : memref<8x16xf32, #tpu.memory_space<vmem>>, vector<1x16xf32>,
      %get3A_798 = vector.shape_cast %get3A_797 : vector<1x16xf32> to vector<16xf32>
      %broadcast_in_dim3A_799 = arith.constant 0.000000e+00 : f32
      %broadcast_in_dim3A_800 = vector.broadcast %broadcast_in_dim3A_799 : f32 to vector<16xf32>
      %scan3A_801 = arith.constant 0 : i32
      %scan3A_802 = arith.constant 2 : i32
      %scan3A_803 = arith.addi %scan3A_801, %scan3A_802 : i32
      %scan3A_804 = arith.constant 1 : i32
      %scan3A_805 = scf.for %scan3A_814 = %scan3A_801 to %scan3A_803 step %scan3A_804 iter_args(%scan3A_815 = %broadcast_in_dim3A_800) -> (vector<16xf32>)  : i32 {
        %mul3A_816 = arith.constant 16 : i32
        %mul3A_817 = arith.muli %scan3A_814, %mul3A_816 : i32
        %get3A_818 = arith.constant 1 : i32
        %get3A_819 = arith.index_cast %get3A_818 : i32 to index
        %get3A_820 = arith.index_cast %mul3A_817 : i32 to index
        %get3A_821 = tpu.vector_load %arg9[%get3A_819, %get3A_820] {strides = array<i32>} : memref<8x32xf32, #tpu.memory_space<vmem>>, vector<1x16xf32>,
        %get3A_822 = vector.shape_cast %get3A_821 : vector<1x16xf32> to vector<16xf32>
        %mul3A_823 = arith.constant 16 : i32
        %mul3A_824 = arith.muli %scan3A_814, %mul3A_823 : i32
        %add3A_825 = vector.broadcast %mul3A_824 : i32 to vector<16xi32>
        %add3A_826 = arith.addi %iota3A, %add3A_825 : vector<16xi32>
        %eq3A = arith.cmpi eq, %add3A_826, %broadcast_in_dim3A_793 : vector<16xi32>
        %jit3A = arith.constant 0.000000e+00 : f32
        %broadcast_in_dim3A_827 = vector.broadcast %jit3A : f32 to vector<16xf32>
        %select_n3A = arith.select %eq3A, %get3A_822, %broadcast_in_dim3A_827 : vector<16xi1>, vector<16xf32>
        %add3A_828 = arith.addf %scan3A_815, %select_n3A : vector<16xf32>
        scf.yield %add3A_828 : vector<16xf32>
      }
      %scan3A_806 = arith.constant 2 : i32
      %add3A_807 = arith.addf %get3A_798, %scan3A_805 : vector<16xf32>
      %swap3A_808 = arith.constant 1 : i32
      %swap3A_809 = arith.index_cast %swap3A_808 : i32 to index
      %swap3A_810 = arith.constant 0 : index
      %swap3A_811 = tpu.vector_load %arg14[%swap3A_809, %swap3A_810] {strides = array<i32>} : memref<8x16xf32, #tpu.memory_space<vmem>>, vector<1x16xf32>,
      %swap3A_812 = vector.shape_cast %swap3A_811 : vector<1x16xf32> to vector<16xf32>
      %swap3A_813 = vector.shape_cast %add3A_807 : vector<16xf32> to vector<1x16xf32>
      tpu.vector_store %arg14[%swap3A_809, %swap3A_810], %swap3A_813 {strides = array<i32>} : memref<8x16xf32, #tpu.memory_space<vmem>>, vector<1x16xf32>,
    } else {
    }
    %broadcast_in_dim3A_389 = arith.constant -3.000000e+38 : f32
    %broadcast_in_dim3A_390 = vector.broadcast %broadcast_in_dim3A_389 : f32 to vector<16xf32>
    %broadcast_in_dim3A_391 = arith.constant 0.000000e+00 : f32
    %broadcast_in_dim3A_392 = vector.broadcast %broadcast_in_dim3A_391 : f32 to vector<16xf32>
    %scan3A_393 = arith.constant 0 : i32
    %scan3A_394 = arith.constant 2 : i32
    %scan3A_395 = arith.addi %scan3A_393, %scan3A_394 : i32
    %scan3A_396 = arith.constant 1 : i32
    %scan3A_397:2 = scf.for %scan3A_791 = %scan3A_393 to %scan3A_395 step %scan3A_396 iter_args(%scan3A_792 = %broadcast_in_dim3A_390, %scan3A_793 = %broadcast_in_dim3A_392) -> (vector<16xf32>, vector<16xf32>)  : i32 {
      %mul3A_794 = arith.constant 16 : i32
      %mul3A_795 = arith.muli %scan3A_791, %mul3A_794 : i32
      %get3A_796 = arith.constant 2 : i32
      %get3A_797 = arith.index_cast %get3A_796 : i32 to index
      %get3A_798 = arith.index_cast %mul3A_795 : i32 to index
      %get3A_799 = tpu.vector_load %arg9[%get3A_797, %get3A_798] {strides = array<i32>} : memref<8x32xf32, #tpu.memory_space<vmem>>, vector<1x16xf32>,
      %get3A_800 = vector.shape_cast %get3A_799 : vector<1x16xf32> to vector<16xf32>
      %max3A_801 = arith.maximumf %scan3A_792, %get3A_800 : vector<16xf32>
      %add3A_802 = arith.addf %scan3A_793, %get3A_800 : vector<16xf32>
      scf.yield %max3A_801, %add3A_802 : vector<16xf32>, vector<16xf32>
    }
    %scan3A_398 = arith.constant 2 : i32
    %get3A_399 = arith.constant 2 : i32
    %get3A_400 = arith.index_cast %get3A_399 : i32 to index
    %get3A_401 = arith.constant 0 : index
    %get3A_402 = tpu.vector_load %arg11[%get3A_400, %get3A_401] {strides = array<i32>} : memref<8x16xf32, #tpu.memory_space<vmem>>, vector<1x16xf32>,
    %get3A_403 = vector.shape_cast %get3A_402 : vector<1x16xf32> to vector<16xf32>
    %max3A_404 = arith.maximumf %get3A_403, %scan3A_397#0 : vector<16xf32>
    %sub3A_405 = arith.subf %get3A_403, %max3A_404 : vector<16xf32>
    %exp3A_406 = math.exp %sub3A_405 : vector<16xf32>
    %swap3A_407 = arith.constant 2 : i32
    %swap3A_408 = arith.index_cast %swap3A_407 : i32 to index
    %swap3A_409 = arith.constant 0 : index
    %swap3A_410 = tpu.vector_load %arg11[%swap3A_408, %swap3A_409] {strides = array<i32>} : memref<8x16xf32, #tpu.memory_space<vmem>>, vector<1x16xf32>,
    %swap3A_411 = vector.shape_cast %swap3A_410 : vector<1x16xf32> to vector<16xf32>
    %swap3A_412 = vector.shape_cast %max3A_404 : vector<16xf32> to vector<1x16xf32>
    tpu.vector_store %arg11[%swap3A_408, %swap3A_409], %swap3A_412 {strides = array<i32>} : memref<8x16xf32, #tpu.memory_space<vmem>>, vector<1x16xf32>,
    %get3A_413 = arith.constant 2 : i32
    %get3A_414 = arith.index_cast %get3A_413 : i32 to index
    %get3A_415 = arith.constant 0 : index
    %get3A_416 = tpu.vector_load %arg13[%get3A_414, %get3A_415] {strides = array<i32>} : memref<8x16xf32, #tpu.memory_space<vmem>>, vector<1x16xf32>,
    %get3A_417 = vector.shape_cast %get3A_416 : vector<1x16xf32> to vector<16xf32>
    %add3A_418 = arith.addf %get3A_417, %scan3A_397#1 : vector<16xf32>
    %swap3A_419 = arith.constant 2 : i32
    %swap3A_420 = arith.index_cast %swap3A_419 : i32 to index
    %swap3A_421 = arith.constant 0 : index
    %swap3A_422 = tpu.vector_load %arg13[%swap3A_420, %swap3A_421] {strides = array<i32>} : memref<8x16xf32, #tpu.memory_space<vmem>>, vector<1x16xf32>,
    %swap3A_423 = vector.shape_cast %swap3A_422 : vector<1x16xf32> to vector<16xf32>
    %swap3A_424 = vector.shape_cast %add3A_418 : vector<16xf32> to vector<1x16xf32>
    tpu.vector_store %arg13[%swap3A_420, %swap3A_421], %swap3A_424 {strides = array<i32>} : memref<8x16xf32, #tpu.memory_space<vmem>>, vector<1x16xf32>,
    %broadcast_in_dim3A_425 = arith.constant 0.000000e+00 : f32
    %broadcast_in_dim3A_426 = vector.broadcast %broadcast_in_dim3A_425 : f32 to vector<16xf32>
    %scan3A_427 = arith.constant 0 : i32
    %scan3A_428 = arith.constant 2 : i32
    %scan3A_429 = arith.addi %scan3A_427, %scan3A_428 : i32
    %scan3A_430 = arith.constant 1 : i32
    %scan3A_431 = scf.for %scan3A_791 = %scan3A_427 to %scan3A_429 step %scan3A_430 iter_args(%scan3A_792 = %broadcast_in_dim3A_426) -> (vector<16xf32>)  : i32 {
      %mul3A_793 = arith.constant 16 : i32
      %mul3A_794 = arith.muli %scan3A_791, %mul3A_793 : i32
      %get3A_795 = arith.constant 2 : i32
      %get3A_796 = arith.index_cast %get3A_795 : i32 to index
      %get3A_797 = arith.index_cast %mul3A_794 : i32 to index
      %get3A_798 = tpu.vector_load %arg9[%get3A_796, %get3A_797] {strides = array<i32>} : memref<8x32xf32, #tpu.memory_space<vmem>>, vector<1x16xf32>,
      %get3A_799 = vector.shape_cast %get3A_798 : vector<1x16xf32> to vector<16xf32>
      %sub3A_800 = arith.subf %get3A_799, %max3A_404 : vector<16xf32>
      %exp3A_801 = math.exp %sub3A_800 : vector<16xf32>
      %add3A_802 = arith.addf %scan3A_792, %exp3A_801 : vector<16xf32>
      scf.yield %add3A_802 : vector<16xf32>
    }
    %scan3A_432 = arith.constant 2 : i32
    %get3A_433 = arith.constant 2 : i32
    %get3A_434 = arith.index_cast %get3A_433 : i32 to index
    %get3A_435 = arith.constant 0 : index
    %get3A_436 = tpu.vector_load %arg12[%get3A_434, %get3A_435] {strides = array<i32>} : memref<8x16xf32, #tpu.memory_space<vmem>>, vector<1x16xf32>,
    %get3A_437 = vector.shape_cast %get3A_436 : vector<1x16xf32> to vector<16xf32>
    %mul3A_438 = arith.mulf %get3A_437, %exp3A_406 : vector<16xf32>
    %add3A_439 = arith.addf %mul3A_438, %scan3A_431 : vector<16xf32>
    %swap3A_440 = arith.constant 2 : i32
    %swap3A_441 = arith.index_cast %swap3A_440 : i32 to index
    %swap3A_442 = arith.constant 0 : index
    %swap3A_443 = tpu.vector_load %arg12[%swap3A_441, %swap3A_442] {strides = array<i32>} : memref<8x16xf32, #tpu.memory_space<vmem>>, vector<1x16xf32>,
    %swap3A_444 = vector.shape_cast %swap3A_443 : vector<1x16xf32> to vector<16xf32>
    %swap3A_445 = vector.shape_cast %add3A_439 : vector<16xf32> to vector<1x16xf32>
    tpu.vector_store %arg12[%swap3A_441, %swap3A_442], %swap3A_445 {strides = array<i32>} : memref<8x16xf32, #tpu.memory_space<vmem>>, vector<1x16xf32>,
    %slice3A_446 = vector.extract_strided_slice %get3A_4 {offsets = [2], sizes = [1], strides = [1]} : vector<16xi32> to vector<1xi32>
    %squeeze3A_447 = vector.extract %slice3A_446[0] : i32 from vector<1xi32>
    %ge3A_448 = arith.constant 99968 : i32
    %ge3A_449 = arith.cmpi sge, %squeeze3A_447, %ge3A_448 : i32
    %lt3A_450 = arith.constant 100000 : i32
    %lt3A_451 = arith.cmpi slt, %squeeze3A_447, %lt3A_450 : i32
    %and3A_452 = arith.andi %ge3A_449, %lt3A_451 : i1
    %convert_element_type3A_453 = arith.extui %and3A_452 : i1 to i32
    %cond3A_454 = arith.constant 0 : i32
    %cond3A_455 = arith.cmpi ne, %convert_element_type3A_453, %cond3A_454 : i32
    scf.if %cond3A_455 {
      %sub3A_791 = arith.constant 99968 : i32
      %sub3A_792 = arith.subi %squeeze3A_447, %sub3A_791 : i32
      %broadcast_in_dim3A_793 = vector.broadcast %sub3A_792 : i32 to vector<16xi32>
      %get3A_794 = arith.constant 2 : i32
      %get3A_795 = arith.index_cast %get3A_794 : i32 to index
      %get3A_796 = arith.constant 0 : index
      %get3A_797 = tpu.vector_load %arg14[%get3A_795, %get3A_796] {strides = array<i32>} : memref<8x16xf32, #tpu.memory_space<vmem>>, vector<1x16xf32>,
      %get3A_798 = vector.shape_cast %get3A_797 : vector<1x16xf32> to vector<16xf32>
      %broadcast_in_dim3A_799 = arith.constant 0.000000e+00 : f32
      %broadcast_in_dim3A_800 = vector.broadcast %broadcast_in_dim3A_799 : f32 to vector<16xf32>
      %scan3A_801 = arith.constant 0 : i32
      %scan3A_802 = arith.constant 2 : i32
      %scan3A_803 = arith.addi %scan3A_801, %scan3A_802 : i32
      %scan3A_804 = arith.constant 1 : i32
      %scan3A_805 = scf.for %scan3A_814 = %scan3A_801 to %scan3A_803 step %scan3A_804 iter_args(%scan3A_815 = %broadcast_in_dim3A_800) -> (vector<16xf32>)  : i32 {
        %mul3A_816 = arith.constant 16 : i32
        %mul3A_817 = arith.muli %scan3A_814, %mul3A_816 : i32
        %get3A_818 = arith.constant 2 : i32
        %get3A_819 = arith.index_cast %get3A_818 : i32 to index
        %get3A_820 = arith.index_cast %mul3A_817 : i32 to index
        %get3A_821 = tpu.vector_load %arg9[%get3A_819, %get3A_820] {strides = array<i32>} : memref<8x32xf32, #tpu.memory_space<vmem>>, vector<1x16xf32>,
        %get3A_822 = vector.shape_cast %get3A_821 : vector<1x16xf32> to vector<16xf32>
        %mul3A_823 = arith.constant 16 : i32
        %mul3A_824 = arith.muli %scan3A_814, %mul3A_823 : i32
        %add3A_825 = vector.broadcast %mul3A_824 : i32 to vector<16xi32>
        %add3A_826 = arith.addi %iota3A, %add3A_825 : vector<16xi32>
        %eq3A = arith.cmpi eq, %add3A_826, %broadcast_in_dim3A_793 : vector<16xi32>
        %jit3A = arith.constant 0.000000e+00 : f32
        %broadcast_in_dim3A_827 = vector.broadcast %jit3A : f32 to vector<16xf32>
        %select_n3A = arith.select %eq3A, %get3A_822, %broadcast_in_dim3A_827 : vector<16xi1>, vector<16xf32>
        %add3A_828 = arith.addf %scan3A_815, %select_n3A : vector<16xf32>
        scf.yield %add3A_828 : vector<16xf32>
      }
      %scan3A_806 = arith.constant 2 : i32
      %add3A_807 = arith.addf %get3A_798, %scan3A_805 : vector<16xf32>
      %swap3A_808 = arith.constant 2 : i32
      %swap3A_809 = arith.index_cast %swap3A_808 : i32 to index
      %swap3A_810 = arith.constant 0 : index
      %swap3A_811 = tpu.vector_load %arg14[%swap3A_809, %swap3A_810] {strides = array<i32>} : memref<8x16xf32, #tpu.memory_space<vmem>>, vector<1x16xf32>,
      %swap3A_812 = vector.shape_cast %swap3A_811 : vector<1x16xf32> to vector<16xf32>
      %swap3A_813 = vector.shape_cast %add3A_807 : vector<16xf32> to vector<1x16xf32>
      tpu.vector_store %arg14[%swap3A_809, %swap3A_810], %swap3A_813 {strides = array<i32>} : memref<8x16xf32, #tpu.memory_space<vmem>>, vector<1x16xf32>,
    } else {
    }
    %broadcast_in_dim3A_456 = arith.constant -3.000000e+38 : f32
    %broadcast_in_dim3A_457 = vector.broadcast %broadcast_in_dim3A_456 : f32 to vector<16xf32>
    %broadcast_in_dim3A_458 = arith.constant 0.000000e+00 : f32
    %broadcast_in_dim3A_459 = vector.broadcast %broadcast_in_dim3A_458 : f32 to vector<16xf32>
    %scan3A_460 = arith.constant 0 : i32
    %scan3A_461 = arith.constant 2 : i32
    %scan3A_462 = arith.addi %scan3A_460, %scan3A_461 : i32
    %scan3A_463 = arith.constant 1 : i32
    %scan3A_464:2 = scf.for %scan3A_791 = %scan3A_460 to %scan3A_462 step %scan3A_463 iter_args(%scan3A_792 = %broadcast_in_dim3A_457, %scan3A_793 = %broadcast_in_dim3A_459) -> (vector<16xf32>, vector<16xf32>)  : i32 {
      %mul3A_794 = arith.constant 16 : i32
      %mul3A_795 = arith.muli %scan3A_791, %mul3A_794 : i32
      %get3A_796 = arith.constant 3 : i32
      %get3A_797 = arith.index_cast %get3A_796 : i32 to index
      %get3A_798 = arith.index_cast %mul3A_795 : i32 to index
      %get3A_799 = tpu.vector_load %arg9[%get3A_797, %get3A_798] {strides = array<i32>} : memref<8x32xf32, #tpu.memory_space<vmem>>, vector<1x16xf32>,
      %get3A_800 = vector.shape_cast %get3A_799 : vector<1x16xf32> to vector<16xf32>
      %max3A_801 = arith.maximumf %scan3A_792, %get3A_800 : vector<16xf32>
      %add3A_802 = arith.addf %scan3A_793, %get3A_800 : vector<16xf32>
      scf.yield %max3A_801, %add3A_802 : vector<16xf32>, vector<16xf32>
    }
    %scan3A_465 = arith.constant 2 : i32
    %get3A_466 = arith.constant 3 : i32
    %get3A_467 = arith.index_cast %get3A_466 : i32 to index
    %get3A_468 = arith.constant 0 : index
    %get3A_469 = tpu.vector_load %arg11[%get3A_467, %get3A_468] {strides = array<i32>} : memref<8x16xf32, #tpu.memory_space<vmem>>, vector<1x16xf32>,
    %get3A_470 = vector.shape_cast %get3A_469 : vector<1x16xf32> to vector<16xf32>
    %max3A_471 = arith.maximumf %get3A_470, %scan3A_464#0 : vector<16xf32>
    %sub3A_472 = arith.subf %get3A_470, %max3A_471 : vector<16xf32>
    %exp3A_473 = math.exp %sub3A_472 : vector<16xf32>
    %swap3A_474 = arith.constant 3 : i32
    %swap3A_475 = arith.index_cast %swap3A_474 : i32 to index
    %swap3A_476 = arith.constant 0 : index
    %swap3A_477 = tpu.vector_load %arg11[%swap3A_475, %swap3A_476] {strides = array<i32>} : memref<8x16xf32, #tpu.memory_space<vmem>>, vector<1x16xf32>,
    %swap3A_478 = vector.shape_cast %swap3A_477 : vector<1x16xf32> to vector<16xf32>
    %swap3A_479 = vector.shape_cast %max3A_471 : vector<16xf32> to vector<1x16xf32>
    tpu.vector_store %arg11[%swap3A_475, %swap3A_476], %swap3A_479 {strides = array<i32>} : memref<8x16xf32, #tpu.memory_space<vmem>>, vector<1x16xf32>,
    %get3A_480 = arith.constant 3 : i32
    %get3A_481 = arith.index_cast %get3A_480 : i32 to index
    %get3A_482 = arith.constant 0 : index
    %get3A_483 = tpu.vector_load %arg13[%get3A_481, %get3A_482] {strides = array<i32>} : memref<8x16xf32, #tpu.memory_space<vmem>>, vector<1x16xf32>,
    %get3A_484 = vector.shape_cast %get3A_483 : vector<1x16xf32> to vector<16xf32>
    %add3A_485 = arith.addf %get3A_484, %scan3A_464#1 : vector<16xf32>
    %swap3A_486 = arith.constant 3 : i32
    %swap3A_487 = arith.index_cast %swap3A_486 : i32 to index
    %swap3A_488 = arith.constant 0 : index
    %swap3A_489 = tpu.vector_load %arg13[%swap3A_487, %swap3A_488] {strides = array<i32>} : memref<8x16xf32, #tpu.memory_space<vmem>>, vector<1x16xf32>,
    %swap3A_490 = vector.shape_cast %swap3A_489 : vector<1x16xf32> to vector<16xf32>
    %swap3A_491 = vector.shape_cast %add3A_485 : vector<16xf32> to vector<1x16xf32>
    tpu.vector_store %arg13[%swap3A_487, %swap3A_488], %swap3A_491 {strides = array<i32>} : memref<8x16xf32, #tpu.memory_space<vmem>>, vector<1x16xf32>,
    %broadcast_in_dim3A_492 = arith.constant 0.000000e+00 : f32
    %broadcast_in_dim3A_493 = vector.broadcast %broadcast_in_dim3A_492 : f32 to vector<16xf32>
    %scan3A_494 = arith.constant 0 : i32
    %scan3A_495 = arith.constant 2 : i32
    %scan3A_496 = arith.addi %scan3A_494, %scan3A_495 : i32
    %scan3A_497 = arith.constant 1 : i32
    %scan3A_498 = scf.for %scan3A_791 = %scan3A_494 to %scan3A_496 step %scan3A_497 iter_args(%scan3A_792 = %broadcast_in_dim3A_493) -> (vector<16xf32>)  : i32 {
      %mul3A_793 = arith.constant 16 : i32
      %mul3A_794 = arith.muli %scan3A_791, %mul3A_793 : i32
      %get3A_795 = arith.constant 3 : i32
      %get3A_796 = arith.index_cast %get3A_795 : i32 to index
      %get3A_797 = arith.index_cast %mul3A_794 : i32 to index
      %get3A_798 = tpu.vector_load %arg9[%get3A_796, %get3A_797] {strides = array<i32>} : memref<8x32xf32, #tpu.memory_space<vmem>>, vector<1x16xf32>,
      %get3A_799 = vector.shape_cast %get3A_798 : vector<1x16xf32> to vector<16xf32>
      %sub3A_800 = arith.subf %get3A_799, %max3A_471 : vector<16xf32>
      %exp3A_801 = math.exp %sub3A_800 : vector<16xf32>
      %add3A_802 = arith.addf %scan3A_792, %exp3A_801 : vector<16xf32>
      scf.yield %add3A_802 : vector<16xf32>
    }
    %scan3A_499 = arith.constant 2 : i32
    %get3A_500 = arith.constant 3 : i32
    %get3A_501 = arith.index_cast %get3A_500 : i32 to index
    %get3A_502 = arith.constant 0 : index
    %get3A_503 = tpu.vector_load %arg12[%get3A_501, %get3A_502] {strides = array<i32>} : memref<8x16xf32, #tpu.memory_space<vmem>>, vector<1x16xf32>,
    %get3A_504 = vector.shape_cast %get3A_503 : vector<1x16xf32> to vector<16xf32>
    %mul3A_505 = arith.mulf %get3A_504, %exp3A_473 : vector<16xf32>
    %add3A_506 = arith.addf %mul3A_505, %scan3A_498 : vector<16xf32>
    %swap3A_507 = arith.constant 3 : i32
    %swap3A_508 = arith.index_cast %swap3A_507 : i32 to index
    %swap3A_509 = arith.constant 0 : index
    %swap3A_510 = tpu.vector_load %arg12[%swap3A_508, %swap3A_509] {strides = array<i32>} : memref<8x16xf32, #tpu.memory_space<vmem>>, vector<1x16xf32>,
    %swap3A_511 = vector.shape_cast %swap3A_510 : vector<1x16xf32> to vector<16xf32>
    %swap3A_512 = vector.shape_cast %add3A_506 : vector<16xf32> to vector<1x16xf32>
    tpu.vector_store %arg12[%swap3A_508, %swap3A_509], %swap3A_512 {strides = array<i32>} : memref<8x16xf32, #tpu.memory_space<vmem>>, vector<1x16xf32>,
    %slice3A_513 = vector.extract_strided_slice %get3A_4 {offsets = [3], sizes = [1], strides = [1]} : vector<16xi32> to vector<1xi32>
    %squeeze3A_514 = vector.extract %slice3A_513[0] : i32 from vector<1xi32>
    %ge3A_515 = arith.constant 99968 : i32
    %ge3A_516 = arith.cmpi sge, %squeeze3A_514, %ge3A_515 : i32
    %lt3A_517 = arith.constant 100000 : i32
    %lt3A_518 = arith.cmpi slt, %squeeze3A_514, %lt3A_517 : i32
    %and3A_519 = arith.andi %ge3A_516, %lt3A_518 : i1
    %convert_element_type3A_520 = arith.extui %and3A_519 : i1 to i32
    %cond3A_521 = arith.constant 0 : i32
    %cond3A_522 = arith.cmpi ne, %convert_element_type3A_520, %cond3A_521 : i32
    scf.if %cond3A_522 {
      %sub3A_791 = arith.constant 99968 : i32
      %sub3A_792 = arith.subi %squeeze3A_514, %sub3A_791 : i32
      %broadcast_in_dim3A_793 = vector.broadcast %sub3A_792 : i32 to vector<16xi32>
      %get3A_794 = arith.constant 3 : i32
      %get3A_795 = arith.index_cast %get3A_794 : i32 to index
      %get3A_796 = arith.constant 0 : index
      %get3A_797 = tpu.vector_load %arg14[%get3A_795, %get3A_796] {strides = array<i32>} : memref<8x16xf32, #tpu.memory_space<vmem>>, vector<1x16xf32>,
      %get3A_798 = vector.shape_cast %get3A_797 : vector<1x16xf32> to vector<16xf32>
      %broadcast_in_dim3A_799 = arith.constant 0.000000e+00 : f32
      %broadcast_in_dim3A_800 = vector.broadcast %broadcast_in_dim3A_799 : f32 to vector<16xf32>
      %scan3A_801 = arith.constant 0 : i32
      %scan3A_802 = arith.constant 2 : i32
      %scan3A_803 = arith.addi %scan3A_801, %scan3A_802 : i32
      %scan3A_804 = arith.constant 1 : i32
      %scan3A_805 = scf.for %scan3A_814 = %scan3A_801 to %scan3A_803 step %scan3A_804 iter_args(%scan3A_815 = %broadcast_in_dim3A_800) -> (vector<16xf32>)  : i32 {
        %mul3A_816 = arith.constant 16 : i32
        %mul3A_817 = arith.muli %scan3A_814, %mul3A_816 : i32
        %get3A_818 = arith.constant 3 : i32
        %get3A_819 = arith.index_cast %get3A_818 : i32 to index
        %get3A_820 = arith.index_cast %mul3A_817 : i32 to index
        %get3A_821 = tpu.vector_load %arg9[%get3A_819, %get3A_820] {strides = array<i32>} : memref<8x32xf32, #tpu.memory_space<vmem>>, vector<1x16xf32>,
        %get3A_822 = vector.shape_cast %get3A_821 : vector<1x16xf32> to vector<16xf32>
        %mul3A_823 = arith.constant 16 : i32
        %mul3A_824 = arith.muli %scan3A_814, %mul3A_823 : i32
        %add3A_825 = vector.broadcast %mul3A_824 : i32 to vector<16xi32>
        %add3A_826 = arith.addi %iota3A, %add3A_825 : vector<16xi32>
        %eq3A = arith.cmpi eq, %add3A_826, %broadcast_in_dim3A_793 : vector<16xi32>
        %jit3A = arith.constant 0.000000e+00 : f32
        %broadcast_in_dim3A_827 = vector.broadcast %jit3A : f32 to vector<16xf32>
        %select_n3A = arith.select %eq3A, %get3A_822, %broadcast_in_dim3A_827 : vector<16xi1>, vector<16xf32>
        %add3A_828 = arith.addf %scan3A_815, %select_n3A : vector<16xf32>
        scf.yield %add3A_828 : vector<16xf32>
      }
      %scan3A_806 = arith.constant 2 : i32
      %add3A_807 = arith.addf %get3A_798, %scan3A_805 : vector<16xf32>
      %swap3A_808 = arith.constant 3 : i32
      %swap3A_809 = arith.index_cast %swap3A_808 : i32 to index
      %swap3A_810 = arith.constant 0 : index
      %swap3A_811 = tpu.vector_load %arg14[%swap3A_809, %swap3A_810] {strides = array<i32>} : memref<8x16xf32, #tpu.memory_space<vmem>>, vector<1x16xf32>,
      %swap3A_812 = vector.shape_cast %swap3A_811 : vector<1x16xf32> to vector<16xf32>
      %swap3A_813 = vector.shape_cast %add3A_807 : vector<16xf32> to vector<1x16xf32>
      tpu.vector_store %arg14[%swap3A_809, %swap3A_810], %swap3A_813 {strides = array<i32>} : memref<8x16xf32, #tpu.memory_space<vmem>>, vector<1x16xf32>,
    } else {
    }
    %broadcast_in_dim3A_523 = arith.constant -3.000000e+38 : f32
    %broadcast_in_dim3A_524 = vector.broadcast %broadcast_in_dim3A_523 : f32 to vector<16xf32>
    %broadcast_in_dim3A_525 = arith.constant 0.000000e+00 : f32
    %broadcast_in_dim3A_526 = vector.broadcast %broadcast_in_dim3A_525 : f32 to vector<16xf32>
    %scan3A_527 = arith.constant 0 : i32
    %scan3A_528 = arith.constant 2 : i32
    %scan3A_529 = arith.addi %scan3A_527, %scan3A_528 : i32
    %scan3A_530 = arith.constant 1 : i32
    %scan3A_531:2 = scf.for %scan3A_791 = %scan3A_527 to %scan3A_529 step %scan3A_530 iter_args(%scan3A_792 = %broadcast_in_dim3A_524, %scan3A_793 = %broadcast_in_dim3A_526) -> (vector<16xf32>, vector<16xf32>)  : i32 {
      %mul3A_794 = arith.constant 16 : i32
      %mul3A_795 = arith.muli %scan3A_791, %mul3A_794 : i32
      %get3A_796 = arith.constant 4 : i32
      %get3A_797 = arith.index_cast %get3A_796 : i32 to index
      %get3A_798 = arith.index_cast %mul3A_795 : i32 to index
      %get3A_799 = tpu.vector_load %arg9[%get3A_797, %get3A_798] {strides = array<i32>} : memref<8x32xf32, #tpu.memory_space<vmem>>, vector<1x16xf32>,
      %get3A_800 = vector.shape_cast %get3A_799 : vector<1x16xf32> to vector<16xf32>
      %max3A_801 = arith.maximumf %scan3A_792, %get3A_800 : vector<16xf32>
      %add3A_802 = arith.addf %scan3A_793, %get3A_800 : vector<16xf32>
      scf.yield %max3A_801, %add3A_802 : vector<16xf32>, vector<16xf32>
    }
    %scan3A_532 = arith.constant 2 : i32
    %get3A_533 = arith.constant 4 : i32
    %get3A_534 = arith.index_cast %get3A_533 : i32 to index
    %get3A_535 = arith.constant 0 : index
    %get3A_536 = tpu.vector_load %arg11[%get3A_534, %get3A_535] {strides = array<i32>} : memref<8x16xf32, #tpu.memory_space<vmem>>, vector<1x16xf32>,
    %get3A_537 = vector.shape_cast %get3A_536 : vector<1x16xf32> to vector<16xf32>
    %max3A_538 = arith.maximumf %get3A_537, %scan3A_531#0 : vector<16xf32>
    %sub3A_539 = arith.subf %get3A_537, %max3A_538 : vector<16xf32>
    %exp3A_540 = math.exp %sub3A_539 : vector<16xf32>
    %swap3A_541 = arith.constant 4 : i32
    %swap3A_542 = arith.index_cast %swap3A_541 : i32 to index
    %swap3A_543 = arith.constant 0 : index
    %swap3A_544 = tpu.vector_load %arg11[%swap3A_542, %swap3A_543] {strides = array<i32>} : memref<8x16xf32, #tpu.memory_space<vmem>>, vector<1x16xf32>,
    %swap3A_545 = vector.shape_cast %swap3A_544 : vector<1x16xf32> to vector<16xf32>
    %swap3A_546 = vector.shape_cast %max3A_538 : vector<16xf32> to vector<1x16xf32>
    tpu.vector_store %arg11[%swap3A_542, %swap3A_543], %swap3A_546 {strides = array<i32>} : memref<8x16xf32, #tpu.memory_space<vmem>>, vector<1x16xf32>,
    %get3A_547 = arith.constant 4 : i32
    %get3A_548 = arith.index_cast %get3A_547 : i32 to index
    %get3A_549 = arith.constant 0 : index
    %get3A_550 = tpu.vector_load %arg13[%get3A_548, %get3A_549] {strides = array<i32>} : memref<8x16xf32, #tpu.memory_space<vmem>>, vector<1x16xf32>,
    %get3A_551 = vector.shape_cast %get3A_550 : vector<1x16xf32> to vector<16xf32>
    %add3A_552 = arith.addf %get3A_551, %scan3A_531#1 : vector<16xf32>
    %swap3A_553 = arith.constant 4 : i32
    %swap3A_554 = arith.index_cast %swap3A_553 : i32 to index
    %swap3A_555 = arith.constant 0 : index
    %swap3A_556 = tpu.vector_load %arg13[%swap3A_554, %swap3A_555] {strides = array<i32>} : memref<8x16xf32, #tpu.memory_space<vmem>>, vector<1x16xf32>,
    %swap3A_557 = vector.shape_cast %swap3A_556 : vector<1x16xf32> to vector<16xf32>
    %swap3A_558 = vector.shape_cast %add3A_552 : vector<16xf32> to vector<1x16xf32>
    tpu.vector_store %arg13[%swap3A_554, %swap3A_555], %swap3A_558 {strides = array<i32>} : memref<8x16xf32, #tpu.memory_space<vmem>>, vector<1x16xf32>,
    %broadcast_in_dim3A_559 = arith.constant 0.000000e+00 : f32
    %broadcast_in_dim3A_560 = vector.broadcast %broadcast_in_dim3A_559 : f32 to vector<16xf32>
    %scan3A_561 = arith.constant 0 : i32
    %scan3A_562 = arith.constant 2 : i32
    %scan3A_563 = arith.addi %scan3A_561, %scan3A_562 : i32
    %scan3A_564 = arith.constant 1 : i32
    %scan3A_565 = scf.for %scan3A_791 = %scan3A_561 to %scan3A_563 step %scan3A_564 iter_args(%scan3A_792 = %broadcast_in_dim3A_560) -> (vector<16xf32>)  : i32 {
      %mul3A_793 = arith.constant 16 : i32
      %mul3A_794 = arith.muli %scan3A_791, %mul3A_793 : i32
      %get3A_795 = arith.constant 4 : i32
      %get3A_796 = arith.index_cast %get3A_795 : i32 to index
      %get3A_797 = arith.index_cast %mul3A_794 : i32 to index
      %get3A_798 = tpu.vector_load %arg9[%get3A_796, %get3A_797] {strides = array<i32>} : memref<8x32xf32, #tpu.memory_space<vmem>>, vector<1x16xf32>,
      %get3A_799 = vector.shape_cast %get3A_798 : vector<1x16xf32> to vector<16xf32>
      %sub3A_800 = arith.subf %get3A_799, %max3A_538 : vector<16xf32>
      %exp3A_801 = math.exp %sub3A_800 : vector<16xf32>
      %add3A_802 = arith.addf %scan3A_792, %exp3A_801 : vector<16xf32>
      scf.yield %add3A_802 : vector<16xf32>
    }
    %scan3A_566 = arith.constant 2 : i32
    %get3A_567 = arith.constant 4 : i32
    %get3A_568 = arith.index_cast %get3A_567 : i32 to index
    %get3A_569 = arith.constant 0 : index
    %get3A_570 = tpu.vector_load %arg12[%get3A_568, %get3A_569] {strides = array<i32>} : memref<8x16xf32, #tpu.memory_space<vmem>>, vector<1x16xf32>,
    %get3A_571 = vector.shape_cast %get3A_570 : vector<1x16xf32> to vector<16xf32>
    %mul3A_572 = arith.mulf %get3A_571, %exp3A_540 : vector<16xf32>
    %add3A_573 = arith.addf %mul3A_572, %scan3A_565 : vector<16xf32>
    %swap3A_574 = arith.constant 4 : i32
    %swap3A_575 = arith.index_cast %swap3A_574 : i32 to index
    %swap3A_576 = arith.constant 0 : index
    %swap3A_577 = tpu.vector_load %arg12[%swap3A_575, %swap3A_576] {strides = array<i32>} : memref<8x16xf32, #tpu.memory_space<vmem>>, vector<1x16xf32>,
    %swap3A_578 = vector.shape_cast %swap3A_577 : vector<1x16xf32> to vector<16xf32>
    %swap3A_579 = vector.shape_cast %add3A_573 : vector<16xf32> to vector<1x16xf32>
    tpu.vector_store %arg12[%swap3A_575, %swap3A_576], %swap3A_579 {strides = array<i32>} : memref<8x16xf32, #tpu.memory_space<vmem>>, vector<1x16xf32>,
    %slice3A_580 = vector.extract_strided_slice %get3A_4 {offsets = [4], sizes = [1], strides = [1]} : vector<16xi32> to vector<1xi32>
    %squeeze3A_581 = vector.extract %slice3A_580[0] : i32 from vector<1xi32>
    %ge3A_582 = arith.constant 99968 : i32
    %ge3A_583 = arith.cmpi sge, %squeeze3A_581, %ge3A_582 : i32
    %lt3A_584 = arith.constant 100000 : i32
    %lt3A_585 = arith.cmpi slt, %squeeze3A_581, %lt3A_584 : i32
    %and3A_586 = arith.andi %ge3A_583, %lt3A_585 : i1
    %convert_element_type3A_587 = arith.extui %and3A_586 : i1 to i32
    %cond3A_588 = arith.constant 0 : i32
    %cond3A_589 = arith.cmpi ne, %convert_element_type3A_587, %cond3A_588 : i32
    scf.if %cond3A_589 {
      %sub3A_791 = arith.constant 99968 : i32
      %sub3A_792 = arith.subi %squeeze3A_581, %sub3A_791 : i32
      %broadcast_in_dim3A_793 = vector.broadcast %sub3A_792 : i32 to vector<16xi32>
      %get3A_794 = arith.constant 4 : i32
      %get3A_795 = arith.index_cast %get3A_794 : i32 to index
      %get3A_796 = arith.constant 0 : index
      %get3A_797 = tpu.vector_load %arg14[%get3A_795, %get3A_796] {strides = array<i32>} : memref<8x16xf32, #tpu.memory_space<vmem>>, vector<1x16xf32>,
      %get3A_798 = vector.shape_cast %get3A_797 : vector<1x16xf32> to vector<16xf32>
      %broadcast_in_dim3A_799 = arith.constant 0.000000e+00 : f32
      %broadcast_in_dim3A_800 = vector.broadcast %broadcast_in_dim3A_799 : f32 to vector<16xf32>
      %scan3A_801 = arith.constant 0 : i32
      %scan3A_802 = arith.constant 2 : i32
      %scan3A_803 = arith.addi %scan3A_801, %scan3A_802 : i32
      %scan3A_804 = arith.constant 1 : i32
      %scan3A_805 = scf.for %scan3A_814 = %scan3A_801 to %scan3A_803 step %scan3A_804 iter_args(%scan3A_815 = %broadcast_in_dim3A_800) -> (vector<16xf32>)  : i32 {
        %mul3A_816 = arith.constant 16 : i32
        %mul3A_817 = arith.muli %scan3A_814, %mul3A_816 : i32
        %get3A_818 = arith.constant 4 : i32
        %get3A_819 = arith.index_cast %get3A_818 : i32 to index
        %get3A_820 = arith.index_cast %mul3A_817 : i32 to index
        %get3A_821 = tpu.vector_load %arg9[%get3A_819, %get3A_820] {strides = array<i32>} : memref<8x32xf32, #tpu.memory_space<vmem>>, vector<1x16xf32>,
        %get3A_822 = vector.shape_cast %get3A_821 : vector<1x16xf32> to vector<16xf32>
        %mul3A_823 = arith.constant 16 : i32
        %mul3A_824 = arith.muli %scan3A_814, %mul3A_823 : i32
        %add3A_825 = vector.broadcast %mul3A_824 : i32 to vector<16xi32>
        %add3A_826 = arith.addi %iota3A, %add3A_825 : vector<16xi32>
        %eq3A = arith.cmpi eq, %add3A_826, %broadcast_in_dim3A_793 : vector<16xi32>
        %jit3A = arith.constant 0.000000e+00 : f32
        %broadcast_in_dim3A_827 = vector.broadcast %jit3A : f32 to vector<16xf32>
        %select_n3A = arith.select %eq3A, %get3A_822, %broadcast_in_dim3A_827 : vector<16xi1>, vector<16xf32>
        %add3A_828 = arith.addf %scan3A_815, %select_n3A : vector<16xf32>
        scf.yield %add3A_828 : vector<16xf32>
      }
      %scan3A_806 = arith.constant 2 : i32
      %add3A_807 = arith.addf %get3A_798, %scan3A_805 : vector<16xf32>
      %swap3A_808 = arith.constant 4 : i32
      %swap3A_809 = arith.index_cast %swap3A_808 : i32 to index
      %swap3A_810 = arith.constant 0 : index
      %swap3A_811 = tpu.vector_load %arg14[%swap3A_809, %swap3A_810] {strides = array<i32>} : memref<8x16xf32, #tpu.memory_space<vmem>>, vector<1x16xf32>,
      %swap3A_812 = vector.shape_cast %swap3A_811 : vector<1x16xf32> to vector<16xf32>
      %swap3A_813 = vector.shape_cast %add3A_807 : vector<16xf32> to vector<1x16xf32>
      tpu.vector_store %arg14[%swap3A_809, %swap3A_810], %swap3A_813 {strides = array<i32>} : memref<8x16xf32, #tpu.memory_space<vmem>>, vector<1x16xf32>,
    } else {
    }
    %broadcast_in_dim3A_590 = arith.constant -3.000000e+38 : f32
    %broadcast_in_dim3A_591 = vector.broadcast %broadcast_in_dim3A_590 : f32 to vector<16xf32>
    %broadcast_in_dim3A_592 = arith.constant 0.000000e+00 : f32
    %broadcast_in_dim3A_593 = vector.broadcast %broadcast_in_dim3A_592 : f32 to vector<16xf32>
    %scan3A_594 = arith.constant 0 : i32
    %scan3A_595 = arith.constant 2 : i32
    %scan3A_596 = arith.addi %scan3A_594, %scan3A_595 : i32
    %scan3A_597 = arith.constant 1 : i32
    %scan3A_598:2 = scf.for %scan3A_791 = %scan3A_594 to %scan3A_596 step %scan3A_597 iter_args(%scan3A_792 = %broadcast_in_dim3A_591, %scan3A_793 = %broadcast_in_dim3A_593) -> (vector<16xf32>, vector<16xf32>)  : i32 {
      %mul3A_794 = arith.constant 16 : i32
      %mul3A_795 = arith.muli %scan3A_791, %mul3A_794 : i32
      %get3A_796 = arith.constant 5 : i32
      %get3A_797 = arith.index_cast %get3A_796 : i32 to index
      %get3A_798 = arith.index_cast %mul3A_795 : i32 to index
      %get3A_799 = tpu.vector_load %arg9[%get3A_797, %get3A_798] {strides = array<i32>} : memref<8x32xf32, #tpu.memory_space<vmem>>, vector<1x16xf32>,
      %get3A_800 = vector.shape_cast %get3A_799 : vector<1x16xf32> to vector<16xf32>
      %max3A_801 = arith.maximumf %scan3A_792, %get3A_800 : vector<16xf32>
      %add3A_802 = arith.addf %scan3A_793, %get3A_800 : vector<16xf32>
      scf.yield %max3A_801, %add3A_802 : vector<16xf32>, vector<16xf32>
    }
    %scan3A_599 = arith.constant 2 : i32
    %get3A_600 = arith.constant 5 : i32
    %get3A_601 = arith.index_cast %get3A_600 : i32 to index
    %get3A_602 = arith.constant 0 : index
    %get3A_603 = tpu.vector_load %arg11[%get3A_601, %get3A_602] {strides = array<i32>} : memref<8x16xf32, #tpu.memory_space<vmem>>, vector<1x16xf32>,
    %get3A_604 = vector.shape_cast %get3A_603 : vector<1x16xf32> to vector<16xf32>
    %max3A_605 = arith.maximumf %get3A_604, %scan3A_598#0 : vector<16xf32>
    %sub3A_606 = arith.subf %get3A_604, %max3A_605 : vector<16xf32>
    %exp3A_607 = math.exp %sub3A_606 : vector<16xf32>
    %swap3A_608 = arith.constant 5 : i32
    %swap3A_609 = arith.index_cast %swap3A_608 : i32 to index
    %swap3A_610 = arith.constant 0 : index
    %swap3A_611 = tpu.vector_load %arg11[%swap3A_609, %swap3A_610] {strides = array<i32>} : memref<8x16xf32, #tpu.memory_space<vmem>>, vector<1x16xf32>,
    %swap3A_612 = vector.shape_cast %swap3A_611 : vector<1x16xf32> to vector<16xf32>
    %swap3A_613 = vector.shape_cast %max3A_605 : vector<16xf32> to vector<1x16xf32>
    tpu.vector_store %arg11[%swap3A_609, %swap3A_610], %swap3A_613 {strides = array<i32>} : memref<8x16xf32, #tpu.memory_space<vmem>>, vector<1x16xf32>,
    %get3A_614 = arith.constant 5 : i32
    %get3A_615 = arith.index_cast %get3A_614 : i32 to index
    %get3A_616 = arith.constant 0 : index
    %get3A_617 = tpu.vector_load %arg13[%get3A_615, %get3A_616] {strides = array<i32>} : memref<8x16xf32, #tpu.memory_space<vmem>>, vector<1x16xf32>,
    %get3A_618 = vector.shape_cast %get3A_617 : vector<1x16xf32> to vector<16xf32>
    %add3A_619 = arith.addf %get3A_618, %scan3A_598#1 : vector<16xf32>
    %swap3A_620 = arith.constant 5 : i32
    %swap3A_621 = arith.index_cast %swap3A_620 : i32 to index
    %swap3A_622 = arith.constant 0 : index
    %swap3A_623 = tpu.vector_load %arg13[%swap3A_621, %swap3A_622] {strides = array<i32>} : memref<8x16xf32, #tpu.memory_space<vmem>>, vector<1x16xf32>,
    %swap3A_624 = vector.shape_cast %swap3A_623 : vector<1x16xf32> to vector<16xf32>
    %swap3A_625 = vector.shape_cast %add3A_619 : vector<16xf32> to vector<1x16xf32>
    tpu.vector_store %arg13[%swap3A_621, %swap3A_622], %swap3A_625 {strides = array<i32>} : memref<8x16xf32, #tpu.memory_space<vmem>>, vector<1x16xf32>,
    %broadcast_in_dim3A_626 = arith.constant 0.000000e+00 : f32
    %broadcast_in_dim3A_627 = vector.broadcast %broadcast_in_dim3A_626 : f32 to vector<16xf32>
    %scan3A_628 = arith.constant 0 : i32
    %scan3A_629 = arith.constant 2 : i32
    %scan3A_630 = arith.addi %scan3A_628, %scan3A_629 : i32
    %scan3A_631 = arith.constant 1 : i32
    %scan3A_632 = scf.for %scan3A_791 = %scan3A_628 to %scan3A_630 step %scan3A_631 iter_args(%scan3A_792 = %broadcast_in_dim3A_627) -> (vector<16xf32>)  : i32 {
      %mul3A_793 = arith.constant 16 : i32
      %mul3A_794 = arith.muli %scan3A_791, %mul3A_793 : i32
      %get3A_795 = arith.constant 5 : i32
      %get3A_796 = arith.index_cast %get3A_795 : i32 to index
      %get3A_797 = arith.index_cast %mul3A_794 : i32 to index
      %get3A_798 = tpu.vector_load %arg9[%get3A_796, %get3A_797] {strides = array<i32>} : memref<8x32xf32, #tpu.memory_space<vmem>>, vector<1x16xf32>,
      %get3A_799 = vector.shape_cast %get3A_798 : vector<1x16xf32> to vector<16xf32>
      %sub3A_800 = arith.subf %get3A_799, %max3A_605 : vector<16xf32>
      %exp3A_801 = math.exp %sub3A_800 : vector<16xf32>
      %add3A_802 = arith.addf %scan3A_792, %exp3A_801 : vector<16xf32>
      scf.yield %add3A_802 : vector<16xf32>
    }
    %scan3A_633 = arith.constant 2 : i32
    %get3A_634 = arith.constant 5 : i32
    %get3A_635 = arith.index_cast %get3A_634 : i32 to index
    %get3A_636 = arith.constant 0 : index
    %get3A_637 = tpu.vector_load %arg12[%get3A_635, %get3A_636] {strides = array<i32>} : memref<8x16xf32, #tpu.memory_space<vmem>>, vector<1x16xf32>,
    %get3A_638 = vector.shape_cast %get3A_637 : vector<1x16xf32> to vector<16xf32>
    %mul3A_639 = arith.mulf %get3A_638, %exp3A_607 : vector<16xf32>
    %add3A_640 = arith.addf %mul3A_639, %scan3A_632 : vector<16xf32>
    %swap3A_641 = arith.constant 5 : i32
    %swap3A_642 = arith.index_cast %swap3A_641 : i32 to index
    %swap3A_643 = arith.constant 0 : index
    %swap3A_644 = tpu.vector_load %arg12[%swap3A_642, %swap3A_643] {strides = array<i32>} : memref<8x16xf32, #tpu.memory_space<vmem>>, vector<1x16xf32>,
    %swap3A_645 = vector.shape_cast %swap3A_644 : vector<1x16xf32> to vector<16xf32>
    %swap3A_646 = vector.shape_cast %add3A_640 : vector<16xf32> to vector<1x16xf32>
    tpu.vector_store %arg12[%swap3A_642, %swap3A_643], %swap3A_646 {strides = array<i32>} : memref<8x16xf32, #tpu.memory_space<vmem>>, vector<1x16xf32>,
    %slice3A_647 = vector.extract_strided_slice %get3A_4 {offsets = [5], sizes = [1], strides = [1]} : vector<16xi32> to vector<1xi32>
    %squeeze3A_648 = vector.extract %slice3A_647[0] : i32 from vector<1xi32>
    %ge3A_649 = arith.constant 99968 : i32
    %ge3A_650 = arith.cmpi sge, %squeeze3A_648, %ge3A_649 : i32
    %lt3A_651 = arith.constant 100000 : i32
    %lt3A_652 = arith.cmpi slt, %squeeze3A_648, %lt3A_651 : i32
    %and3A_653 = arith.andi %ge3A_650, %lt3A_652 : i1
    %convert_element_type3A_654 = arith.extui %and3A_653 : i1 to i32
    %cond3A_655 = arith.constant 0 : i32
    %cond3A_656 = arith.cmpi ne, %convert_element_type3A_654, %cond3A_655 : i32
    scf.if %cond3A_656 {
      %sub3A_791 = arith.constant 99968 : i32
      %sub3A_792 = arith.subi %squeeze3A_648, %sub3A_791 : i32
      %broadcast_in_dim3A_793 = vector.broadcast %sub3A_792 : i32 to vector<16xi32>
      %get3A_794 = arith.constant 5 : i32
      %get3A_795 = arith.index_cast %get3A_794 : i32 to index
      %get3A_796 = arith.constant 0 : index
      %get3A_797 = tpu.vector_load %arg14[%get3A_795, %get3A_796] {strides = array<i32>} : memref<8x16xf32, #tpu.memory_space<vmem>>, vector<1x16xf32>,
      %get3A_798 = vector.shape_cast %get3A_797 : vector<1x16xf32> to vector<16xf32>
      %broadcast_in_dim3A_799 = arith.constant 0.000000e+00 : f32
      %broadcast_in_dim3A_800 = vector.broadcast %broadcast_in_dim3A_799 : f32 to vector<16xf32>
      %scan3A_801 = arith.constant 0 : i32
      %scan3A_802 = arith.constant 2 : i32
      %scan3A_803 = arith.addi %scan3A_801, %scan3A_802 : i32
      %scan3A_804 = arith.constant 1 : i32
      %scan3A_805 = scf.for %scan3A_814 = %scan3A_801 to %scan3A_803 step %scan3A_804 iter_args(%scan3A_815 = %broadcast_in_dim3A_800) -> (vector<16xf32>)  : i32 {
        %mul3A_816 = arith.constant 16 : i32
        %mul3A_817 = arith.muli %scan3A_814, %mul3A_816 : i32
        %get3A_818 = arith.constant 5 : i32
        %get3A_819 = arith.index_cast %get3A_818 : i32 to index
        %get3A_820 = arith.index_cast %mul3A_817 : i32 to index
        %get3A_821 = tpu.vector_load %arg9[%get3A_819, %get3A_820] {strides = array<i32>} : memref<8x32xf32, #tpu.memory_space<vmem>>, vector<1x16xf32>,
        %get3A_822 = vector.shape_cast %get3A_821 : vector<1x16xf32> to vector<16xf32>
        %mul3A_823 = arith.constant 16 : i32
        %mul3A_824 = arith.muli %scan3A_814, %mul3A_823 : i32
        %add3A_825 = vector.broadcast %mul3A_824 : i32 to vector<16xi32>
        %add3A_826 = arith.addi %iota3A, %add3A_825 : vector<16xi32>
        %eq3A = arith.cmpi eq, %add3A_826, %broadcast_in_dim3A_793 : vector<16xi32>
        %jit3A = arith.constant 0.000000e+00 : f32
        %broadcast_in_dim3A_827 = vector.broadcast %jit3A : f32 to vector<16xf32>
        %select_n3A = arith.select %eq3A, %get3A_822, %broadcast_in_dim3A_827 : vector<16xi1>, vector<16xf32>
        %add3A_828 = arith.addf %scan3A_815, %select_n3A : vector<16xf32>
        scf.yield %add3A_828 : vector<16xf32>
      }
      %scan3A_806 = arith.constant 2 : i32
      %add3A_807 = arith.addf %get3A_798, %scan3A_805 : vector<16xf32>
      %swap3A_808 = arith.constant 5 : i32
      %swap3A_809 = arith.index_cast %swap3A_808 : i32 to index
      %swap3A_810 = arith.constant 0 : index
      %swap3A_811 = tpu.vector_load %arg14[%swap3A_809, %swap3A_810] {strides = array<i32>} : memref<8x16xf32, #tpu.memory_space<vmem>>, vector<1x16xf32>,
      %swap3A_812 = vector.shape_cast %swap3A_811 : vector<1x16xf32> to vector<16xf32>
      %swap3A_813 = vector.shape_cast %add3A_807 : vector<16xf32> to vector<1x16xf32>
      tpu.vector_store %arg14[%swap3A_809, %swap3A_810], %swap3A_813 {strides = array<i32>} : memref<8x16xf32, #tpu.memory_space<vmem>>, vector<1x16xf32>,
    } else {
    }
    %broadcast_in_dim3A_657 = arith.constant -3.000000e+38 : f32
    %broadcast_in_dim3A_658 = vector.broadcast %broadcast_in_dim3A_657 : f32 to vector<16xf32>
    %broadcast_in_dim3A_659 = arith.constant 0.000000e+00 : f32
    %broadcast_in_dim3A_660 = vector.broadcast %broadcast_in_dim3A_659 : f32 to vector<16xf32>
    %scan3A_661 = arith.constant 0 : i32
    %scan3A_662 = arith.constant 2 : i32
    %scan3A_663 = arith.addi %scan3A_661, %scan3A_662 : i32
    %scan3A_664 = arith.constant 1 : i32
    %scan3A_665:2 = scf.for %scan3A_791 = %scan3A_661 to %scan3A_663 step %scan3A_664 iter_args(%scan3A_792 = %broadcast_in_dim3A_658, %scan3A_793 = %broadcast_in_dim3A_660) -> (vector<16xf32>, vector<16xf32>)  : i32 {
      %mul3A_794 = arith.constant 16 : i32
      %mul3A_795 = arith.muli %scan3A_791, %mul3A_794 : i32
      %get3A_796 = arith.constant 6 : i32
      %get3A_797 = arith.index_cast %get3A_796 : i32 to index
      %get3A_798 = arith.index_cast %mul3A_795 : i32 to index
      %get3A_799 = tpu.vector_load %arg9[%get3A_797, %get3A_798] {strides = array<i32>} : memref<8x32xf32, #tpu.memory_space<vmem>>, vector<1x16xf32>,
      %get3A_800 = vector.shape_cast %get3A_799 : vector<1x16xf32> to vector<16xf32>
      %max3A_801 = arith.maximumf %scan3A_792, %get3A_800 : vector<16xf32>
      %add3A_802 = arith.addf %scan3A_793, %get3A_800 : vector<16xf32>
      scf.yield %max3A_801, %add3A_802 : vector<16xf32>, vector<16xf32>
    }
    %scan3A_666 = arith.constant 2 : i32
    %get3A_667 = arith.constant 6 : i32
    %get3A_668 = arith.index_cast %get3A_667 : i32 to index
    %get3A_669 = arith.constant 0 : index
    %get3A_670 = tpu.vector_load %arg11[%get3A_668, %get3A_669] {strides = array<i32>} : memref<8x16xf32, #tpu.memory_space<vmem>>, vector<1x16xf32>,
    %get3A_671 = vector.shape_cast %get3A_670 : vector<1x16xf32> to vector<16xf32>
    %max3A_672 = arith.maximumf %get3A_671, %scan3A_665#0 : vector<16xf32>
    %sub3A_673 = arith.subf %get3A_671, %max3A_672 : vector<16xf32>
    %exp3A_674 = math.exp %sub3A_673 : vector<16xf32>
    %swap3A_675 = arith.constant 6 : i32
    %swap3A_676 = arith.index_cast %swap3A_675 : i32 to index
    %swap3A_677 = arith.constant 0 : index
    %swap3A_678 = tpu.vector_load %arg11[%swap3A_676, %swap3A_677] {strides = array<i32>} : memref<8x16xf32, #tpu.memory_space<vmem>>, vector<1x16xf32>,
    %swap3A_679 = vector.shape_cast %swap3A_678 : vector<1x16xf32> to vector<16xf32>
    %swap3A_680 = vector.shape_cast %max3A_672 : vector<16xf32> to vector<1x16xf32>
    tpu.vector_store %arg11[%swap3A_676, %swap3A_677], %swap3A_680 {strides = array<i32>} : memref<8x16xf32, #tpu.memory_space<vmem>>, vector<1x16xf32>,
    %get3A_681 = arith.constant 6 : i32
    %get3A_682 = arith.index_cast %get3A_681 : i32 to index
    %get3A_683 = arith.constant 0 : index
    %get3A_684 = tpu.vector_load %arg13[%get3A_682, %get3A_683] {strides = array<i32>} : memref<8x16xf32, #tpu.memory_space<vmem>>, vector<1x16xf32>,
    %get3A_685 = vector.shape_cast %get3A_684 : vector<1x16xf32> to vector<16xf32>
    %add3A_686 = arith.addf %get3A_685, %scan3A_665#1 : vector<16xf32>
    %swap3A_687 = arith.constant 6 : i32
    %swap3A_688 = arith.index_cast %swap3A_687 : i32 to index
    %swap3A_689 = arith.constant 0 : index
    %swap3A_690 = tpu.vector_load %arg13[%swap3A_688, %swap3A_689] {strides = array<i32>} : memref<8x16xf32, #tpu.memory_space<vmem>>, vector<1x16xf32>,
    %swap3A_691 = vector.shape_cast %swap3A_690 : vector<1x16xf32> to vector<16xf32>
    %swap3A_692 = vector.shape_cast %add3A_686 : vector<16xf32> to vector<1x16xf32>
    tpu.vector_store %arg13[%swap3A_688, %swap3A_689], %swap3A_692 {strides = array<i32>} : memref<8x16xf32, #tpu.memory_space<vmem>>, vector<1x16xf32>,
    %broadcast_in_dim3A_693 = arith.constant 0.000000e+00 : f32
    %broadcast_in_dim3A_694 = vector.broadcast %broadcast_in_dim3A_693 : f32 to vector<16xf32>
    %scan3A_695 = arith.constant 0 : i32
    %scan3A_696 = arith.constant 2 : i32
    %scan3A_697 = arith.addi %scan3A_695, %scan3A_696 : i32
    %scan3A_698 = arith.constant 1 : i32
    %scan3A_699 = scf.for %scan3A_791 = %scan3A_695 to %scan3A_697 step %scan3A_698 iter_args(%scan3A_792 = %broadcast_in_dim3A_694) -> (vector<16xf32>)  : i32 {
      %mul3A_793 = arith.constant 16 : i32
      %mul3A_794 = arith.muli %scan3A_791, %mul3A_793 : i32
      %get3A_795 = arith.constant 6 : i32
      %get3A_796 = arith.index_cast %get3A_795 : i32 to index
      %get3A_797 = arith.index_cast %mul3A_794 : i32 to index
      %get3A_798 = tpu.vector_load %arg9[%get3A_796, %get3A_797] {strides = array<i32>} : memref<8x32xf32, #tpu.memory_space<vmem>>, vector<1x16xf32>,
      %get3A_799 = vector.shape_cast %get3A_798 : vector<1x16xf32> to vector<16xf32>
      %sub3A_800 = arith.subf %get3A_799, %max3A_672 : vector<16xf32>
      %exp3A_801 = math.exp %sub3A_800 : vector<16xf32>
      %add3A_802 = arith.addf %scan3A_792, %exp3A_801 : vector<16xf32>
      scf.yield %add3A_802 : vector<16xf32>
    }
    %scan3A_700 = arith.constant 2 : i32
    %get3A_701 = arith.constant 6 : i32
    %get3A_702 = arith.index_cast %get3A_701 : i32 to index
    %get3A_703 = arith.constant 0 : index
    %get3A_704 = tpu.vector_load %arg12[%get3A_702, %get3A_703] {strides = array<i32>} : memref<8x16xf32, #tpu.memory_space<vmem>>, vector<1x16xf32>,
    %get3A_705 = vector.shape_cast %get3A_704 : vector<1x16xf32> to vector<16xf32>
    %mul3A_706 = arith.mulf %get3A_705, %exp3A_674 : vector<16xf32>
    %add3A_707 = arith.addf %mul3A_706, %scan3A_699 : vector<16xf32>
    %swap3A_708 = arith.constant 6 : i32
    %swap3A_709 = arith.index_cast %swap3A_708 : i32 to index
    %swap3A_710 = arith.constant 0 : index
    %swap3A_711 = tpu.vector_load %arg12[%swap3A_709, %swap3A_710] {strides = array<i32>} : memref<8x16xf32, #tpu.memory_space<vmem>>, vector<1x16xf32>,
    %swap3A_712 = vector.shape_cast %swap3A_711 : vector<1x16xf32> to vector<16xf32>
    %swap3A_713 = vector.shape_cast %add3A_707 : vector<16xf32> to vector<1x16xf32>
    tpu.vector_store %arg12[%swap3A_709, %swap3A_710], %swap3A_713 {strides = array<i32>} : memref<8x16xf32, #tpu.memory_space<vmem>>, vector<1x16xf32>,
    %slice3A_714 = vector.extract_strided_slice %get3A_4 {offsets = [6], sizes = [1], strides = [1]} : vector<16xi32> to vector<1xi32>
    %squeeze3A_715 = vector.extract %slice3A_714[0] : i32 from vector<1xi32>
    %ge3A_716 = arith.constant 99968 : i32
    %ge3A_717 = arith.cmpi sge, %squeeze3A_715, %ge3A_716 : i32
    %lt3A_718 = arith.constant 100000 : i32
    %lt3A_719 = arith.cmpi slt, %squeeze3A_715, %lt3A_718 : i32
    %and3A_720 = arith.andi %ge3A_717, %lt3A_719 : i1
    %convert_element_type3A_721 = arith.extui %and3A_720 : i1 to i32
    %cond3A_722 = arith.constant 0 : i32
    %cond3A_723 = arith.cmpi ne, %convert_element_type3A_721, %cond3A_722 : i32
    scf.if %cond3A_723 {
      %sub3A_791 = arith.constant 99968 : i32
      %sub3A_792 = arith.subi %squeeze3A_715, %sub3A_791 : i32
      %broadcast_in_dim3A_793 = vector.broadcast %sub3A_792 : i32 to vector<16xi32>
      %get3A_794 = arith.constant 6 : i32
      %get3A_795 = arith.index_cast %get3A_794 : i32 to index
      %get3A_796 = arith.constant 0 : index
      %get3A_797 = tpu.vector_load %arg14[%get3A_795, %get3A_796] {strides = array<i32>} : memref<8x16xf32, #tpu.memory_space<vmem>>, vector<1x16xf32>,
      %get3A_798 = vector.shape_cast %get3A_797 : vector<1x16xf32> to vector<16xf32>
      %broadcast_in_dim3A_799 = arith.constant 0.000000e+00 : f32
      %broadcast_in_dim3A_800 = vector.broadcast %broadcast_in_dim3A_799 : f32 to vector<16xf32>
      %scan3A_801 = arith.constant 0 : i32
      %scan3A_802 = arith.constant 2 : i32
      %scan3A_803 = arith.addi %scan3A_801, %scan3A_802 : i32
      %scan3A_804 = arith.constant 1 : i32
      %scan3A_805 = scf.for %scan3A_814 = %scan3A_801 to %scan3A_803 step %scan3A_804 iter_args(%scan3A_815 = %broadcast_in_dim3A_800) -> (vector<16xf32>)  : i32 {
        %mul3A_816 = arith.constant 16 : i32
        %mul3A_817 = arith.muli %scan3A_814, %mul3A_816 : i32
        %get3A_818 = arith.constant 6 : i32
        %get3A_819 = arith.index_cast %get3A_818 : i32 to index
        %get3A_820 = arith.index_cast %mul3A_817 : i32 to index
        %get3A_821 = tpu.vector_load %arg9[%get3A_819, %get3A_820] {strides = array<i32>} : memref<8x32xf32, #tpu.memory_space<vmem>>, vector<1x16xf32>,
        %get3A_822 = vector.shape_cast %get3A_821 : vector<1x16xf32> to vector<16xf32>
        %mul3A_823 = arith.constant 16 : i32
        %mul3A_824 = arith.muli %scan3A_814, %mul3A_823 : i32
        %add3A_825 = vector.broadcast %mul3A_824 : i32 to vector<16xi32>
        %add3A_826 = arith.addi %iota3A, %add3A_825 : vector<16xi32>
        %eq3A = arith.cmpi eq, %add3A_826, %broadcast_in_dim3A_793 : vector<16xi32>
        %jit3A = arith.constant 0.000000e+00 : f32
        %broadcast_in_dim3A_827 = vector.broadcast %jit3A : f32 to vector<16xf32>
        %select_n3A = arith.select %eq3A, %get3A_822, %broadcast_in_dim3A_827 : vector<16xi1>, vector<16xf32>
        %add3A_828 = arith.addf %scan3A_815, %select_n3A : vector<16xf32>
        scf.yield %add3A_828 : vector<16xf32>
      }
      %scan3A_806 = arith.constant 2 : i32
      %add3A_807 = arith.addf %get3A_798, %scan3A_805 : vector<16xf32>
      %swap3A_808 = arith.constant 6 : i32
      %swap3A_809 = arith.index_cast %swap3A_808 : i32 to index
      %swap3A_810 = arith.constant 0 : index
      %swap3A_811 = tpu.vector_load %arg14[%swap3A_809, %swap3A_810] {strides = array<i32>} : memref<8x16xf32, #tpu.memory_space<vmem>>, vector<1x16xf32>,
      %swap3A_812 = vector.shape_cast %swap3A_811 : vector<1x16xf32> to vector<16xf32>
      %swap3A_813 = vector.shape_cast %add3A_807 : vector<16xf32> to vector<1x16xf32>
      tpu.vector_store %arg14[%swap3A_809, %swap3A_810], %swap3A_813 {strides = array<i32>} : memref<8x16xf32, #tpu.memory_space<vmem>>, vector<1x16xf32>,
    } else {
    }
    %broadcast_in_dim3A_724 = arith.constant -3.000000e+38 : f32
    %broadcast_in_dim3A_725 = vector.broadcast %broadcast_in_dim3A_724 : f32 to vector<16xf32>
    %broadcast_in_dim3A_726 = arith.constant 0.000000e+00 : f32
    %broadcast_in_dim3A_727 = vector.broadcast %broadcast_in_dim3A_726 : f32 to vector<16xf32>
    %scan3A_728 = arith.constant 0 : i32
    %scan3A_729 = arith.constant 2 : i32
    %scan3A_730 = arith.addi %scan3A_728, %scan3A_729 : i32
    %scan3A_731 = arith.constant 1 : i32
    %scan3A_732:2 = scf.for %scan3A_791 = %scan3A_728 to %scan3A_730 step %scan3A_731 iter_args(%scan3A_792 = %broadcast_in_dim3A_725, %scan3A_793 = %broadcast_in_dim3A_727) -> (vector<16xf32>, vector<16xf32>)  : i32 {
      %mul3A_794 = arith.constant 16 : i32
      %mul3A_795 = arith.muli %scan3A_791, %mul3A_794 : i32
      %get3A_796 = arith.constant 7 : i32
      %get3A_797 = arith.index_cast %get3A_796 : i32 to index
      %get3A_798 = arith.index_cast %mul3A_795 : i32 to index
      %get3A_799 = tpu.vector_load %arg9[%get3A_797, %get3A_798] {strides = array<i32>} : memref<8x32xf32, #tpu.memory_space<vmem>>, vector<1x16xf32>,
      %get3A_800 = vector.shape_cast %get3A_799 : vector<1x16xf32> to vector<16xf32>
      %max3A_801 = arith.maximumf %scan3A_792, %get3A_800 : vector<16xf32>
      %add3A_802 = arith.addf %scan3A_793, %get3A_800 : vector<16xf32>
      scf.yield %max3A_801, %add3A_802 : vector<16xf32>, vector<16xf32>
    }
    %scan3A_733 = arith.constant 2 : i32
    %get3A_734 = arith.constant 7 : i32
    %get3A_735 = arith.index_cast %get3A_734 : i32 to index
    %get3A_736 = arith.constant 0 : index
    %get3A_737 = tpu.vector_load %arg11[%get3A_735, %get3A_736] {strides = array<i32>} : memref<8x16xf32, #tpu.memory_space<vmem>>, vector<1x16xf32>,
    %get3A_738 = vector.shape_cast %get3A_737 : vector<1x16xf32> to vector<16xf32>
    %max3A_739 = arith.maximumf %get3A_738, %scan3A_732#0 : vector<16xf32>
    %sub3A_740 = arith.subf %get3A_738, %max3A_739 : vector<16xf32>
    %exp3A_741 = math.exp %sub3A_740 : vector<16xf32>
    %swap3A_742 = arith.constant 7 : i32
    %swap3A_743 = arith.index_cast %swap3A_742 : i32 to index
    %swap3A_744 = arith.constant 0 : index
    %swap3A_745 = tpu.vector_load %arg11[%swap3A_743, %swap3A_744] {strides = array<i32>} : memref<8x16xf32, #tpu.memory_space<vmem>>, vector<1x16xf32>,
    %swap3A_746 = vector.shape_cast %swap3A_745 : vector<1x16xf32> to vector<16xf32>
    %swap3A_747 = vector.shape_cast %max3A_739 : vector<16xf32> to vector<1x16xf32>
    tpu.vector_store %arg11[%swap3A_743, %swap3A_744], %swap3A_747 {strides = array<i32>} : memref<8x16xf32, #tpu.memory_space<vmem>>, vector<1x16xf32>,
    %get3A_748 = arith.constant 7 : i32
    %get3A_749 = arith.index_cast %get3A_748 : i32 to index
    %get3A_750 = arith.constant 0 : index
    %get3A_751 = tpu.vector_load %arg13[%get3A_749, %get3A_750] {strides = array<i32>} : memref<8x16xf32, #tpu.memory_space<vmem>>, vector<1x16xf32>,
    %get3A_752 = vector.shape_cast %get3A_751 : vector<1x16xf32> to vector<16xf32>
    %add3A_753 = arith.addf %get3A_752, %scan3A_732#1 : vector<16xf32>
    %swap3A_754 = arith.constant 7 : i32
    %swap3A_755 = arith.index_cast %swap3A_754 : i32 to index
    %swap3A_756 = arith.constant 0 : index
    %swap3A_757 = tpu.vector_load %arg13[%swap3A_755, %swap3A_756] {strides = array<i32>} : memref<8x16xf32, #tpu.memory_space<vmem>>, vector<1x16xf32>,
    %swap3A_758 = vector.shape_cast %swap3A_757 : vector<1x16xf32> to vector<16xf32>
    %swap3A_759 = vector.shape_cast %add3A_753 : vector<16xf32> to vector<1x16xf32>
    tpu.vector_store %arg13[%swap3A_755, %swap3A_756], %swap3A_759 {strides = array<i32>} : memref<8x16xf32, #tpu.memory_space<vmem>>, vector<1x16xf32>,
    %broadcast_in_dim3A_760 = arith.constant 0.000000e+00 : f32
    %broadcast_in_dim3A_761 = vector.broadcast %broadcast_in_dim3A_760 : f32 to vector<16xf32>
    %scan3A_762 = arith.constant 0 : i32
    %scan3A_763 = arith.constant 2 : i32
    %scan3A_764 = arith.addi %scan3A_762, %scan3A_763 : i32
    %scan3A_765 = arith.constant 1 : i32
    %scan3A_766 = scf.for %scan3A_791 = %scan3A_762 to %scan3A_764 step %scan3A_765 iter_args(%scan3A_792 = %broadcast_in_dim3A_761) -> (vector<16xf32>)  : i32 {
      %mul3A_793 = arith.constant 16 : i32
      %mul3A_794 = arith.muli %scan3A_791, %mul3A_793 : i32
      %get3A_795 = arith.constant 7 : i32
      %get3A_796 = arith.index_cast %get3A_795 : i32 to index
      %get3A_797 = arith.index_cast %mul3A_794 : i32 to index
      %get3A_798 = tpu.vector_load %arg9[%get3A_796, %get3A_797] {strides = array<i32>} : memref<8x32xf32, #tpu.memory_space<vmem>>, vector<1x16xf32>,
      %get3A_799 = vector.shape_cast %get3A_798 : vector<1x16xf32> to vector<16xf32>
      %sub3A_800 = arith.subf %get3A_799, %max3A_739 : vector<16xf32>
      %exp3A_801 = math.exp %sub3A_800 : vector<16xf32>
      %add3A_802 = arith.addf %scan3A_792, %exp3A_801 : vector<16xf32>
      scf.yield %add3A_802 : vector<16xf32>
    }
    %scan3A_767 = arith.constant 2 : i32
    %get3A_768 = arith.constant 7 : i32
    %get3A_769 = arith.index_cast %get3A_768 : i32 to index
    %get3A_770 = arith.constant 0 : index
    %get3A_771 = tpu.vector_load %arg12[%get3A_769, %get3A_770] {strides = array<i32>} : memref<8x16xf32, #tpu.memory_space<vmem>>, vector<1x16xf32>,
    %get3A_772 = vector.shape_cast %get3A_771 : vector<1x16xf32> to vector<16xf32>
    %mul3A_773 = arith.mulf %get3A_772, %exp3A_741 : vector<16xf32>
    %add3A_774 = arith.addf %mul3A_773, %scan3A_766 : vector<16xf32>
    %swap3A_775 = arith.constant 7 : i32
    %swap3A_776 = arith.index_cast %swap3A_775 : i32 to index
    %swap3A_777 = arith.constant 0 : index
    %swap3A_778 = tpu.vector_load %arg12[%swap3A_776, %swap3A_777] {strides = array<i32>} : memref<8x16xf32, #tpu.memory_space<vmem>>, vector<1x16xf32>,
    %swap3A_779 = vector.shape_cast %swap3A_778 : vector<1x16xf32> to vector<16xf32>
    %swap3A_780 = vector.shape_cast %add3A_774 : vector<16xf32> to vector<1x16xf32>
    tpu.vector_store %arg12[%swap3A_776, %swap3A_777], %swap3A_780 {strides = array<i32>} : memref<8x16xf32, #tpu.memory_space<vmem>>, vector<1x16xf32>,
    %slice3A_781 = vector.extract_strided_slice %get3A_4 {offsets = [7], sizes = [1], strides = [1]} : vector<16xi32> to vector<1xi32>
    %squeeze3A_782 = vector.extract %slice3A_781[0] : i32 from vector<1xi32>
    %ge3A_783 = arith.constant 99968 : i32
    %ge3A_784 = arith.cmpi sge, %squeeze3A_782, %ge3A_783 : i32
    %lt3A_785 = arith.constant 100000 : i32
    %lt3A_786 = arith.cmpi slt, %squeeze3A_782, %lt3A_785 : i32
    %and3A_787 = arith.andi %ge3A_784, %lt3A_786 : i1
    %convert_element_type3A_788 = arith.extui %and3A_787 : i1 to i32
    %cond3A_789 = arith.constant 0 : i32
    %cond3A_790 = arith.cmpi ne, %convert_element_type3A_788, %cond3A_789 : i32
    scf.if %cond3A_790 {
      %sub3A_791 = arith.constant 99968 : i32
      %sub3A_792 = arith.subi %squeeze3A_782, %sub3A_791 : i32
      %broadcast_in_dim3A_793 = vector.broadcast %sub3A_792 : i32 to vector<16xi32>
      %get3A_794 = arith.constant 7 : i32
      %get3A_795 = arith.index_cast %get3A_794 : i32 to index
      %get3A_796 = arith.constant 0 : index
      %get3A_797 = tpu.vector_load %arg14[%get3A_795, %get3A_796] {strides = array<i32>} : memref<8x16xf32, #tpu.memory_space<vmem>>, vector<1x16xf32>,
      %get3A_798 = vector.shape_cast %get3A_797 : vector<1x16xf32> to vector<16xf32>
      %broadcast_in_dim3A_799 = arith.constant 0.000000e+00 : f32
      %broadcast_in_dim3A_800 = vector.broadcast %broadcast_in_dim3A_799 : f32 to vector<16xf32>
      %scan3A_801 = arith.constant 0 : i32
      %scan3A_802 = arith.constant 2 : i32
      %scan3A_803 = arith.addi %scan3A_801, %scan3A_802 : i32
      %scan3A_804 = arith.constant 1 : i32
      %scan3A_805 = scf.for %scan3A_814 = %scan3A_801 to %scan3A_803 step %scan3A_804 iter_args(%scan3A_815 = %broadcast_in_dim3A_800) -> (vector<16xf32>)  : i32 {
        %mul3A_816 = arith.constant 16 : i32
        %mul3A_817 = arith.muli %scan3A_814, %mul3A_816 : i32
        %get3A_818 = arith.constant 7 : i32
        %get3A_819 = arith.index_cast %get3A_818 : i32 to index
        %get3A_820 = arith.index_cast %mul3A_817 : i32 to index
        %get3A_821 = tpu.vector_load %arg9[%get3A_819, %get3A_820] {strides = array<i32>} : memref<8x32xf32, #tpu.memory_space<vmem>>, vector<1x16xf32>,
        %get3A_822 = vector.shape_cast %get3A_821 : vector<1x16xf32> to vector<16xf32>
        %mul3A_823 = arith.constant 16 : i32
        %mul3A_824 = arith.muli %scan3A_814, %mul3A_823 : i32
        %add3A_825 = vector.broadcast %mul3A_824 : i32 to vector<16xi32>
        %add3A_826 = arith.addi %iota3A, %add3A_825 : vector<16xi32>
        %eq3A = arith.cmpi eq, %add3A_826, %broadcast_in_dim3A_793 : vector<16xi32>
        %jit3A = arith.constant 0.000000e+00 : f32
        %broadcast_in_dim3A_827 = vector.broadcast %jit3A : f32 to vector<16xf32>
        %select_n3A = arith.select %eq3A, %get3A_822, %broadcast_in_dim3A_827 : vector<16xi1>, vector<16xf32>
        %add3A_828 = arith.addf %scan3A_815, %select_n3A : vector<16xf32>
        scf.yield %add3A_828 : vector<16xf32>
      }
      %scan3A_806 = arith.constant 2 : i32
      %add3A_807 = arith.addf %get3A_798, %scan3A_805 : vector<16xf32>
      %swap3A_808 = arith.constant 7 : i32
      %swap3A_809 = arith.index_cast %swap3A_808 : i32 to index
      %swap3A_810 = arith.constant 0 : index
      %swap3A_811 = tpu.vector_load %arg14[%swap3A_809, %swap3A_810] {strides = array<i32>} : memref<8x16xf32, #tpu.memory_space<vmem>>, vector<1x16xf32>,
      %swap3A_812 = vector.shape_cast %swap3A_811 : vector<1x16xf32> to vector<16xf32>
      %swap3A_813 = vector.shape_cast %add3A_807 : vector<16xf32> to vector<1x16xf32>
      tpu.vector_store %arg14[%swap3A_809, %swap3A_810], %swap3A_813 {strides = array<i32>} : memref<8x16xf32, #tpu.memory_space<vmem>>, vector<1x16xf32>,
    } else {
    }
    "tpu.region"() ({
      %run_scoped3A = tpu.sem_alloc : memref<!tpu.dma_semaphore, #tpu.memory_space<semaphore_mem>>
      %dma_start3A = arith.constant 0 : i32
      %dma_start3A_791 = tpu.memref_slice %arg4[%mul3A_2, %dma_start3A] : memref<256x16xf32, #tpu.memory_space<hbm>> -> memref<8x16xf32, #tpu.memory_space<hbm>>
      %dma_start3A_792 = arith.constant 0 : i32
      %dma_start3A_793 = tpu.memref_slice %arg4[%mul3A_2, %dma_start3A_792] : memref<256x16xf32, #tpu.memory_space<hbm>> -> memref<8x16xf32, #tpu.memory_space<hbm>>
      tpu.enqueue_dma source(%arg11 : memref<8x16xf32, #tpu.memory_space<vmem>>) target(%dma_start3A_793 : memref<8x16xf32, #tpu.memory_space<hbm>>) target_semaphore(%run_scoped3A : memref<!tpu.dma_semaphore, #tpu.memory_space<semaphore_mem>>)
      %dma_wait3A = arith.constant 0 : i32
      %dma_wait3A_794 = tpu.memref_slice %arg4[%mul3A_2, %dma_wait3A] : memref<256x16xf32, #tpu.memory_space<hbm>> -> memref<8x16xf32, #tpu.memory_space<hbm>>
      %dma_wait3A_795 = arith.constant 0 : i32
      %dma_wait3A_796 = tpu.memref_slice %arg4[%mul3A_2, %dma_wait3A_795] : memref<256x16xf32, #tpu.memory_space<hbm>> -> memref<8x16xf32, #tpu.memory_space<hbm>>
      tpu.wait_dma2 semaphore(%run_scoped3A : memref<!tpu.dma_semaphore, #tpu.memory_space<semaphore_mem>>) src(%arg11 : memref<8x16xf32, #tpu.memory_space<vmem>>) dst(%dma_wait3A_796 : memref<8x16xf32, #tpu.memory_space<hbm>>)
      tpu.yield
    }) : () -> ()
    "tpu.region"() ({
      %run_scoped3A = tpu.sem_alloc : memref<!tpu.dma_semaphore, #tpu.memory_space<semaphore_mem>>
      %dma_start3A = arith.constant 0 : i32
      %dma_start3A_791 = tpu.memref_slice %arg5[%mul3A_2, %dma_start3A] : memref<256x16xf32, #tpu.memory_space<hbm>> -> memref<8x16xf32, #tpu.memory_space<hbm>>
      %dma_start3A_792 = arith.constant 0 : i32
      %dma_start3A_793 = tpu.memref_slice %arg5[%mul3A_2, %dma_start3A_792] : memref<256x16xf32, #tpu.memory_space<hbm>> -> memref<8x16xf32, #tpu.memory_space<hbm>>
      tpu.enqueue_dma source(%arg12 : memref<8x16xf32, #tpu.memory_space<vmem>>) target(%dma_start3A_793 : memref<8x16xf32, #tpu.memory_space<hbm>>) target_semaphore(%run_scoped3A : memref<!tpu.dma_semaphore, #tpu.memory_space<semaphore_mem>>)
      %dma_wait3A = arith.constant 0 : i32
      %dma_wait3A_794 = tpu.memref_slice %arg5[%mul3A_2, %dma_wait3A] : memref<256x16xf32, #tpu.memory_space<hbm>> -> memref<8x16xf32, #tpu.memory_space<hbm>>
      %dma_wait3A_795 = arith.constant 0 : i32
      %dma_wait3A_796 = tpu.memref_slice %arg5[%mul3A_2, %dma_wait3A_795] : memref<256x16xf32, #tpu.memory_space<hbm>> -> memref<8x16xf32, #tpu.memory_space<hbm>>
      tpu.wait_dma2 semaphore(%run_scoped3A : memref<!tpu.dma_semaphore, #tpu.memory_space<semaphore_mem>>) src(%arg12 : memref<8x16xf32, #tpu.memory_space<vmem>>) dst(%dma_wait3A_796 : memref<8x16xf32, #tpu.memory_space<hbm>>)
      tpu.yield
    }) : () -> ()
    "tpu.region"() ({
      %run_scoped3A = tpu.sem_alloc : memref<!tpu.dma_semaphore, #tpu.memory_space<semaphore_mem>>
      %dma_start3A = arith.constant 0 : i32
      %dma_start3A_791 = tpu.memref_slice %arg6[%mul3A_2, %dma_start3A] : memref<256x16xf32, #tpu.memory_space<hbm>> -> memref<8x16xf32, #tpu.memory_space<hbm>>
      %dma_start3A_792 = arith.constant 0 : i32
      %dma_start3A_793 = tpu.memref_slice %arg6[%mul3A_2, %dma_start3A_792] : memref<256x16xf32, #tpu.memory_space<hbm>> -> memref<8x16xf32, #tpu.memory_space<hbm>>
      tpu.enqueue_dma source(%arg13 : memref<8x16xf32, #tpu.memory_space<vmem>>) target(%dma_start3A_793 : memref<8x16xf32, #tpu.memory_space<hbm>>) target_semaphore(%run_scoped3A : memref<!tpu.dma_semaphore, #tpu.memory_space<semaphore_mem>>)
      %dma_wait3A = arith.constant 0 : i32
      %dma_wait3A_794 = tpu.memref_slice %arg6[%mul3A_2, %dma_wait3A] : memref<256x16xf32, #tpu.memory_space<hbm>> -> memref<8x16xf32, #tpu.memory_space<hbm>>
      %dma_wait3A_795 = arith.constant 0 : i32
      %dma_wait3A_796 = tpu.memref_slice %arg6[%mul3A_2, %dma_wait3A_795] : memref<256x16xf32, #tpu.memory_space<hbm>> -> memref<8x16xf32, #tpu.memory_space<hbm>>
      tpu.wait_dma2 semaphore(%run_scoped3A : memref<!tpu.dma_semaphore, #tpu.memory_space<semaphore_mem>>) src(%arg13 : memref<8x16xf32, #tpu.memory_space<vmem>>) dst(%dma_wait3A_796 : memref<8x16xf32, #tpu.memory_space<hbm>>)
      tpu.yield
    }) : () -> ()
    "tpu.region"() ({
      %run_scoped3A = tpu.sem_alloc : memref<!tpu.dma_semaphore, #tpu.memory_space<semaphore_mem>>
      %dma_start3A = arith.constant 0 : i32
      %dma_start3A_791 = tpu.memref_slice %arg7[%mul3A_2, %dma_start3A] : memref<256x16xf32, #tpu.memory_space<hbm>> -> memref<8x16xf32, #tpu.memory_space<hbm>>
      %dma_start3A_792 = arith.constant 0 : i32
      %dma_start3A_793 = tpu.memref_slice %arg7[%mul3A_2, %dma_start3A_792] : memref<256x16xf32, #tpu.memory_space<hbm>> -> memref<8x16xf32, #tpu.memory_space<hbm>>
      tpu.enqueue_dma source(%arg14 : memref<8x16xf32, #tpu.memory_space<vmem>>) target(%dma_start3A_793 : memref<8x16xf32, #tpu.memory_space<hbm>>) target_semaphore(%run_scoped3A : memref<!tpu.dma_semaphore, #tpu.memory_space<semaphore_mem>>)
      %dma_wait3A = arith.constant 0 : i32
      %dma_wait3A_794 = tpu.memref_slice %arg7[%mul3A_2, %dma_wait3A] : memref<256x16xf32, #tpu.memory_space<hbm>> -> memref<8x16xf32, #tpu.memory_space<hbm>>
      %dma_wait3A_795 = arith.constant 0 : i32
      %dma_wait3A_796 = tpu.memref_slice %arg7[%mul3A_2, %dma_wait3A_795] : memref<256x16xf32, #tpu.memory_space<hbm>> -> memref<8x16xf32, #tpu.memory_space<hbm>>
      tpu.wait_dma2 semaphore(%run_scoped3A : memref<!tpu.dma_semaphore, #tpu.memory_space<semaphore_mem>>) src(%arg14 : memref<8x16xf32, #tpu.memory_space<vmem>>) dst(%dma_wait3A_796 : memref<8x16xf32, #tpu.memory_space<hbm>>)
      tpu.yield
    }) : () -> ()
    return
  }
}

module attributes {stable_mosaic.version = 14 : i64} {
  func.func @_tc_body(%arg0: i32, %arg1: memref<32x100000xf32, #tpu.memory_space<vmem>>, %arg2: memref<1x1x32xi32, #tpu.memory_space<vmem>>, %arg3: memref<1x1xf32, #tpu.memory_space<vmem>>, %arg4: memref<1x1xf32, #tpu.memory_space<vmem>>) attributes {dimension_semantics = [#tpu.dimension_semantics<arbitrary>], iteration_bounds = array<i64: 24>, scalar_prefetch = 0 : i64, scratch_operands = 0 : i64, tpu.core_type = #tpu.core_type<tc>, window_params = [{transform_indices = @transform_0, window_bounds = array<i64: 32, 100000>}, {transform_indices = @transform_1, window_bounds = array<i64: 1, 1, 32>}, {pipeline_mode = #tpu.pipeline_mode<synchronous>, transform_indices = @transform_2, window_bounds = array<i64: 1, 1>}, {pipeline_mode = #tpu.pipeline_mode<synchronous>, transform_indices = @transform_3, window_bounds = array<i64: 1, 1>}]} {
    %get3A = arith.constant 0 : index
    %get3A_0 = arith.constant 0 : index
    %get3A_1 = vector.load %arg1[%get3A, %get3A_0] : memref<32x100000xf32, #tpu.memory_space<vmem>>, vector<32x100000xf32>
    %get3A_2 = arith.constant 0 : index
    %get3A_3 = arith.constant 0 : index
    %get3A_4 = arith.constant 0 : index
    %get3A_5 = vector.load %arg2[%get3A_2, %get3A_3, %get3A_4] : memref<1x1x32xi32, #tpu.memory_space<vmem>>, vector<1x1x32xi32>
    %get3A_6 = vector.shape_cast %get3A_5 : vector<1x1x32xi32> to vector<32xi32>
    %reduce_max3A = arith.constant dense<0xFF800000> : vector<32xf32>
    %reduce_max3A_7 = vector.multi_reduction <maximumf>, %get3A_1, %reduce_max3A [1] : vector<32x100000xf32> to vector<32xf32>
    %broadcast_in_dim3A = vector.shape_cast %reduce_max3A_7 : vector<32xf32> to vector<32x1xf32>
    %sub3A = vector.broadcast %broadcast_in_dim3A : vector<32x1xf32> to vector<32x100000xf32>
    %sub3A_8 = arith.subf %get3A_1, %sub3A : vector<32x100000xf32>
    %exp3A = math.exp %sub3A_8 : vector<32x100000xf32>
    %reduce_sum3A = arith.constant dense<0.000000e+00> : vector<32xf32>
    %reduce_sum3A_9 = vector.multi_reduction <add>, %exp3A, %reduce_sum3A [1] : vector<32x100000xf32> to vector<32xf32>
    %broadcast_in_dim3A_10 = vector.shape_cast %reduce_sum3A_9 : vector<32xf32> to vector<32x1xf32>
    %log3A = math.log %broadcast_in_dim3A_10 : vector<32x1xf32>
    %add3A = arith.addf %broadcast_in_dim3A, %log3A : vector<32x1xf32>
    %iota3A = tpu.iota {dimensions = array<i32: 1>} : vector<32x100000xi32>
    %broadcast_in_dim3A_11 = vector.shape_cast %get3A_6 : vector<32xi32> to vector<32x1xi32>
    %eq3A = vector.broadcast %broadcast_in_dim3A_11 : vector<32x1xi32> to vector<32x100000xi32>
    %eq3A_12 = arith.cmpi eq, %iota3A, %eq3A : vector<32x100000xi32>
    %jit3A = arith.constant 0.900000989 : f32
    %jit3A_13 = arith.constant 9.99999997E-7 : f32
    %broadcast_in_dim3A_14 = vector.broadcast %jit3A : f32 to vector<32x100000xf32>
    %broadcast_in_dim3A_15 = vector.broadcast %jit3A_13 : f32 to vector<32x100000xf32>
    %select_n3A = arith.select %eq3A_12, %broadcast_in_dim3A_14, %broadcast_in_dim3A_15 : vector<32x100000xi1>, vector<32x100000xf32>
    %mul3A = arith.mulf %select_n3A, %get3A_1 : vector<32x100000xf32>
    %reduce_sum3A_16 = arith.constant dense<0.000000e+00> : vector<32xf32>
    %reduce_sum3A_17 = vector.multi_reduction <add>, %mul3A, %reduce_sum3A_16 [1] : vector<32x100000xf32> to vector<32xf32>
    %broadcast_in_dim3A_18 = vector.shape_cast %reduce_sum3A_17 : vector<32xf32> to vector<32x1xf32>
    %broadcast_in_dim3A_19 = vector.shape_cast %get3A_6 : vector<32xi32> to vector<32x1xi32>
    %ne3A = arith.constant 0 : i32
    %ne3A_20 = vector.broadcast %ne3A : i32 to vector<32x1xi32>
    %ne3A_21 = arith.cmpi ne, %broadcast_in_dim3A_19, %ne3A_20 : vector<32x1xi32>
    %convert_element_type3A = arith.extui %ne3A_21 : vector<32x1xi1> to vector<32x1xi32>
    %convert_element_type3A_22 = arith.sitofp %convert_element_type3A : vector<32x1xi32> to vector<32x1xf32>
    %sub3A_23 = arith.subf %add3A, %broadcast_in_dim3A_18 : vector<32x1xf32>
    %mul3A_24 = arith.mulf %sub3A_23, %convert_element_type3A_22 : vector<32x1xf32>
    %reduce_sum3A_25 = arith.constant dense<0.000000e+00> : vector<1xf32>
    %reduce_sum3A_26 = vector.multi_reduction <add>, %mul3A_24, %reduce_sum3A_25 [0] : vector<32x1xf32> to vector<1xf32>
    %broadcast_in_dim3A_27 = vector.shape_cast %reduce_sum3A_26 : vector<1xf32> to vector<1x1xf32>
    %reduce_sum3A_28 = arith.constant dense<0.000000e+00> : vector<1xf32>
    %reduce_sum3A_29 = vector.multi_reduction <add>, %convert_element_type3A_22, %reduce_sum3A_28 [0] : vector<32x1xf32> to vector<1xf32>
    %broadcast_in_dim3A_30 = vector.shape_cast %reduce_sum3A_29 : vector<1xf32> to vector<1x1xf32>
    %eq3A_31 = arith.constant 0 : i32
    %eq3A_32 = arith.cmpi eq, %arg0, %eq3A_31 : i32
    %convert_element_type3A_33 = arith.extui %eq3A_32 : i1 to i32
    %cond3A = arith.constant 0 : i32
    %cond3A_34 = arith.cmpi ne, %convert_element_type3A_33, %cond3A : i32
    scf.if %cond3A_34 {
      %broadcast_in_dim3A_48 = arith.constant 0.000000e+00 : f32
      %broadcast_in_dim3A_49 = vector.broadcast %broadcast_in_dim3A_48 : f32 to vector<1x1xf32>
      %swap3A_50 = arith.constant 0 : index
      %swap3A_51 = arith.constant 0 : index
      %swap3A_52 = vector.load %arg3[%swap3A_50, %swap3A_51] : memref<1x1xf32, #tpu.memory_space<vmem>>, vector<1x1xf32>
      tpu.vector_store %arg3[%swap3A_50, %swap3A_51], %broadcast_in_dim3A_49 {strides = array<i32>} : memref<1x1xf32, #tpu.memory_space<vmem>>, vector<1x1xf32>,
      %broadcast_in_dim3A_53 = arith.constant 0.000000e+00 : f32
      %broadcast_in_dim3A_54 = vector.broadcast %broadcast_in_dim3A_53 : f32 to vector<1x1xf32>
      %swap3A_55 = arith.constant 0 : index
      %swap3A_56 = arith.constant 0 : index
      %swap3A_57 = vector.load %arg4[%swap3A_55, %swap3A_56] : memref<1x1xf32, #tpu.memory_space<vmem>>, vector<1x1xf32>
      tpu.vector_store %arg4[%swap3A_55, %swap3A_56], %broadcast_in_dim3A_54 {strides = array<i32>} : memref<1x1xf32, #tpu.memory_space<vmem>>, vector<1x1xf32>,
    } else {
    }
    %get3A_35 = arith.constant 0 : index
    %get3A_36 = arith.constant 0 : index
    %get3A_37 = vector.load %arg3[%get3A_35, %get3A_36] : memref<1x1xf32, #tpu.memory_space<vmem>>, vector<1x1xf32>
    %add3A_38 = arith.addf %get3A_37, %broadcast_in_dim3A_27 : vector<1x1xf32>
    %swap3A = arith.constant 0 : index
    %swap3A_39 = arith.constant 0 : index
    %swap3A_40 = vector.load %arg3[%swap3A, %swap3A_39] : memref<1x1xf32, #tpu.memory_space<vmem>>, vector<1x1xf32>
    tpu.vector_store %arg3[%swap3A, %swap3A_39], %add3A_38 {strides = array<i32>} : memref<1x1xf32, #tpu.memory_space<vmem>>, vector<1x1xf32>,
    %get3A_41 = arith.constant 0 : index
    %get3A_42 = arith.constant 0 : index
    %get3A_43 = vector.load %arg4[%get3A_41, %get3A_42] : memref<1x1xf32, #tpu.memory_space<vmem>>, vector<1x1xf32>
    %add3A_44 = arith.addf %get3A_43, %broadcast_in_dim3A_30 : vector<1x1xf32>
    %swap3A_45 = arith.constant 0 : index
    %swap3A_46 = arith.constant 0 : index
    %swap3A_47 = vector.load %arg4[%swap3A_45, %swap3A_46] : memref<1x1xf32, #tpu.memory_space<vmem>>, vector<1x1xf32>
    tpu.vector_store %arg4[%swap3A_45, %swap3A_46], %add3A_44 {strides = array<i32>} : memref<1x1xf32, #tpu.memory_space<vmem>>, vector<1x1xf32>,
    return
  }
  func.func @transform_0(%arg0: i32) -> (i32, i32) {
    %add3A = arith.constant 8 : i32
    %add3A_0 = arith.addi %arg0, %add3A : i32
    %c0_i32 = arith.constant 0 : i32
    %c0_i32_1 = arith.constant 0 : i32
    return %add3A_0, %c0_i32 : i32, i32
  }
  func.func @transform_1(%arg0: i32) -> (i32, i32, i32) {
    %add3A = arith.constant 8 : i32
    %add3A_0 = arith.addi %arg0, %add3A : i32
    %c0_i32 = arith.constant 0 : i32
    %c0_i32_1 = arith.constant 0 : i32
    %c0_i32_2 = arith.constant 0 : i32
    return %add3A_0, %c0_i32, %c0_i32_1 : i32, i32, i32
  }
  func.func @transform_2(%arg0: i32) -> (i32, i32) {
    %c0_i32 = arith.constant 0 : i32
    %c0_i32_0 = arith.constant 0 : i32
    %c0_i32_1 = arith.constant 0 : i32
    return %c0_i32, %c0_i32_0 : i32, i32
  }
  func.func @transform_3(%arg0: i32) -> (i32, i32) {
    %c0_i32 = arith.constant 0 : i32
    %c0_i32_0 = arith.constant 0 : i32
    %c0_i32_1 = arith.constant 0 : i32
    return %c0_i32, %c0_i32_0 : i32, i32
  }
}

module attributes {stable_mosaic.version = 14 : i64} {
  func.func @_combine_body(%arg0: memref<1x1xf32, #tpu.memory_space<vmem>>, %arg1: memref<1x1xf32, #tpu.memory_space<vmem>>, %arg2: memref<256x16xf32, #tpu.memory_space<vmem>>, %arg3: memref<256x16xf32, #tpu.memory_space<vmem>>, %arg4: memref<256x16xf32, #tpu.memory_space<vmem>>, %arg5: memref<256x16xf32, #tpu.memory_space<vmem>>, %arg6: memref<1x1x256xi32, #tpu.memory_space<vmem>>, %arg7: memref<1x1xf32, #tpu.memory_space<vmem>>) attributes {dimension_semantics = [], scalar_prefetch = 0 : i64, scratch_operands = 0 : i64, tpu.core_type = #tpu.core_type<tc>} {
    %get3A = arith.constant 0 : index
    %get3A_0 = arith.constant 0 : index
    %get3A_1 = vector.load %arg2[%get3A, %get3A_0] : memref<256x16xf32, #tpu.memory_space<vmem>>, vector<256x16xf32>
    %reduce_max3A = arith.constant dense<0xFF800000> : vector<256xf32>
    %reduce_max3A_2 = vector.multi_reduction <maximumf>, %get3A_1, %reduce_max3A [1] : vector<256x16xf32> to vector<256xf32>
    %broadcast_in_dim3A = vector.shape_cast %reduce_max3A_2 : vector<256xf32> to vector<256x1xf32>
    %get3A_3 = arith.constant 0 : index
    %get3A_4 = arith.constant 0 : index
    %get3A_5 = vector.load %arg3[%get3A_3, %get3A_4] : memref<256x16xf32, #tpu.memory_space<vmem>>, vector<256x16xf32>
    %sub3A = vector.broadcast %broadcast_in_dim3A : vector<256x1xf32> to vector<256x16xf32>
    %sub3A_6 = arith.subf %get3A_1, %sub3A : vector<256x16xf32>
    %exp3A = math.exp %sub3A_6 : vector<256x16xf32>
    %mul3A = arith.mulf %get3A_5, %exp3A : vector<256x16xf32>
    %reduce_sum3A = arith.constant dense<0.000000e+00> : vector<256xf32>
    %reduce_sum3A_7 = vector.multi_reduction <add>, %mul3A, %reduce_sum3A [1] : vector<256x16xf32> to vector<256xf32>
    %broadcast_in_dim3A_8 = vector.shape_cast %reduce_sum3A_7 : vector<256xf32> to vector<256x1xf32>
    %get3A_9 = arith.constant 0 : index
    %get3A_10 = arith.constant 0 : index
    %get3A_11 = vector.load %arg4[%get3A_9, %get3A_10] : memref<256x16xf32, #tpu.memory_space<vmem>>, vector<256x16xf32>
    %reduce_sum3A_12 = arith.constant dense<0.000000e+00> : vector<256xf32>
    %reduce_sum3A_13 = vector.multi_reduction <add>, %get3A_11, %reduce_sum3A_12 [1] : vector<256x16xf32> to vector<256xf32>
    %broadcast_in_dim3A_14 = vector.shape_cast %reduce_sum3A_13 : vector<256xf32> to vector<256x1xf32>
    %get3A_15 = arith.constant 0 : index
    %get3A_16 = arith.constant 0 : index
    %get3A_17 = vector.load %arg5[%get3A_15, %get3A_16] : memref<256x16xf32, #tpu.memory_space<vmem>>, vector<256x16xf32>
    %reduce_sum3A_18 = arith.constant dense<0.000000e+00> : vector<256xf32>
    %reduce_sum3A_19 = vector.multi_reduction <add>, %get3A_17, %reduce_sum3A_18 [1] : vector<256x16xf32> to vector<256xf32>
    %broadcast_in_dim3A_20 = vector.shape_cast %reduce_sum3A_19 : vector<256xf32> to vector<256x1xf32>
    %get3A_21 = arith.constant 0 : index
    %get3A_22 = arith.constant 0 : index
    %get3A_23 = arith.constant 0 : index
    %get3A_24 = vector.load %arg6[%get3A_21, %get3A_22, %get3A_23] : memref<1x1x256xi32, #tpu.memory_space<vmem>>, vector<1x1x256xi32>
    %get3A_25 = vector.shape_cast %get3A_24 : vector<1x1x256xi32> to vector<256xi32>
    %broadcast_in_dim3A_26 = vector.shape_cast %get3A_25 : vector<256xi32> to vector<256x1xi32>
    %log3A = math.log %broadcast_in_dim3A_8 : vector<256x1xf32>
    %add3A = arith.addf %broadcast_in_dim3A, %log3A : vector<256x1xf32>
    %mul3A_27 = arith.constant 0.899999976 : f32
    %mul3A_28 = vector.broadcast %mul3A_27 : f32 to vector<256x1xf32>
    %mul3A_29 = arith.mulf %mul3A_28, %broadcast_in_dim3A_20 : vector<256x1xf32>
    %sub3A_30 = arith.subf %add3A, %mul3A_29 : vector<256x1xf32>
    %mul3A_31 = arith.constant 9.99999997E-7 : f32
    %mul3A_32 = vector.broadcast %mul3A_31 : f32 to vector<256x1xf32>
    %mul3A_33 = arith.mulf %mul3A_32, %broadcast_in_dim3A_14 : vector<256x1xf32>
    %sub3A_34 = arith.subf %sub3A_30, %mul3A_33 : vector<256x1xf32>
    %ne3A = arith.constant 0 : i32
    %ne3A_35 = vector.broadcast %ne3A : i32 to vector<256x1xi32>
    %ne3A_36 = arith.cmpi ne, %broadcast_in_dim3A_26, %ne3A_35 : vector<256x1xi32>
    %convert_element_type3A = arith.extui %ne3A_36 : vector<256x1xi1> to vector<256x1xi32>
    %convert_element_type3A_37 = arith.sitofp %convert_element_type3A : vector<256x1xi32> to vector<256x1xf32>
    %get3A_38 = arith.constant 0 : index
    %get3A_39 = arith.constant 0 : index
    %get3A_40 = vector.load %arg0[%get3A_38, %get3A_39] : memref<1x1xf32, #tpu.memory_space<vmem>>, vector<1x1xf32>
    %get3A_41 = vector.extract %get3A_40[0, 0] : f32 from vector<1x1xf32>
    %mul3A_42 = arith.mulf %sub3A_34, %convert_element_type3A_37 : vector<256x1xf32>
    %reduce_sum3A_43 = vector.shape_cast %mul3A_42 : vector<256x1xf32> to vector<1x256x1xf32>
    %reduce_sum3A_44 = arith.constant dense<0.000000e+00> : vector<1xf32>
    %reduce_sum3A_45 = vector.multi_reduction <add>, %reduce_sum3A_43, %reduce_sum3A_44 [1, 2] : vector<1x256x1xf32> to vector<1xf32>
    %reduce_sum3A_46 = vector.shape_cast %reduce_sum3A_45 : vector<1xf32> to vector<1x1x1xf32>
    %reduce_sum3A_47 = vector.extract %reduce_sum3A_46[0, 0, 0] : f32 from vector<1x1x1xf32>
    %add3A_48 = arith.addf %get3A_41, %reduce_sum3A_47 : f32
    %get3A_49 = arith.constant 0 : index
    %get3A_50 = arith.constant 0 : index
    %get3A_51 = vector.load %arg1[%get3A_49, %get3A_50] : memref<1x1xf32, #tpu.memory_space<vmem>>, vector<1x1xf32>
    %get3A_52 = vector.extract %get3A_51[0, 0] : f32 from vector<1x1xf32>
    %reduce_sum3A_53 = vector.shape_cast %convert_element_type3A_37 : vector<256x1xf32> to vector<1x256x1xf32>
    %reduce_sum3A_54 = arith.constant dense<0.000000e+00> : vector<1xf32>
    %reduce_sum3A_55 = vector.multi_reduction <add>, %reduce_sum3A_53, %reduce_sum3A_54 [1, 2] : vector<1x256x1xf32> to vector<1xf32>
    %reduce_sum3A_56 = vector.shape_cast %reduce_sum3A_55 : vector<1xf32> to vector<1x1x1xf32>
    %reduce_sum3A_57 = vector.extract %reduce_sum3A_56[0, 0, 0] : f32 from vector<1x1x1xf32>
    %add3A_58 = arith.addf %get3A_52, %reduce_sum3A_57 : f32
    %div3A = arith.divf %add3A_48, %add3A_58 : f32
    %broadcast_in_dim3A_59 = vector.broadcast %div3A : f32 to vector<1x1xf32>
    %swap3A = arith.constant 0 : index
    %swap3A_60 = arith.constant 0 : index
    %swap3A_61 = vector.load %arg7[%swap3A, %swap3A_60] : memref<1x1xf32, #tpu.memory_space<vmem>>, vector<1x1xf32>
    tpu.vector_store %arg7[%swap3A, %swap3A_60], %broadcast_in_dim3A_59 {strides = array<i32>} : memref<1x1xf32, #tpu.memory_space<vmem>>, vector<1x1xf32>,
    return
  }
}

</mosaic_0001>

<sc_bundles>
// kernel: _ce_loss.5.cloned.1.call-start
scs
__scs_entry_jumppad:
0x0: {  	(pc) =	sbr.rel $0x88, $3  }
0x1: {  	(tag) =	ssettag $0x0;
	lr =	simm.s32 $0x1  }
0x2: {  	[smem:$0x3F9F] =	sst lr;
	_ =	strace $0xD0000000  }
0x3: {  	_ = 	snop  }
0x4: {  	_ = 	snop  }
0x5: {  	_ = 	snop  }
0x6: {  	_ = 	snop  }
0x7: {  	_ = 	snop  }
__scs_overlays_trampoline_lowered:
0x8: {  	[smem:$0x3FAE] =	sst s0  }
0x9: {  	[smem:$0x3FAF] =	sst s1  }
0xa: {  	[smem:$0x3FB0] =	sst s2  }
0xb: {  	[smem:$0x3FB1] =	sst s3  }
0xc: {  	[smem:$0x3FB2] =	sst s4  }
0xd: {  	[smem:$0x3FB3] =	sst s5  }
0xe: {  	[smem:$0x3FB4] =	sst s6  }
0xf: {  	[smem:$0x3FB5] =	sst s7  }
0x10: {  	[smem:$0x3FB6] =	sst s8  }
0x11: {  	[smem:$0x3FB7] =	sst s9;
	s0 =	simm.s32 @!p0 $0x0  }
0x12: {  	s1 =	sld [smem:$0x3F9D];
	s0 =	simm.s32 @p0 $0x1  }
0x13: {  	[smem:$0x3FB8] =	sst s0;
	s0 =	simm.s32 @!p1 $0x0  }
0x14: {  	s2 =	sld [smem:$0x3F9C];
	s0 =	simm.s32 @p1 $0x1  }
0x15: {  	[smem:$0x3FB9] =	sst s0;
	s0 =	simm.s32 @!p2 $0x0  }
0x16: {  	s3 =	sld [smem:$0x3FDB];
	s0 =	simm.s32 @p2 $0x1  }
0x17: {  	s4 =	simm.s32 $0x1BF5;
	[smem:$0x3FBB] =	sst s0  }
0x18: {  	s0 =	sld [smem:$0x3F9E];
	_ =	swait.ge [sflag:s4], $0x0  }
0x19: {  	s7 =	sld [smem:$0x3F9F]  }
0x1a: {  	s8 =	sadd.s32 $0xFFFFE003, lr  }
0x1b: {  	s9 =	sadd.s32 $0xFFFFFEF7, lr;
	s5 =	simm.s32 $0xFFFFFFFF;
	p2 =	slt.u32 s8, $0xFFFFF086  }
0x1c: {  	p1 =	slt.u32 s9, $0xF7A;
	s5 =	simm.s32 @!p2 $0x0  }
0x1d: {  	s5 =	simm.s32 @p1 $0x1;
	p0 =	seq.s32 s7, s2  }
0x1e: {  	s7 =	smul.u32 @!p0 $0xF7A, s2;
	p2 =	seq.s32 @!p0 s5, $0x0  }
0x1f: {  	s9 =	smul.u32 $0xF7A, s1;
	s8 =	simm.s32 @!p0 $0x1BF5;
	p2 =	por !p2, p0  }
0x20: {  	[sflag:s8] =	ssyncset.s32 @!p0 $0xFFFFF086;
	s6 =	sadd.s32 @!p0 s3, s7;
	s7 =	simm.s32 @!p0 $0x108  }
0x21: {  	s3 =	sadd.s32 s3, s9;
	s6 =	sadd.s32 @!p0 $0x88, s6;
	s7 =	simm.s32 @p2 $0x1082  }
0x22: {  	[simem:s7], [sflag:s8] =	dma.local @!p0 [hbm:s6], $0xF7A  }
0x23: {  	s9 =	sor.u32 $0xD0000000, s2;
	s6 =	simm.s32 $0x108;
	_ =	swait.ge @!p0 [sflag:s8], $0x0  }
0x24: {  	s3 =	sadd.s32 $0x88, s3;
	s6 =	simm.s32 @!p1 $0x1082;
	[sflag:s4] =	ssyncset.s32 $0xFFFFF086  }
0x25: {  	[simem:s6], [sflag:s4] =	dma.local [hbm:s3], $0xF7A  }
0x26: {  	[smem:$0x3F9F] =	sst s1;
	(tag) =	ssettag s2;
	_ =	strace s9  }
0x27: {  	s1 =	sld [smem:$0x3FAF]  }
0x28: {  	s2 =	sld [smem:$0x3FB0]  }
0x29: {  	s4 =	sld [smem:$0x3FB2]  }
0x2a: {  	p0 =	seq.s32 s5, $0x0;
	s5 =	sld [smem:$0x3FB3]  }
0x2b: {  	s6 =	sld [smem:$0x3FB4]  }
0x2c: {  	s7 =	sld [smem:$0x3FB5]  }
0x2d: {  	s3 =	simm.s32 $0x108;
	s8 =	sld [smem:$0x3FB6]  }
0x2e: {  	s3 =	simm.s32 @!p0 $0x1082;
	s9 =	sld [smem:$0x3FB7]  }
0x2f: {  	lr =	sadd.s32 s0, s3;
	s0 =	sld [smem:$0x3FAE]  }
0x30: {  	s3 =	sld [smem:$0x3FB1]  }
0x31: {  	[smem:$0x3FBA] =	sst s10  }
0x32: {  	s10 =	sld [smem:$0x3FB8];
	_ =	sdelay $0x3  }
0x33: {  	p0 =	seq.s32 s10, $0x1;
	s10 =	sld [smem:$0x3FBA];
	_ =	sdelay $0x3  }
0x34: {  	[smem:$0x3FBA] =	sst s10  }
0x35: {  	s10 =	sld [smem:$0x3FB9];
	_ =	sdelay $0x3  }
0x36: {  	p1 =	seq.s32 s10, $0x1;
	s10 =	sld [smem:$0x3FBA];
	_ =	sdelay $0x3  }
0x37: {  	[smem:$0x3FBA] =	sst s10  }
0x38: {  	s10 =	sld [smem:$0x3FBB]  }
0x39: {  	_ = 	snop;
	(pc) =	sbr.ind lr, $3  }
0x3a: {  	_ = 	snop  }
0x3b: {  	_ = 	snop  }
0x3c: {  	p2 =	seq.s32 s10, $0x1;
	s10 =	sld [smem:$0x3FBA]  }
0x3d: {  	_ =	shalt  }
0x3e: {  	_ =	shalt  }
0x3f: {  	_ =	shalt  }
0x40: {  	_ =	shalt  }
0x41: {  	_ =	shalt  }
0x42: {  	_ =	shalt  }
0x43: {  	_ =	shalt  }
0x44: {  	_ =	shalt  }
0x45: {  	_ =	shalt  }
0x46: {  	_ =	shalt  }
0x47: {  	_ =	shalt  }
0x48: {  	_ =	shalt  }
0x49: {  	_ =	shalt  }
0x4a: {  	_ =	shalt  }
0x4b: {  	_ =	shalt  }
0x4c: {  	_ =	shalt  }
0x4d: {  	_ =	shalt  }
0x4e: {  	_ =	shalt  }
0x4f: {  	_ =	shalt  }
0x50: {  	_ =	shalt  }
0x51: {  	_ =	shalt  }
0x52: {  	_ =	shalt  }
0x53: {  	_ =	shalt  }
0x54: {  	_ =	shalt  }
0x55: {  	_ =	shalt  }
0x56: {  	_ =	shalt  }
0x57: {  	_ =	shalt  }
0x58: {  	_ =	shalt  }
0x59: {  	_ =	shalt  }
0x5a: {  	_ =	shalt  }
0x5b: {  	_ =	shalt  }
0x5c: {  	_ =	shalt  }
0x5d: {  	_ =	shalt  }
0x5e: {  	_ =	shalt  }
0x5f: {  	_ =	shalt  }
0x60: {  	_ =	shalt  }
0x61: {  	_ =	shalt  }
0x62: {  	_ =	shalt  }
0x63: {  	_ =	shalt  }
0x64: {  	_ =	shalt  }
0x65: {  	_ =	shalt  }
0x66: {  	_ =	shalt  }
0x67: {  	_ =	shalt  }
0x68: {  	_ =	shalt  }
0x69: {  	_ =	shalt  }
0x6a: {  	_ =	shalt  }
0x6b: {  	_ =	shalt  }
0x6c: {  	_ =	shalt  }
0x6d: {  	_ =	shalt  }
0x6e: {  	_ =	shalt  }
0x6f: {  	_ =	shalt  }
0x70: {  	_ =	shalt  }
0x71: {  	_ =	shalt  }
0x72: {  	_ =	shalt  }
0x73: {  	_ =	shalt  }
0x74: {  	_ =	shalt  }
0x75: {  	_ =	shalt  }
0x76: {  	_ =	shalt  }
0x77: {  	_ =	shalt  }
0x78: {  	_ =	shalt  }
0x79: {  	_ =	shalt  }
0x7a: {  	_ =	shalt  }
0x7b: {  	_ =	shalt  }
0x7c: {  	_ =	shalt  }
0x7d: {  	_ =	shalt  }
0x7e: {  	_ =	shalt  }
0x7f: {  	_ =	shalt  }
0x80: {  	_ =	shalt  }
0x81: {  	_ =	shalt  }
0x82: {  	_ =	shalt  }
0x83: {  	_ =	shalt  }
0x84: {  	_ =	shalt  }
0x85: {  	_ =	shalt  }
0x86: {  	_ =	shalt  }
0x87: {  	_ =	shalt  }
.Lfunc_end0:
.L_simem_size_0:
called_computation_lowered:
.L_overlay_start_0:
0x88: {  	s2 =	sld [smem:$0x3FD9]  }
0x89: {  	s3 =	sld [smem:$0x3FFE];
	_ =	sdelay $0x1  }
0x8a: {  	s1 =	srdreg.scid  }
0x8b: {  	s0 =	sand.u32 $0x1, s1  }
0x8c: {  	s17 =	sshll.u32 s0, $0xA;
	s2 =	sadd.s32 s3, s2  }
0x8d: {  	s2 =	sadd.s32 s2, s17  }
0x8e: {  	[smem:$0x3FC6] =	sst s2  }
0x8f: {  	_ = 	snop  }
0x90: {  	s2 =	sld [smem:$0x3FC8];
	(tm) =	ssettm $0x1  }
0x91: {  	s18 =	sld [smem:$0x3FFB];
	_ =	sdelay $0x3  }
0x92: {  	_ =	strace s18  }
0x93: {  	s3 =	sld [smem:$0x3FFC];
	_ =	sdelay $0x3  }
0x94: {  	_ =	strace s3  }
0x95: {  	s3 =	sld [smem:$0x3FFD];
	_ =	sdelay $0x3  }
0x96: {  	_ =	strace s3  }
0x97: {  	_ =	strace $0x8FFFFFFF  }
0x98: {  	s19 =	sld [smem:$0x3FDB];
	_ =	sdelay $0x1  }
0x99: {  	s4 =	simm.s32 $_scs_section_size  }
0x9a: {  	s5 =	simm.s32 $_size__tile_overlayer_lowered;
	s6 =	simm.s32 $_tile_overlayer_lowered  }
0x9b: {  	s22 =	simm.s32 $0x1BFF;
	s21 =	sshll.u32 s6, $0x1;
	s3 =	sadd.s32 s4, s19  }
0x9c: {  	s7 =	simm.s32 $0x0;
	s20 =	sshll.u32 s5, $0x1;
	s5 =	sadd.s32 s21, s3  }
0x9d: {  	[timem:s7], [sflag:s22] =	dma.local [hbm:s5], s20  }
0x9e: {  	_ =	swait.ge [sflag:s22], s20  }
0x9f: {  	s4 =	ssub.s32 $0x0, s20;
	[sflag:s22] =	ssyncset.done $0x0  }
0xa0: {  	[sflag:s22] =	ssyncadd.s32 s4;
	_ =	sdelay $0x1  }
0xa1: {  	s23 =	simm.s32 $0x1B8B  }
0xa2: {  	_ =	swait.ge [sflag:s23], $0x1  }
0xa3: {  	[sflag:s23] =	ssyncset.done $0x0  }
0xa4: {  	s25 =	simm.s32 $0x1B8E;
	s24 =	sld [smem:$0x3FFE];
	[sflag:s23] =	ssyncadd.s32 $0xFFFFFFFF  }
0xa5: {  	s26 =	simm.s32 $execute0_lowered;
	[smem:$0x3FD2] =	sst s25  }
0xa6: {  	s5 =	sshll.u32 s26, $0x1;
	_ =	strace $0x80000046;
	[dreg:$0x1] =	wrdreg $0xFFFFFFFF  }
0xa7: {  	s28 =	simm.s32 $_size_execute0_lowered;
	s3 =	sadd.s32 s3, s5;
	[dreg:$0x0] =	wrdreg $0x0  }
0xa8: {  	s5 =	sshll.u32 s28, $0x1;
	[dreg:$0x2] =	wrdreg s3  }
0xa9: {  	[dreg:$0x3] =	wrdreg s5  }
0xaa: {  	[dreg:$0x4] =	wrdreg $0xC0  }
0xab: {  	_ =	task [dreg:s7], $0x5FFFF  }
0xac: {  	[dreg:$0x1] =	wrdreg $0xFFFFFFFF  }
0xad: {  	[dreg:$0x0] =	wrdreg $0x60  }
0xae: {  	[dreg:$0x2] =	wrdreg s24  }
0xaf: {  	[dreg:$0x3] =	wrdreg s2  }
0xb0: {  	[dreg:$0x4] =	wrdreg $0x9  }
0xb1: {  	_ =	task.clear_ibuf [dreg:s7], $0x5FFFF;
	_ =	strace $0x90000046  }
0xb2: {  	s29 =	simm.s32 $0x9;
	_ =	strace $0x80000048  }
0xb3: {  	_ =	swait.ge [sflag:s29], $0x1  }
0xb4: {  	[sflag:s29] =	ssyncadd.s32 $0xFFFFFFFF  }
0xb5: {  	_ =	strace $0x90000048  }
0xb6: {  	_ =	sfence  }
0xb7: {  	s30 =	sld [smem:$0x0];
	_ =	sdelay $0x2  }
0xb8: {  	s31 =	sshll.u32 s1, $0xD;
	s1 =	sshrl.u32 s1, $0x2  }
0xb9: {  	s3 =	sand.u32 $0x4000, s31;
	s1 =	sadd.s32 s1, s30  }
0xba: {  	s0 =	sor.u32 s3, s0;
	s1 =	sshll.u32 s1, $0x11  }
0xbb: {  	s0 =	sor.u32 s1, s0  }
0xbc: {  	s0 =	sadd.s32 $0x8F2B, s0  }
0xbd: {  	[sflag:s0] =	ssyncadd.remote.s32 $0x1  }
0xbe: {  	_ =	sfence.sel $0xFFFF  }
0xbf: {  	[dreg:$0x0] =	wrdreg $0xFFFFFFFF;
	(pc) =	sbr.abs _section_cstart, $3  }
0xc0: {  	[dreg:$0x1] =	wrdreg $0xFFFFFFFF  }
0xc1: {  	_ =	task.clear_ibuf [dreg:s7], $0x2FFFF;
	_ =	strace $0x9FFFFFFF  }
0xc2: {  	(tm) =	ssettm $0x7FFFFFFF  }
0xc3: {  	_ =	shalt  }
tec
execute0_lowered:
.L_overlay_start_1:
0x0: {  	(tag) =	ssettag $0x1  }
0x1: {  	s0 =	srdreg.scid;
	s5 =	rddreg [dreg:$0x0]  }
0x2: {  	s1 =	stileid.u32;
	s8 =	rddreg [dreg:$0x1]  }
0x3: {  	s13 =	simm.s32 $0x1;
	s16 =	simm.s32 $0x3480;
	s0 =	sand.u32 $0x1, s0  }
0x4: {  	s17 =	simm.s32 $0x3880;
	s1 =	sshll.u32 s1, $0x4;
	s2 =	sshll.u32 s0, $0x3  }
0x5: {  	s18 =	simm.s32 $0x3C80;
	s19 =	simm.s32 $0x0;
	s1 =	sor.u32 s2, s1  }
0x6: {  	s4 =	sadd.s32 $0x1400, s5;
	s0 =	ssub.s32 $0x2, s0;
	s9 =	sshrl.u32 s1, $0x3  }
0x7: {  	s2 =	simm.s32 $0x0;
	s7 =	sshrl.u32 s0, $0x1;
	s3 =	smul.u32 $0xC3800, s9  }
.Ltmp0:
0x8: {  	[smem:$0x7FF] =	sst s2;
	s1 =	sshll.u32 s1, $0x4;
	(pc) =	sbr.rel .LBB2_1-.Ltmp0, $4  }
0x9: {  	s0 =	ssub.s32 s0, s7;
	_ =	strace $0x80000047;
	s1 =	sadd.s32 s1, s5  }
0xa: {  	s8 =	sadd.s32 s8, s9;
	s7 =	sadd.s32 $0xC3A400, s1;
	s6 =	sshrl.u32 s3, $0x3  }
0xb: {  	s9 =	sadd.s32 $0xC3B400, s1;
	s10 =	sadd.s32 $0xC3C400, s1;
	s6 =	sadd.s32 s4, s6  }
0xc: {  	v0 =	vimm.f32 $-3.000000010e+38;
	v1 =	vimm.f32 $0.0e+00;
	v2 =	vlaneseq.u32;
	s11 =	smax.u32 s0, $0x1;
	s5 =	sadd.s32 $0x18680, s6;
	s6 =	sadd.s32 $0xC39400, s1  }
.LBB2_67:
0xd: {  	s0 =	simm.s32 $0x2C00  }
0xe: {  	[tilespmem:s0], [sflag:$0x1] =	stream.linear.gather [hbm4b:s5+s2], $0x400, $0x38;
	[tilespmem:$0x4080] =	vst v63  }
0xf: {  	_ =	swait.ge [sflag:s13], $0x400  }
0x10: {  	[sflag:s13] =	ssyncset.done $0x0  }
0x11: {  	[sflag:s13] =	ssyncadd.s32 $0xFFFFFC00  }
0x12: {  	v5 =	vld [tilespmem:$0x2C00]  }
0x13: {  	v6 =	vld [tilespmem:$0x2C10]  }
0x14: {  	v4 =	vld [tilespmem:$0x3080]  }
0x15: {  	v7 =	vld [tilespmem:$0x2C00];
	_ =	sdelay $0x1  }
0x16: {  	v8 =	vld [tilespmem:$0x2C10];
	v3 =	vmax.f32 v5, $-3.000000010e+38  }
0x17: {  	v9 =	vld [tilespmem:$0x2C80];
	v3 =	vmax.f32 v3, v6  }
0x18: {  	v10 =	vld [tilespmem:$0x2C90];
	v3 =	vmax.f32 v4, v3  }
0x19: {  	v11 =	vld [tilespmem:$0x3100];
	v7 =	vsub.f32 v7, v3  }
0x1a: {  	v12 =	vld [tilespmem:$0x2C80]  }
0x1b: {  	s1 =	sand.u32 $0xFFFFFFE0, s28;
	v13 =	vld [tilespmem:$0x2C90];
	v8 =	vsub.f32 v8, v3;
	v7 =	vmul.f32 $1.442695020e+00, v7  }
0x1c: {  	p0 =	sne.s32 s1, $0x18680;
	v37 =	vld [tilespmem:$0x3880]  }
0x1d: {  	v15 =	vld @!p0 [tilespmem:$0x2C00];
	v8 =	vmul.f32 $1.442695020e+00, v8;
	(erf) = vpow2.f32 v7  }
0x1e: {  	v16 =	vld [tilespmem:$0x2D00];
	v14 =	vsub.f32 v4, v3  }
0x1f: {  	s12 =	sand.u32 $0xFFFFFFE0, s26;
	v49 =	vld [tilespmem:$0x2D80];
	v33 =	vmax.f32 v9, $-3.000000010e+38;
	(erf) = vpow2.f32 v8  }
0x20: {  	p1 =	sne.s32 s12, $0x18680;
	v50 =	vld [tilespmem:$0x2D90];
	v34 =	vmax.f32 v33, v10;
	v35 =	vmul.f32 $1.442695020e+00, v14  }
0x21: {  	v19 =	vlaneseq.u32 @!p0;
	v23 =	vlaneseq.u32 @!p1;
	v38 =	vld [tilespmem:$0x3480];
	v4 =	vmax.f32 v11, v34  }
0x22: {  	v42 =	vld [tilespmem:$0x2D10];
	v5 =	vadd.f32 $0.0e+00, v5;
	v36 =	vsub.f32 v12, v4;
	(erf) = vpow2.f32 v35  }
0x23: {  	v17 =	vld [tilespmem:$0x3180];
	v15 =	vadd.f32 @!p0 $0.0e+00, v15;
	v45 =	vmax.f32 v16, $-3.000000010e+38;
	v9 =	vadd.f32 $0.0e+00, v9  }
0x24: {  	v43 =	vld [tilespmem:$0x2D00];
	v26 =	vmax.f32 v49, $-3.000000010e+38;
	v13 =	vsub.f32 v13, v4;
	v8 =	vmul.f32 $1.442695020e+00, v36  }
0x25: {  	v44 =	vld [tilespmem:$0x3900];
	v16 =	vadd.f32 $0.0e+00, v16;
	v53 =	vmax.f32 v26, v50;
	v11 =	vsub.f32 v11, v4  }
0x26: {  	s0 =	sadd.s32 @!p0 $0xFFFE7980, s28;
	v21 =	vld [tilespmem:$0x3500];
	v5 =	vadd.f32 v6, v5;
	v39 =	vmul.f32 $1.442695020e+00, v13;
	(erf) = vpow2.f32 v8;
	v40 =	vpop (erf)  }
0x27: {  	v46 =	vld [tilespmem:$0x2D10];
	v12 =	vmov @!p0 s0;
	v41 =	vmul.f32 $1.442695020e+00, v11;
	v6 =	vadd.f32 $0.0e+00, v40  }
0x28: {  	v9 =	vadd.f32 v10, v9;
	vm0 =	veq.s32 @!p0 v12, v19;
	v13 =	vld @!p0 [tilespmem:$0x2C10];
	(erf) = vpow2.f32 v39;
	v18 =	vpop (erf)  }
0x29: {  	v22 =	vld @!p1 [tilespmem:$0x2C90];
	(erf) = vpow2.f32 v41;
	v18 =	vadd.f32 v18, v6;
	v6 =	vor.u32 @!p0 $0x10, v19  }
0x2a: {  	v24 =	vld [tilespmem:$0x3200];
	s0 =	sadd.s32 @!p1 $0xFFFE7980, s26;
	v15 =	vnsel @!p0 vm0, $0x0, v15;
	vm0 =	veq.s32 @!p0 v12, v6;
	v6 =	vmax.f32 v45, v42  }
0x2b: {  	s28 =	sand.u32 $0xFFFFFFE0, s22;
	v5 =	vadd.f32 v37, v5;
	v14 =	vld @!p0 [tilespmem:$0x3C80];
	v10 =	vmov @!p1 s0;
	v20 =	vpop (erf);
	v6 =	vmax.f32 v17, v6  }
0x2c: {  	p6 =	sne.s32 s28, $0x18680;
	v11 =	vadd.f32 v42, v16;
	v7 =	vmul.f32 v38, v20;
	v20 =	vld @!p1 [tilespmem:$0x2C80];
	v8 =	vsub.f32 v43, v6  }
0x2d: {  	v52 =	vld [tilespmem:$0x2D80];
	v36 =	vlaneseq.u32 @!p6;
	v12 =	vnsel @!p0 vm0, $0x0, v13;
	v13 =	vsub.f32 v46, v6  }
0x2e: {  	v27 =	vld [tilespmem:$0x2D90];
	vm0 =	veq.s32 @!p1 v10, v23;
	v51 =	vsub.f32 v17, v6;
	v8 =	vmul.f32 $1.442695020e+00, v8  }
0x2f: {  	v28 =	vld [tilespmem:$0x3980];
	v47 =	vpop (erf);
	v23 =	vor.u32 @!p1 $0x10, v23;
	v12 =	vadd.f32 @!p0 v12, v15;
	v13 =	vmul.f32 $1.442695020e+00, v13  }
0x30: {  	v54 =	vld [tilespmem:$0x3580];
	v15 =	vadd.f32 $0.0e+00, v47;
	(erf) = vpow2.f32 v8;
	v8 =	vmul.f32 $1.442695020e+00, v51  }
0x31: {  	v56 =	vld [tilespmem:$0x3A00];
	v48 =	vpop (erf);
	v12 =	vadd.f32 @!p0 v12, v14;
	v20 =	vadd.f32 @!p1 $0.0e+00, v20;
	(erf) = vpow2.f32 v13  }
0x32: {  	v59 =	vld [tilespmem:$0x3600];
	v14 =	vadd.f32 v48, v15;
	v25 =	vpop (erf);
	(erf) = vpow2.f32 v8;
	v8 =	vmax.f32 v24, v53  }
0x33: {  	s14 =	sand.u32 $0xFFFFFFE0, s25;
	v60 =	vld [tilespmem:$0x2E00];
	v20 =	vnsel @!p1 vm0, $0x0, v20;
	v21 =	vmul.f32 v21, v25;
	v17 =	vsub.f32 v52, v8  }
0x34: {  	p2 =	sne.s32 s14, $0x18680;
	vm0 =	veq.s32 @!p1 v10, v23;
	v10 =	vadd.f32 v44, v9;
	v25 =	vld @!p1 [tilespmem:$0x3D00];
	v55 =	vsub.f32 v27, v8  }
0x35: {  	v9 =	vadd.f32 v21, v14;
	v14 =	vld @!p2 [tilespmem:$0x2D00];
	v24 =	vsub.f32 v24, v8;
	v17 =	vmul.f32 $1.442695020e+00, v17  }
0x36: {  	v61 =	vld [tilespmem:$0x2E10];
	v7 =	vadd.f32 v7, v18;
	v18 =	vadd.f32 $0.0e+00, v49;
	v58 =	vmul.f32 $1.442695020e+00, v55  }
0x37: {  	v62 =	vld [tilespmem:$0x3280];
	v13 =	vnsel @!p1 vm0, $0x0, v22;
	v24 =	vmul.f32 $1.442695020e+00, v24;
	(erf) = vpow2.f32 v17  }
0x38: {  	s15 =	sand.u32 $0xFFFFFFE0, s24;
	v40 =	vmax.f32 v60, $-3.000000010e+38;
	v19 =	vld @!p2 [tilespmem:$0x2D10];
	v13 =	vadd.f32 @!p1 v13, v20;
	(erf) = vpow2.f32 v58  }
0x39: {  	p3 =	sne.s32 s15, $0x18680;
	s1 =	sadd.s32 @!p2 $0xFFFE7980, s25;
	v63 =	vld [tilespmem:$0x3A80];
	v18 =	vadd.f32 v50, v18;
	v27 =	vlaneseq.u32 @!p2;
	(erf) = vpow2.f32 v24  }
0x3a: {  	v21 =	vadd.f32 @!p1 v13, v25;
	v25 =	vmov @!p2 s1;
	v17 =	vld @!p3 [tilespmem:$0x2D80];
	v14 =	vadd.f32 @!p2 $0.0e+00, v14;
	v57 =	vpop (erf)  }
0x3b: {  	v26 =	vld @!p3 [tilespmem:$0x3E00];
	vm0 =	veq.s32 @!p2 v25, v27;
	v27 =	vor.u32 @!p2 $0x10, v27;
	v16 =	vadd.f32 $0.0e+00, v57;
	v29 =	vpop (erf)  }
0x3c: {  	v34 =	vld @!p6 [tilespmem:$0x2E80];
	v15 =	vadd.f32 v28, v11;
	v14 =	vnsel @!p2 vm0, $0x0, v14;
	vm0 =	veq.s32 @!p2 v25, v27;
	v30 =	vpop (erf)  }
0x3d: {  	v37 =	vld [tilespmem:$0x2E00];
	s0 =	sadd.s32 @!p3 $0xFFFE7980, s24;
	v19 =	vnsel @!p2 vm0, $0x0, v19;
	v16 =	vadd.f32 v29, v16;
	v23 =	vmul.f32 v54, v30  }
0x3e: {  	s26 =	sand.u32 $0xFFFFFFE0, s23;
	v11 =	vadd.f32 v56, v18;
	v18 =	vmov @!p3 s0;
	v22 =	vld @!p2 [tilespmem:$0x3D80];
	v29 =	vadd.f32 @!p2 v19, v14  }
0x3f: {  	p5 =	sne.s32 s26, $0x18680;
	v24 =	vld @!p3 [tilespmem:$0x2D90];
	v17 =	vadd.f32 @!p3 $0.0e+00, v17;
	v14 =	vadd.f32 v23, v16;
	v23 =	vlaneseq.u32 @!p3  }
0x40: {  	v32 =	vld @!p5 [tilespmem:$0x2E10];
	v25 =	vadd.f32 $0.0e+00, v60;
	vm0 =	veq.s32 @!p3 v18, v23;
	v23 =	vor.u32 @!p3 $0x10, v23;
	v38 =	vpop (erf)  }
0x41: {  	v17 =	vnsel @!p3 vm0, $0x0, v17;
	vm0 =	veq.s32 @!p3 v18, v23;
	v23 =	vld @!p5 [tilespmem:$0x2E00];
	v13 =	vadd.f32 $0.0e+00, v38;
	v31 =	vpop (erf)  }
0x42: {  	v34 =	vadd.f32 @!p6 $0.0e+00, v34;
	v35 =	vld [tilespmem:$0x2E90];
	v25 =	vadd.f32 v61, v25;
	v18 =	vmax.f32 v40, v61;
	v41 =	vpop (erf)  }
0x43: {  	v39 =	vld [tilespmem:$0x2E10];
	v31 =	vadd.f32 v31, v13;
	v20 =	vmul.f32 v59, v41;
	v13 =	vmax.f32 v62, v18  }
0x44: {  	v42 =	vld [tilespmem:$0x3300];
	s1 =	sadd.s32 @!p5 $0xFFFE7980, s23;
	v22 =	vadd.f32 @!p2 v29, v22;
	v24 =	vnsel @!p3 vm0, $0x0, v24;
	v33 =	vsub.f32 v37, v13  }
0x45: {  	v29 =	vld @!p5 [tilespmem:$0x3E80];
	v24 =	vadd.f32 @!p3 v24, v17;
	v17 =	vadd.f32 v20, v31;
	v31 =	vmov @!p5 s1  }
0x46: {  	v18 =	vld [tilespmem:$0x2E80];
	v23 =	vadd.f32 @!p5 $0.0e+00, v23;
	v43 =	vmul.f32 $1.442695020e+00, v33;
	v33 =	vlaneseq.u32 @!p5  }
0x47: {  	s29 =	sand.u32 $0xFFFFFFE0, s21;
	v16 =	vld [tilespmem:$0x2E90];
	v30 =	vsub.f32 v62, v13;
	vm0 =	veq.s32 @!p5 v31, v33;
	v33 =	vor.u32 @!p5 $0x10, v33  }
0x48: {  	p4 =	sne.s32 s29, $0x18680;
	v44 =	vsub.f32 v39, v13;
	v37 =	vld [tilespmem:$0x2F00];
	v23 =	vnsel @!p5 vm0, $0x0, v23;
	vm0 =	veq.s32 @!p5 v31, v33  }
0x49: {  	v39 =	vlaneseq.u32 @!p4;
	v46 =	vmul.f32 $1.442695020e+00, v30;
	v30 =	vnsel @!p5 vm0, $0x0, v32;
	v32 =	vld @!p6 [tilespmem:$0x2E90]  }
0x4a: {  	s0 =	sadd.s32 @!p6 $0xFFFE7980, s22;
	v20 =	vadd.f32 @!p3 v24, v26;
	v27 =	vmul.f32 $1.442695020e+00, v44;
	v23 =	vadd.f32 @!p5 v30, v23;
	v30 =	vld @!p4 [tilespmem:$0x2F00]  }
0x4b: {  	v45 =	vld [tilespmem:$0x2E80];
	(erf) = vpow2.f32 v43;
	v47 =	vmax.f32 v18, $-3.000000010e+38;
	v33 =	vmov @!p6 s0  }
0x4c: {  	v38 =	vld [tilespmem:$0x2F10];
	(erf) = vpow2.f32 v27;
	v27 =	vmax.f32 v47, v16;
	vm0 =	veq.s32 @!p6 v33, v36  }
0x4d: {  	v31 =	vld @!p6 [tilespmem:$0x3F00];
	s0 =	sadd.s32 @!p4 $0xFFFE7980, s21;
	v36 =	vor.u32 @!p6 $0x10, v36;
	v51 =	vmax.f32 v37, $-3.000000010e+38;
	v27 =	vmax.f32 v42, v27  }
0x4e: {  	[tilespmem:$0x3080] =	vst v3;
	v48 =	vld [tilespmem:$0x3380];
	v34 =	vnsel @!p6 vm0, $0x0, v34;
	vm0 =	veq.s32 @!p6 v33, v36;
	v36 =	vmov @!p4 s0  }
0x4f: {  	[tilespmem:$0x3100] =	vst v4;
	v49 =	vld [tilespmem:$0x2F00];
	v23 =	vadd.f32 @!p5 v23, v29;
	v29 =	vnsel @!p6 vm0, $0x0, v32;
	v30 =	vadd.f32 @!p4 $0.0e+00, v30  }
0x50: {  	v50 =	vld [tilespmem:$0x2F10];
	[tilespmem:$0x3D00] =	vst @!p1 v21;
	vm0 =	veq.s32 @!p4 v36, v39;
	v21 =	vadd.f32 @!p6 v29, v34;
	v34 =	vor.u32 @!p4 $0x10, v39  }
0x51: {  	[tilespmem:$0x3D80] =	vst @!p2 v22;
	v28 =	vsub.f32 v45, v27;
	v22 =	vnsel @!p4 vm0, $0x0, v30;
	vm0 =	veq.s32 @!p4 v36, v34;
	v34 =	vld [tilespmem:$0x2F80]  }
0x52: {  	[tilespmem:$0x3880] =	vst v5;
	v52 =	vsub.f32 v35, v27;
	v21 =	vadd.f32 @!p6 v21, v31;
	v30 =	vmax.f32 v51, v38;
	v31 =	vld [tilespmem:$0x2F90]  }
0x53: {  	[tilespmem:$0x3180] =	vst v6;
	v54 =	vld [tilespmem:$0x3400];
	v24 =	vsub.f32 v42, v27;
	v53 =	vmul.f32 $1.442695020e+00, v28;
	v28 =	vmax.f32 v48, v30  }
0x54: {  	v56 =	vld [tilespmem:$0x2F80];
	[tilespmem:$0x3E00] =	vst @!p3 v20;
	(erf) = vpow2.f32 v46;
	v20 =	vmul.f32 $1.442695020e+00, v52;
	v55 =	vsub.f32 v49, v28  }
0x55: {  	[tilespmem:$0x3C80] =	vst @!p0 v12;
	v57 =	vld [tilespmem:$0x2F90];
	v3 =	vmul.f32 $1.442695020e+00, v24;
	(erf) = vpow2.f32 v53;
	v12 =	vsub.f32 v50, v28  }
0x56: {  	[tilespmem:$0x3480] =	vst v7;
	v29 =	vld @!p4 [tilespmem:$0x2F10];
	(erf) = vpow2.f32 v20;
	v58 =	vmul.f32 $1.442695020e+00, v55;
	v59 =	vmax.f32 v34, $-3.000000010e+38  }
0x57: {  	[tilespmem:$0x3980] =	vst v15;
	(erf) = vpow2.f32 v3;
	v3 =	vmul.f32 $1.442695020e+00, v12;
	v60 =	vmax.f32 v59, v31  }
0x58: {  	[tilespmem:$0x3A00] =	vst v11;
	v61 =	vsub.f32 v48, v28;
	(erf) = vpow2.f32 v58;
	v7 =	vmax.f32 v54, v60  }
0x59: {  	[tilespmem:$0x3900] =	vst v10;
	v62 =	vadd.f32 v63, v25;
	(erf) = vpow2.f32 v3;
	v3 =	vld [tilespmem:$0x3680];
	v63 =	vsub.f32 v56, v7  }
0x5a: {  	[tilespmem:$0x3200] =	vst v8;
	v46 =	vadd.f32 $0.0e+00, v37;
	v4 =	vmul.f32 $1.442695020e+00, v61;
	v24 =	vsub.f32 v57, v7  }
0x5b: {  	v5 =	vld @!p4 [tilespmem:$0x3F80];
	[tilespmem:$0x3500] =	vst v9;
	v25 =	vpop (erf);
	v9 =	vnsel @!p4 vm0, $0x0, v29;
	v29 =	vsub.f32 v54, v7;
	v26 =	vmul.f32 $1.442695020e+00, v63  }
0x5c: {  	s30 =	sand.u32 $0xFFFFFFE0, s20;
	[tilespmem:$0x3580] =	vst v14;
	v40 =	vld [tilespmem:$0x3B00];
	v30 =	vadd.f32 $0.0e+00, v25;
	v32 =	vpop (erf);
	(erf) = vpow2.f32 v4;
	v19 =	vmul.f32 $1.442695020e+00, v24  }
0x5d: {  	p0 =	sne.s32 s30, $0x18680;
	[tilespmem:$0x3280] =	vst v13;
	v44 =	vld [tilespmem:$0x3B80];
	v42 =	vadd.f32 $0.0e+00, v18;
	v35 =	vpop (erf);
	v36 =	vmul.f32 $1.442695020e+00, v29;
	(erf) = vpow2.f32 v26  }
0x5e: {  	v11 =	vld @!p0 [tilespmem:$0x2F80];
	[tilespmem:$0x3A80] =	vst v62;
	v39 =	vadd.f32 v32, v30;
	v3 =	vmul.f32 v3, v35;
	(erf) = vpow2.f32 v19  }
0x5f: {  	[tilespmem:$0x3600] =	vst v17;
	v33 =	vld [tilespmem:$0x3700];
	v14 =	vadd.f32 v16, v42;
	v6 =	vadd.f32 @!p4 v9, v22;
	v41 =	vpop (erf);
	(erf) = vpow2.f32 v36  }
0x60: {  	[tilespmem:$0x3300] =	vst v27;
	v8 =	vadd.f32 v38, v46;
	v3 =	vadd.f32 v3, v39  }
0x61: {  	v15 =	vlaneseq.u32 @!p0;
	s0 =	sadd.s32 @!p0 $0xFFFE7980, s20;
	[tilespmem:$0x3E80] =	vst @!p5 v23;
	v48 =	vld [tilespmem:$0x3780];
	v5 =	vadd.f32 @!p4 v6, v5;
	v6 =	vadd.f32 v40, v14;
	v43 =	vpop (erf)  }
0x62: {  	v14 =	vmov @!p0 s0;
	v12 =	vadd.f32 $0.0e+00, v41;
	v45 =	vpop (erf);
	[tilespmem:$0x3680] =	vst v3;
	v3 =	vadd.f32 v44, v8;
	v8 =	vld @!p0 [tilespmem:$0x2F90]  }
0x63: {  	v11 =	vadd.f32 @!p0 $0.0e+00, v11;
	[tilespmem:$0x3F00] =	vst @!p6 v21;
	vm0 =	veq.s32 @!p0 v14, v15;
	v54 =	vld [tilespmem:$0x3C00];
	v57 =	vadd.f32 $0.0e+00, v34;
	v47 =	vpop (erf)  }
0x64: {  	v51 =	vld [tilespmem:$0x3800];
	[tilespmem:$0x3380] =	vst v28;
	v12 =	vadd.f32 v43, v12;
	v4 =	vmul.f32 v33, v45;
	v49 =	vadd.f32 $0.0e+00, v47;
	v50 =	vpop (erf)  }
0x65: {  	v16 =	vld @!p0 [tilespmem:$0x4000];
	v15 =	vor.u32 @!p0 $0x10, v15;
	[tilespmem:$0x3F80] =	vst @!p4 v5;
	v11 =	vnsel @!p0 vm0, $0x0, v11;
	v60 =	vadd.f32 v31, v57;
	v53 =	vpop (erf)  }
0x66: {  	[tilespmem:$0x3B00] =	vst v6;
	vm0 =	veq.s32 @!p0 v14, v15;
	v4 =	vadd.f32 v4, v12;
	v52 =	vadd.f32 v50, v49;
	v55 =	vpop (erf)  }
0x67: {  	[tilespmem:$0x3400] =	vst v7;
	v56 =	vmul.f32 v48, v53;
	v8 =	vnsel @!p0 vm0, $0x0, v8;
	v58 =	vpop (erf);
	v59 =	vadd.f32 $0.0e+00, v55  }
0x68: {  	v63 =	vadd.f32 v54, v60;
	[tilespmem:$0x3700] =	vst v4;
	v6 =	vadd.f32 @!p0 v8, v11;
	v61 =	vpop (erf)  }
0x69: {  	[tilespmem:$0x3B80] =	vst v3;
	v5 =	vadd.f32 v56, v52;
	v3 =	vadd.f32 v58, v59;
	v62 =	vmul.f32 v51, v61  }
0x6a: {  	[tilespmem:$0x3C00] =	vst v63;
	v4 =	vadd.f32 @!p0 v6, v16  }
0x6b: {  	[tilespmem:$0x3780] =	vst v5;
	v3 =	vadd.f32 v62, v3  }
0x6c: {  	[tilespmem:$0x4000] =	vst @!p0 v4  }
0x6d: {  	s31 =	simm.s32 $0x3080;
	[tilespmem:$0x3800] =	vst v3  }
0x6e: {  	[hbm4b:s6+s2] =	stream.linear.scatter [tilespmem:s31], [sflag:$0x1], $0x400, $0x38;
	[tilespmem:$0x4080] =	vst v63  }
0x6f: {  	_ =	swait.ge [sflag:s13], $0x400  }
0x70: {  	[sflag:s13] =	ssyncset.done $0x0  }
0x71: {  	[sflag:s13] =	ssyncadd.s32 $0xFFFFFC00  }
0x72: {  	[hbm4b:s7+s2] =	stream.linear.scatter [tilespmem:s16], [sflag:$0x1], $0x400, $0x38;
	[tilespmem:$0x4080] =	vst v63  }
0x73: {  	_ =	swait.ge [sflag:s13], $0x400  }
0x74: {  	[sflag:s13] =	ssyncset.done $0x0  }
0x75: {  	[sflag:s13] =	ssyncadd.s32 $0xFFFFFC00  }
0x76: {  	[hbm4b:s9+s2] =	stream.linear.scatter [tilespmem:s17], [sflag:$0x1], $0x400, $0x38;
	[tilespmem:$0x4080] =	vst v63  }
0x77: {  	s19 =	sadd.s32 $0x1, s19;
	_ =	swait.ge [sflag:s13], $0x400  }
0x78: {  	p0 =	sne.s32 s19, s11;
	[sflag:s13] =	ssyncset.done $0x0  }
.Ltmp1:
0x79: {  	[sflag:s13] =	ssyncadd.s32 $0xFFFFFC00;
	(pc) =	sbr.rel @!p0 .LBB2_68-.Ltmp1, $4  }
0x7a: {  	[hbm4b:s10+s2] =	stream.linear.scatter [tilespmem:s18], [sflag:$0x1], $0x400, $0x38;
	[tilespmem:$0x4080] =	vst v63  }
0x7b: {  	_ =	swait.ge [sflag:s13], $0x400  }
0x7c: {  	[sflag:s13] =	ssyncset.done $0x0  }
0x7d: {  	[sflag:s13] =	ssyncadd.s32 $0xFFFFFC00  }
.LBB2_1:
0x7e: {  	s0 =	simm.s32 $0x3000  }
0x7f: {  	[tilespmem:s0], [sflag:$0x1] =	stream.linear.gather [hbm4b:s8+s2], $0x10, $0x38;
	[tilespmem:$0x4080] =	vst v63  }
0x80: {  	_ =	swait.ge [sflag:s13], $0x10  }
0x81: {  	[sflag:s13] =	ssyncset.done $0x0  }
0x82: {  	[sflag:s13] =	ssyncadd.s32 $0xFFFFFFF0  }
0x83: {  	[tilespmem:$0x3080] =	vst v0  }
0x84: {  	[tilespmem:$0x3480] =	vst v1  }
0x85: {  	[tilespmem:$0x3880] =	vst v1  }
0x86: {  	[tilespmem:$0x3C80] =	vst v1  }
0x87: {  	v3 =	vld [tilespmem:$0x3000];
	[tilespmem:$0x3100] =	vst v0  }
0x88: {  	[tilespmem:$0x3500] =	vst v1  }
0x89: {  	[tilespmem:$0x3900] =	vst v1  }
0x8a: {  	[tilespmem:$0x3D00] =	vst v1  }
0x8b: {  	[tilespmem:$0x3180] =	vst v0  }
0x8c: {  	[tilespmem:$0x3580] =	vst v1;
	(v2sf) =	vpush v3, $0x0  }
0x8d: {  	[tilespmem:$0x3980] =	vst v1;
	(v2sf) =	vpush v3, $0x1  }
0x8e: {  	[tilespmem:$0x3D80] =	vst v1;
	(v2sf) =	vpush v3, $0x2  }
0x8f: {  	[tilespmem:$0x3200] =	vst v0;
	(v2sf) =	vpush v3, $0x3  }
0x90: {  	[tilespmem:$0x3600] =	vst v1;
	(v2sf) =	vpush v3, $0x4  }
0x91: {  	[tilespmem:$0x3A00] =	vst v1;
	(v2sf) =	vpush v3, $0x5  }
0x92: {  	[tilespmem:$0x3E00] =	vst v1;
	(v2sf) =	vpush v3, $0x6  }
0x93: {  	[tilespmem:$0x3280] =	vst v0;
	(v2sf) =	vpush v3, $0x7  }
0x94: {  	[tilespmem:$0x3680] =	vst v1  }
0x95: {  	[tilespmem:$0x3A80] =	vst v1  }
0x96: {  	[tilespmem:$0x3E80] =	vst v1  }
0x97: {  	[tilespmem:$0x3300] =	vst v0  }
0x98: {  	[tilespmem:$0x3700] =	vst v1  }
0x99: {  	[tilespmem:$0x3B00] =	vst v1  }
0x9a: {  	[tilespmem:$0x3F00] =	vst v1  }
0x9b: {  	[tilespmem:$0x3380] =	vst v0;
	s28 =	spop (v2sf)  }
0x9c: {  	[tilespmem:$0x3780] =	vst v1;
	s26 =	spop (v2sf)  }
0x9d: {  	[tilespmem:$0x3B80] =	vst v1;
	s25 =	spop (v2sf)  }
.Ltmp2:
0x9e: {  	[tilespmem:$0x3F80] =	vst v1;
	s24 =	spop (v2sf);
	(pc) =	sbr.rel .LBB2_2-.Ltmp2, $4  }
0x9f: {  	[tilespmem:$0x3400] =	vst v0;
	s23 =	spop (v2sf)  }
0xa0: {  	[tilespmem:$0x3800] =	vst v1;
	s22 =	spop (v2sf)  }
0xa1: {  	[tilespmem:$0x3C00] =	vst v1;
	s21 =	spop (v2sf)  }
0xa2: {  	s29 =	simm.s32 $0x0;
	[tilespmem:$0x4000] =	vst v1;
	s20 =	spop (v2sf)  }
.LBB2_66:
0xa3: {  	s29 =	sadd.s32 $0x1, s29  }
0xa4: {  	p0 =	sne.s32 s29, $0x47  }
.Ltmp3:
0xa5: {  	_ = 	snop;
	(pc) =	sbr.rel @!p0 .LBB2_67-.Ltmp3, $1  }
0xa6: {  	_ =	sdelay $0x3  }
.LBB2_2:
0xa7: {  	s0 =	smul.u32 $0x2C00, s29;
	_ =	sdelay $0x1  }
0xa8: {  	s0 =	sadd.s32 s3, s0  }
0xa9: {  	s0 =	sshrl.u32 s0, $0x3  }
0xaa: {  	s1 =	sadd.s32 s4, s0;
	s0 =	simm.s32 $0x0  }
0xab: {  	[tilespmem:s0], [sflag:$0x1] =	stream.linear.gather [hbm4b:s1+s0], $0x2C00, $0x38;
	[tilespmem:$0x4080] =	vst v63  }
0xac: {  	_ =	swait.ge [sflag:s13], $0x2C00  }
0xad: {  	s31 =	sand.u32 $0x70, s0;
	s12 =	sand.u32 $0x3C00, s0;
	[sflag:s13] =	ssyncset.done $0x0  }
0xae: {  	s12 =	sor.u32 s31, s12;
	[sflag:s13] =	ssyncadd.s32 $0xFFFFD400  }
0xaf: {  	v4 =	vimm.f32 $-3.000000010e+38;
	v5 =	vimm.f32 $0.0e+00;
	s1 =	simm.s32 $0x10;
	v6 =	vld [tilespmem:s12+$0x0]  }
.LBB2_3:
0xb0: {  	p0 =	sne.s32 s1, $0x570  }
.Ltmp4:
0xb1: {  	_ = 	snop;
	(pc) =	sbr.rel @p0 .LBB2_3-.Ltmp4, $4  }
0xb2: {  	s0 =	sadd.s32 $0x80, s0  }
0xb3: {  	s12 =	sand.u32 $0x70, s1;
	s30 =	sand.u32 $0x3C00, s0  }
0xb4: {  	s12 =	sor.u32 s12, s30  }
0xb5: {  	s1 =	sadd.s32 $0x10, s1;
	v4 =	vmax.f32 v4, v6;
	v5 =	vadd.f32 v6, v5;
	v6 =	vld [tilespmem:s12+$0x0]  }
0xb6: {  	v3 =	vld [tilespmem:$0x3080]  }
0xb7: {  	v7 =	vld [tilespmem:$0x3880];
	_ =	sdelay $0x2  }
0xb8: {  	v5 =	vadd.f32 v6, v5  }
0xb9: {  	v4 =	vmax.f32 v4, v6  }
0xba: {  	s0 =	simm.s32 $0x0;
	v4 =	vmax.f32 v3, v4;
	v5 =	vadd.f32 v7, v5  }
0xbb: {  	s1 =	sand.u32 $0x70, s0;
	s0 =	sand.u32 $0x3C00, s0;
	[tilespmem:$0x3080] =	vst v4  }
0xbc: {  	s0 =	sor.u32 s1, s0;
	[tilespmem:$0x3880] =	vst v5  }
0xbd: {  	v5 =	vld [tilespmem:s0+$0x0];
	_ =	sdelay $0x2  }
0xbe: {  	s12 =	simm.s32 $0x10;
	s31 =	simm.s32 $0x80  }
0xbf: {  	s14 =	sand.u32 $0x70, s12;
	s1 =	sand.u32 $0x3C00, s31  }
0xc0: {  	s0 =	sor.u32 s14, s1;
	v5 =	vsub.f32 v5, v4  }
0xc1: {  	v6 =	vld [tilespmem:s0+$0x0]  }
0xc2: {  	v7 =	vmul.f32 $1.442695020e+00, v5;
	_ =	sdelay $0x1  }
0xc3: {  	s15 =	simm.s32 $0x20;
	s30 =	simm.s32 $0x100;
	(erf) = vpow2.f32 v7  }
0xc4: {  	s31 =	sand.u32 $0x3C00, s30;
	s0 =	sand.u32 $0x70, s15  }
0xc5: {  	s1 =	sor.u32 s0, s31;
	v8 =	vsub.f32 v6, v4  }
0xc6: {  	v6 =	vld [tilespmem:s1+$0x0]  }
0xc7: {  	s0 =	simm.s32 $0x30;
	v5 =	vimm.f32 $0.0e+00;
	v7 =	vmul.f32 $1.442695020e+00, v8  }
.LBB2_5:
0xc8: {  	p0 =	sne.s32 s0, $0x570  }
.Ltmp5:
0xc9: {  	s1 =	sand.u32 $0x70, s0;
	s30 =	sadd.s32 $0x80, s30;
	(erf) = vpow2.f32 v7;
	(pc) =	sbr.rel @p0 .LBB2_5-.Ltmp5, $4  }
0xca: {  	s0 =	sadd.s32 $0x10, s0;
	s12 =	sand.u32 $0x3C00, s30  }
0xcb: {  	s1 =	sor.u32 s1, s12;
	v7 =	vsub.f32 v6, v4  }
0xcc: {  	v6 =	vld [tilespmem:s1+$0x0];
	v8 =	vpop (erf)  }
0xcd: {  	v7 =	vmul.f32 $1.442695020e+00, v7;
	v5 =	vadd.f32 v8, v5  }
0xce: {  	_ =	sdelay $0x2  }
0xcf: {  	v6 =	vsub.f32 v6, v4  }
0xd0: {  	v3 =	vsub.f32 v3, v4  }
0xd1: {  	v59 =	vmul.f32 $1.442695020e+00, v6  }
0xd2: {  	(erf) = vpow2.f32 v7;
	v3 =	vmul.f32 $1.442695020e+00, v3  }
0xd3: {  	(erf) = vpow2.f32 v59  }
0xd4: {  	(erf) = vpow2.f32 v3;
	_ =	sdelay $0x4  }
0xd5: {  	v60 =	vld [tilespmem:$0x3480];
	s30 =	smul.u32 $0x580, s29;
	v3 =	vpop (erf)  }
0xd6: {  	v3 =	vadd.f32 v3, v5  }
0xd7: {  	p0 =	slt.s32 s28, s30;
	s31 =	sadd.s32 $0x580, s30;
	v61 =	vpop (erf)  }
0xd8: {  	p1 =	sge.s32 @!p0 s28, s31;
	v3 =	vadd.f32 v61, v3;
	v62 =	vpop (erf)  }
0xd9: {  	p0 =	por p0, p1;
	v63 =	vpop (erf)  }
.Ltmp6:
0xda: {  	v3 =	vadd.f32 v62, v3;
	v4 =	vmul.f32 v60, v63;
	(pc) =	sbr.rel @p0 .LBB2_10-.Ltmp6, $3  }
0xdb: {  	_ = 	snop  }
0xdc: {  	v3 =	vadd.f32 v4, v3;
	_ =	sdelay $0x1  }
0xdd: {  	[tilespmem:$0x3480] =	vst v3  }
0xde: {  	s1 =	simm.s32 $0x0  }
0xdf: {  	s0 =	sand.u32 $0x70, s1;
	s12 =	sand.u32 $0x3C00, s1  }
0xe0: {  	s14 =	ssub.s32 s28, s30;
	v3 =	vld [tilespmem:$0x3C80];
	s12 =	sor.u32 s0, s12  }
0xe1: {  	v4 =	vimm.f32 $0.0e+00;
	v5 =	vmov s14;
	s0 =	simm.s32 $0x10;
	v6 =	vld [tilespmem:s12+$0x0];
	s12 =	simm.s32 $0x0  }
.LBB2_8:
0xe2: {  	p0 =	sne.s32 s0, $0x570  }
.Ltmp7:
0xe3: {  	_ = 	snop;
	(pc) =	sbr.rel @p0 .LBB2_8-.Ltmp7, $4  }
0xe4: {  	v7 =	vor.u32 s1, v2;
	s12 =	sadd.s32 $0x80, s12  }
0xe5: {  	s14 =	sand.u32 $0x70, s0;
	s15 =	sand.u32 $0x3C00, s12;
	vm0 =	veq.s32 v7, v5  }
0xe6: {  	s14 =	sor.u32 s14, s15;
	v7 =	vnsel vm0, $0x0, v6  }
0xe7: {  	s1 =	smov.u32 s0;
	s0 =	sadd.s32 $0x10, s0;
	v6 =	vld [tilespmem:s14+$0x0];
	v4 =	vadd.f32 v7, v4  }
0xe8: {  	_ =	sdelay $0x1  }
0xe9: {  	v7 =	vor.u32 s1, v2  }
0xea: {  	vm0 =	veq.s32 v7, v5  }
0xeb: {  	v5 =	vnsel vm0, $0x0, v6  }
0xec: {  	v4 =	vadd.f32 v5, v4;
	_ =	sdelay $0x1  }
0xed: {  	v3 =	vadd.f32 v4, v3;
	_ =	sdelay $0x1  }
0xee: {  	[tilespmem:$0x3C80] =	vst v3  }
.LBB2_10:
0xef: {  	s0 =	simm.s32 $0x0  }
0xf0: {  	s1 =	sand.u32 $0x70, s0;
	s12 =	sand.u32 $0x3C00, s0  }
0xf1: {  	s12 =	sor.u32 s1, s12  }
0xf2: {  	v4 =	vimm.f32 $-3.000000010e+38;
	v5 =	vimm.f32 $0.0e+00;
	s1 =	simm.s32 $0x10;
	v6 =	vld [tilespmem:s12+$0x80]  }
.LBB2_11:
0xf3: {  	p0 =	sne.s32 s1, $0x570  }
.Ltmp8:
0xf4: {  	_ = 	snop;
	(pc) =	sbr.rel @p0 .LBB2_11-.Ltmp8, $4  }
0xf5: {  	s0 =	sadd.s32 $0x80, s0  }
0xf6: {  	s12 =	sand.u32 $0x70, s1;
	s14 =	sand.u32 $0x3C00, s0  }
0xf7: {  	s12 =	sor.u32 s12, s14  }
0xf8: {  	s1 =	sadd.s32 $0x10, s1;
	v4 =	vmax.f32 v4, v6;
	v5 =	vadd.f32 v6, v5;
	v6 =	vld [tilespmem:s12+$0x80]  }
0xf9: {  	v3 =	vld [tilespmem:$0x3100]  }
0xfa: {  	v7 =	vld [tilespmem:$0x3900];
	_ =	sdelay $0x2  }
0xfb: {  	v5 =	vadd.f32 v6, v5  }
0xfc: {  	v4 =	vmax.f32 v4, v6  }
0xfd: {  	s0 =	simm.s32 $0x0;
	v4 =	vmax.f32 v3, v4;
	v5 =	vadd.f32 v7, v5  }
0xfe: {  	s1 =	sand.u32 $0x70, s0;
	s0 =	sand.u32 $0x3C00, s0;
	[tilespmem:$0x3100] =	vst v4  }
0xff: {  	s0 =	sor.u32 s1, s0;
	[tilespmem:$0x3900] =	vst v5  }
0x100: {  	v5 =	vld [tilespmem:s0+$0x80];
	_ =	sdelay $0x2  }
0x101: {  	s12 =	simm.s32 $0x10;
	s15 =	simm.s32 $0x80  }
0x102: {  	s12 =	sand.u32 $0x70, s12;
	s1 =	sand.u32 $0x3C00, s15  }
0x103: {  	s0 =	sor.u32 s12, s1;
	v5 =	vsub.f32 v5, v4  }
0x104: {  	v6 =	vld [tilespmem:s0+$0x80]  }
0x105: {  	v7 =	vmul.f32 $1.442695020e+00, v5;
	_ =	sdelay $0x1  }
0x106: {  	s14 =	simm.s32 $0x20;
	s1 =	simm.s32 $0x100;
	(erf) = vpow2.f32 v7  }
0x107: {  	s0 =	sand.u32 $0x70, s14;
	s15 =	sand.u32 $0x3C00, s1  }
0x108: {  	s12 =	sor.u32 s0, s15;
	v8 =	vsub.f32 v6, v4  }
0x109: {  	v6 =	vld [tilespmem:s12+$0x80]  }
0x10a: {  	s0 =	simm.s32 $0x30;
	v5 =	vimm.f32 $0.0e+00;
	v7 =	vmul.f32 $1.442695020e+00, v8  }
.LBB2_13:
0x10b: {  	p0 =	sne.s32 s0, $0x570  }
.Ltmp9:
0x10c: {  	s12 =	sand.u32 $0x70, s0;
	s1 =	sadd.s32 $0x80, s1;
	(erf) = vpow2.f32 v7;
	(pc) =	sbr.rel @p0 .LBB2_13-.Ltmp9, $4  }
0x10d: {  	s0 =	sadd.s32 $0x10, s0;
	s14 =	sand.u32 $0x3C00, s1  }
0x10e: {  	s12 =	sor.u32 s12, s14;
	v7 =	vsub.f32 v6, v4  }
0x10f: {  	v6 =	vld [tilespmem:s12+$0x80];
	v8 =	vpop (erf)  }
0x110: {  	v7 =	vmul.f32 $1.442695020e+00, v7;
	v5 =	vadd.f32 v8, v5  }
0x111: {  	_ =	sdelay $0x2  }
0x112: {  	v6 =	vsub.f32 v6, v4  }
0x113: {  	v3 =	vsub.f32 v3, v4  }
0x114: {  	v59 =	vmul.f32 $1.442695020e+00, v6  }
0x115: {  	(erf) = vpow2.f32 v7;
	v3 =	vmul.f32 $1.442695020e+00, v3  }
0x116: {  	(erf) = vpow2.f32 v59  }
0x117: {  	(erf) = vpow2.f32 v3;
	_ =	sdelay $0x4  }
0x118: {  	v60 =	vld [tilespmem:$0x3500];
	v3 =	vpop (erf)  }
0x119: {  	v3 =	vadd.f32 v3, v5  }
0x11a: {  	p0 =	slt.s32 s26, s30;
	v61 =	vpop (erf)  }
0x11b: {  	p1 =	sge.s32 @!p0 s26, s31;
	v3 =	vadd.f32 v61, v3;
	v62 =	vpop (erf)  }
0x11c: {  	p0 =	por p0, p1;
	v63 =	vpop (erf)  }
.Ltmp10:
0x11d: {  	v3 =	vadd.f32 v62, v3;
	v4 =	vmul.f32 v60, v63;
	(pc) =	sbr.rel @p0 .LBB2_18-.Ltmp10, $3  }
0x11e: {  	_ = 	snop  }
0x11f: {  	v3 =	vadd.f32 v4, v3;
	_ =	sdelay $0x1  }
0x120: {  	[tilespmem:$0x3500] =	vst v3  }
0x121: {  	s1 =	simm.s32 $0x0  }
0x122: {  	s0 =	sand.u32 $0x70, s1;
	s12 =	sand.u32 $0x3C00, s1  }
0x123: {  	s14 =	ssub.s32 s26, s30;
	v3 =	vld [tilespmem:$0x3D00];
	s12 =	sor.u32 s0, s12  }
0x124: {  	v4 =	vimm.f32 $0.0e+00;
	v5 =	vmov s14;
	s0 =	simm.s32 $0x10;
	v6 =	vld [tilespmem:s12+$0x80];
	s12 =	simm.s32 $0x0  }
.LBB2_16:
0x125: {  	p0 =	sne.s32 s0, $0x570  }
.Ltmp11:
0x126: {  	_ = 	snop;
	(pc) =	sbr.rel @p0 .LBB2_16-.Ltmp11, $4  }
0x127: {  	v7 =	vor.u32 s1, v2;
	s12 =	sadd.s32 $0x80, s12  }
0x128: {  	s14 =	sand.u32 $0x70, s0;
	s15 =	sand.u32 $0x3C00, s12;
	vm0 =	veq.s32 v7, v5  }
0x129: {  	s14 =	sor.u32 s14, s15;
	v7 =	vnsel vm0, $0x0, v6  }
0x12a: {  	s1 =	smov.u32 s0;
	s0 =	sadd.s32 $0x10, s0;
	v6 =	vld [tilespmem:s14+$0x80];
	v4 =	vadd.f32 v7, v4  }
0x12b: {  	_ =	sdelay $0x1  }
0x12c: {  	v7 =	vor.u32 s1, v2  }
0x12d: {  	vm0 =	veq.s32 v7, v5  }
0x12e: {  	v5 =	vnsel vm0, $0x0, v6  }
0x12f: {  	v4 =	vadd.f32 v5, v4;
	_ =	sdelay $0x1  }
0x130: {  	v3 =	vadd.f32 v4, v3;
	_ =	sdelay $0x1  }
0x131: {  	[tilespmem:$0x3D00] =	vst v3  }
.LBB2_18:
0x132: {  	s0 =	simm.s32 $0x0  }
0x133: {  	s1 =	sand.u32 $0x70, s0;
	s12 =	sand.u32 $0x3C00, s0  }
0x134: {  	s12 =	sor.u32 s1, s12  }
0x135: {  	v4 =	vimm.f32 $-3.000000010e+38;
	v5 =	vimm.f32 $0.0e+00;
	s1 =	simm.s32 $0x10;
	v6 =	vld [tilespmem:s12+$0x100]  }
.LBB2_19:
0x136: {  	p0 =	sne.s32 s1, $0x570  }
.Ltmp12:
0x137: {  	_ = 	snop;
	(pc) =	sbr.rel @p0 .LBB2_19-.Ltmp12, $4  }
0x138: {  	s0 =	sadd.s32 $0x80, s0  }
0x139: {  	s12 =	sand.u32 $0x70, s1;
	s14 =	sand.u32 $0x3C00, s0  }
0x13a: {  	s12 =	sor.u32 s12, s14  }
0x13b: {  	s1 =	sadd.s32 $0x10, s1;
	v4 =	vmax.f32 v4, v6;
	v5 =	vadd.f32 v6, v5;
	v6 =	vld [tilespmem:s12+$0x100]  }
0x13c: {  	v3 =	vld [tilespmem:$0x3180]  }
0x13d: {  	v7 =	vld [tilespmem:$0x3980];
	_ =	sdelay $0x2  }
0x13e: {  	v5 =	vadd.f32 v6, v5  }
0x13f: {  	v4 =	vmax.f32 v4, v6  }
0x140: {  	s0 =	simm.s32 $0x0;
	v4 =	vmax.f32 v3, v4;
	v5 =	vadd.f32 v7, v5  }
0x141: {  	s1 =	sand.u32 $0x70, s0;
	s0 =	sand.u32 $0x3C00, s0;
	[tilespmem:$0x3180] =	vst v4  }
0x142: {  	s0 =	sor.u32 s1, s0;
	[tilespmem:$0x3980] =	vst v5  }
0x143: {  	v5 =	vld [tilespmem:s0+$0x100];
	_ =	sdelay $0x2  }
0x144: {  	s12 =	simm.s32 $0x10;
	s15 =	simm.s32 $0x80  }
0x145: {  	s12 =	sand.u32 $0x70, s12;
	s1 =	sand.u32 $0x3C00, s15  }
0x146: {  	s0 =	sor.u32 s12, s1;
	v5 =	vsub.f32 v5, v4  }
0x147: {  	v6 =	vld [tilespmem:s0+$0x100]  }
0x148: {  	v7 =	vmul.f32 $1.442695020e+00, v5;
	_ =	sdelay $0x1  }
0x149: {  	s14 =	simm.s32 $0x20;
	s1 =	simm.s32 $0x100;
	(erf) = vpow2.f32 v7  }
0x14a: {  	s0 =	sand.u32 $0x70, s14;
	s15 =	sand.u32 $0x3C00, s1  }
0x14b: {  	s12 =	sor.u32 s0, s15;
	v8 =	vsub.f32 v6, v4  }
0x14c: {  	v6 =	vld [tilespmem:s12+$0x100]  }
0x14d: {  	s0 =	simm.s32 $0x30;
	v5 =	vimm.f32 $0.0e+00;
	v7 =	vmul.f32 $1.442695020e+00, v8  }
.LBB2_21:
0x14e: {  	p0 =	sne.s32 s0, $0x570  }
.Ltmp13:
0x14f: {  	s12 =	sand.u32 $0x70, s0;
	s1 =	sadd.s32 $0x80, s1;
	(erf) = vpow2.f32 v7;
	(pc) =	sbr.rel @p0 .LBB2_21-.Ltmp13, $4  }
0x150: {  	s0 =	sadd.s32 $0x10, s0;
	s14 =	sand.u32 $0x3C00, s1  }
0x151: {  	s12 =	sor.u32 s12, s14;
	v7 =	vsub.f32 v6, v4  }
0x152: {  	v6 =	vld [tilespmem:s12+$0x100];
	v8 =	vpop (erf)  }
0x153: {  	v7 =	vmul.f32 $1.442695020e+00, v7;
	v5 =	vadd.f32 v8, v5  }
0x154: {  	_ =	sdelay $0x2  }
0x155: {  	v6 =	vsub.f32 v6, v4  }
0x156: {  	v3 =	vsub.f32 v3, v4  }
0x157: {  	v59 =	vmul.f32 $1.442695020e+00, v6  }
0x158: {  	(erf) = vpow2.f32 v7;
	v3 =	vmul.f32 $1.442695020e+00, v3  }
0x159: {  	(erf) = vpow2.f32 v59  }
0x15a: {  	(erf) = vpow2.f32 v3;
	_ =	sdelay $0x4  }
0x15b: {  	v60 =	vld [tilespmem:$0x3580];
	v3 =	vpop (erf)  }
0x15c: {  	v3 =	vadd.f32 v3, v5  }
0x15d: {  	p0 =	slt.s32 s25, s30;
	v61 =	vpop (erf)  }
0x15e: {  	p1 =	sge.s32 @!p0 s25, s31;
	v3 =	vadd.f32 v61, v3;
	v62 =	vpop (erf)  }
0x15f: {  	p0 =	por p0, p1;
	v63 =	vpop (erf)  }
.Ltmp14:
0x160: {  	v3 =	vadd.f32 v62, v3;
	v4 =	vmul.f32 v60, v63;
	(pc) =	sbr.rel @p0 .LBB2_26-.Ltmp14, $3  }
0x161: {  	_ = 	snop  }
0x162: {  	v3 =	vadd.f32 v4, v3;
	_ =	sdelay $0x1  }
0x163: {  	[tilespmem:$0x3580] =	vst v3  }
0x164: {  	s1 =	simm.s32 $0x0  }
0x165: {  	s0 =	sand.u32 $0x70, s1;
	s12 =	sand.u32 $0x3C00, s1  }
0x166: {  	s14 =	ssub.s32 s25, s30;
	v3 =	vld [tilespmem:$0x3D80];
	s12 =	sor.u32 s0, s12  }
0x167: {  	v4 =	vimm.f32 $0.0e+00;
	v5 =	vmov s14;
	s0 =	simm.s32 $0x10;
	v6 =	vld [tilespmem:s12+$0x100];
	s12 =	simm.s32 $0x0  }
.LBB2_24:
0x168: {  	p0 =	sne.s32 s0, $0x570  }
.Ltmp15:
0x169: {  	_ = 	snop;
	(pc) =	sbr.rel @p0 .LBB2_24-.Ltmp15, $4  }
0x16a: {  	v7 =	vor.u32 s1, v2;
	s12 =	sadd.s32 $0x80, s12  }
0x16b: {  	s14 =	sand.u32 $0x70, s0;
	s15 =	sand.u32 $0x3C00, s12;
	vm0 =	veq.s32 v7, v5  }
0x16c: {  	s14 =	sor.u32 s14, s15;
	v7 =	vnsel vm0, $0x0, v6  }
0x16d: {  	s1 =	smov.u32 s0;
	s0 =	sadd.s32 $0x10, s0;
	v6 =	vld [tilespmem:s14+$0x100];
	v4 =	vadd.f32 v7, v4  }
0x16e: {  	_ =	sdelay $0x1  }
0x16f: {  	v7 =	vor.u32 s1, v2  }
0x170: {  	vm0 =	veq.s32 v7, v5  }
0x171: {  	v5 =	vnsel vm0, $0x0, v6  }
0x172: {  	v4 =	vadd.f32 v5, v4;
	_ =	sdelay $0x1  }
0x173: {  	v3 =	vadd.f32 v4, v3;
	_ =	sdelay $0x1  }
0x174: {  	[tilespmem:$0x3D80] =	vst v3  }
.LBB2_26:
0x175: {  	s0 =	simm.s32 $0x0  }
0x176: {  	s1 =	sand.u32 $0x70, s0;
	s12 =	sand.u32 $0x3C00, s0  }
0x177: {  	s12 =	sor.u32 s1, s12  }
0x178: {  	v4 =	vimm.f32 $-3.000000010e+38;
	v5 =	vimm.f32 $0.0e+00;
	s1 =	simm.s32 $0x10;
	v6 =	vld [tilespmem:s12+$0x180]  }
.LBB2_27:
0x179: {  	p0 =	sne.s32 s1, $0x570  }
.Ltmp16:
0x17a: {  	_ = 	snop;
	(pc) =	sbr.rel @p0 .LBB2_27-.Ltmp16, $4  }
0x17b: {  	s0 =	sadd.s32 $0x80, s0  }
0x17c: {  	s12 =	sand.u32 $0x70, s1;
	s14 =	sand.u32 $0x3C00, s0  }
0x17d: {  	s12 =	sor.u32 s12, s14  }
0x17e: {  	s1 =	sadd.s32 $0x10, s1;
	v4 =	vmax.f32 v4, v6;
	v5 =	vadd.f32 v6, v5;
	v6 =	vld [tilespmem:s12+$0x180]  }
0x17f: {  	v3 =	vld [tilespmem:$0x3200]  }
0x180: {  	v7 =	vld [tilespmem:$0x3A00];
	_ =	sdelay $0x2  }
0x181: {  	v5 =	vadd.f32 v6, v5  }
0x182: {  	v4 =	vmax.f32 v4, v6  }
0x183: {  	s0 =	simm.s32 $0x0;
	v4 =	vmax.f32 v3, v4;
	v5 =	vadd.f32 v7, v5  }
0x184: {  	s1 =	sand.u32 $0x70, s0;
	s0 =	sand.u32 $0x3C00, s0;
	[tilespmem:$0x3200] =	vst v4  }
0x185: {  	s0 =	sor.u32 s1, s0;
	[tilespmem:$0x3A00] =	vst v5  }
0x186: {  	v5 =	vld [tilespmem:s0+$0x180];
	_ =	sdelay $0x2  }
0x187: {  	s12 =	simm.s32 $0x10;
	s15 =	simm.s32 $0x80  }
0x188: {  	s12 =	sand.u32 $0x70, s12;
	s1 =	sand.u32 $0x3C00, s15  }
0x189: {  	s0 =	sor.u32 s12, s1;
	v5 =	vsub.f32 v5, v4  }
0x18a: {  	v6 =	vld [tilespmem:s0+$0x180]  }
0x18b: {  	v7 =	vmul.f32 $1.442695020e+00, v5;
	_ =	sdelay $0x1  }
0x18c: {  	s14 =	simm.s32 $0x20;
	s1 =	simm.s32 $0x100;
	(erf) = vpow2.f32 v7  }
0x18d: {  	s0 =	sand.u32 $0x70, s14;
	s15 =	sand.u32 $0x3C00, s1  }
0x18e: {  	s12 =	sor.u32 s0, s15;
	v8 =	vsub.f32 v6, v4  }
0x18f: {  	v6 =	vld [tilespmem:s12+$0x180]  }
0x190: {  	s0 =	simm.s32 $0x30;
	v5 =	vimm.f32 $0.0e+00;
	v7 =	vmul.f32 $1.442695020e+00, v8  }
.LBB2_29:
0x191: {  	p0 =	sne.s32 s0, $0x570  }
.Ltmp17:
0x192: {  	s12 =	sand.u32 $0x70, s0;
	s1 =	sadd.s32 $0x80, s1;
	(erf) = vpow2.f32 v7;
	(pc) =	sbr.rel @p0 .LBB2_29-.Ltmp17, $4  }
0x193: {  	s0 =	sadd.s32 $0x10, s0;
	s14 =	sand.u32 $0x3C00, s1  }
0x194: {  	s12 =	sor.u32 s12, s14;
	v7 =	vsub.f32 v6, v4  }
0x195: {  	v6 =	vld [tilespmem:s12+$0x180];
	v8 =	vpop (erf)  }
0x196: {  	v7 =	vmul.f32 $1.442695020e+00, v7;
	v5 =	vadd.f32 v8, v5  }
0x197: {  	_ =	sdelay $0x2  }
0x198: {  	v6 =	vsub.f32 v6, v4  }
0x199: {  	v3 =	vsub.f32 v3, v4  }
0x19a: {  	v59 =	vmul.f32 $1.442695020e+00, v6  }
0x19b: {  	(erf) = vpow2.f32 v7;
	v3 =	vmul.f32 $1.442695020e+00, v3  }
0x19c: {  	(erf) = vpow2.f32 v59  }
0x19d: {  	(erf) = vpow2.f32 v3;
	_ =	sdelay $0x4  }
0x19e: {  	v60 =	vld [tilespmem:$0x3600];
	v3 =	vpop (erf)  }
0x19f: {  	v3 =	vadd.f32 v3, v5  }
0x1a0: {  	p0 =	slt.s32 s24, s30;
	v61 =	vpop (erf)  }
0x1a1: {  	p1 =	sge.s32 @!p0 s24, s31;
	v3 =	vadd.f32 v61, v3;
	v62 =	vpop (erf)  }
0x1a2: {  	p0 =	por p0, p1;
	v63 =	vpop (erf)  }
.Ltmp18:
0x1a3: {  	v3 =	vadd.f32 v62, v3;
	v4 =	vmul.f32 v60, v63;
	(pc) =	sbr.rel @p0 .LBB2_34-.Ltmp18, $3  }
0x1a4: {  	_ = 	snop  }
0x1a5: {  	v3 =	vadd.f32 v4, v3;
	_ =	sdelay $0x1  }
0x1a6: {  	[tilespmem:$0x3600] =	vst v3  }
0x1a7: {  	s1 =	simm.s32 $0x0  }
0x1a8: {  	s0 =	sand.u32 $0x70, s1;
	s12 =	sand.u32 $0x3C00, s1  }
0x1a9: {  	s14 =	ssub.s32 s24, s30;
	v3 =	vld [tilespmem:$0x3E00];
	s12 =	sor.u32 s0, s12  }
0x1aa: {  	v4 =	vimm.f32 $0.0e+00;
	v5 =	vmov s14;
	s0 =	simm.s32 $0x10;
	v6 =	vld [tilespmem:s12+$0x180];
	s12 =	simm.s32 $0x0  }
.LBB2_32:
0x1ab: {  	p0 =	sne.s32 s0, $0x570  }
.Ltmp19:
0x1ac: {  	_ = 	snop;
	(pc) =	sbr.rel @p0 .LBB2_32-.Ltmp19, $4  }
0x1ad: {  	v7 =	vor.u32 s1, v2;
	s12 =	sadd.s32 $0x80, s12  }
0x1ae: {  	s14 =	sand.u32 $0x70, s0;
	s15 =	sand.u32 $0x3C00, s12;
	vm0 =	veq.s32 v7, v5  }
0x1af: {  	s14 =	sor.u32 s14, s15;
	v7 =	vnsel vm0, $0x0, v6  }
0x1b0: {  	s1 =	smov.u32 s0;
	s0 =	sadd.s32 $0x10, s0;
	v6 =	vld [tilespmem:s14+$0x180];
	v4 =	vadd.f32 v7, v4  }
0x1b1: {  	_ =	sdelay $0x1  }
0x1b2: {  	v7 =	vor.u32 s1, v2  }
0x1b3: {  	vm0 =	veq.s32 v7, v5  }
0x1b4: {  	v5 =	vnsel vm0, $0x0, v6  }
0x1b5: {  	v4 =	vadd.f32 v5, v4;
	_ =	sdelay $0x1  }
0x1b6: {  	v3 =	vadd.f32 v4, v3;
	_ =	sdelay $0x1  }
0x1b7: {  	[tilespmem:$0x3E00] =	vst v3  }
.LBB2_34:
0x1b8: {  	s0 =	simm.s32 $0x0  }
0x1b9: {  	s1 =	sand.u32 $0x70, s0;
	s12 =	sand.u32 $0x3C00, s0  }
0x1ba: {  	s12 =	sor.u32 s1, s12  }
0x1bb: {  	v4 =	vimm.f32 $-3.000000010e+38;
	v5 =	vimm.f32 $0.0e+00;
	s1 =	simm.s32 $0x10;
	v6 =	vld [tilespmem:s12+$0x200]  }
.LBB2_35:
0x1bc: {  	p0 =	sne.s32 s1, $0x570  }
.Ltmp20:
0x1bd: {  	_ = 	snop;
	(pc) =	sbr.rel @p0 .LBB2_35-.Ltmp20, $4  }
0x1be: {  	s0 =	sadd.s32 $0x80, s0  }
0x1bf: {  	s12 =	sand.u32 $0x70, s1;
	s14 =	sand.u32 $0x3C00, s0  }
0x1c0: {  	s12 =	sor.u32 s12, s14  }
0x1c1: {  	s1 =	sadd.s32 $0x10, s1;
	v4 =	vmax.f32 v4, v6;
	v5 =	vadd.f32 v6, v5;
	v6 =	vld [tilespmem:s12+$0x200]  }
0x1c2: {  	v3 =	vld [tilespmem:$0x3280]  }
0x1c3: {  	v7 =	vld [tilespmem:$0x3A80];
	_ =	sdelay $0x2  }
0x1c4: {  	v5 =	vadd.f32 v6, v5  }
0x1c5: {  	v4 =	vmax.f32 v4, v6  }
0x1c6: {  	s0 =	simm.s32 $0x0;
	v4 =	vmax.f32 v3, v4;
	v5 =	vadd.f32 v7, v5  }
0x1c7: {  	s1 =	sand.u32 $0x70, s0;
	s0 =	sand.u32 $0x3C00, s0;
	[tilespmem:$0x3280] =	vst v4  }
0x1c8: {  	s0 =	sor.u32 s1, s0;
	[tilespmem:$0x3A80] =	vst v5  }
0x1c9: {  	v5 =	vld [tilespmem:s0+$0x200];
	_ =	sdelay $0x2  }
0x1ca: {  	s12 =	simm.s32 $0x10;
	s15 =	simm.s32 $0x80  }
0x1cb: {  	s12 =	sand.u32 $0x70, s12;
	s1 =	sand.u32 $0x3C00, s15  }
0x1cc: {  	s0 =	sor.u32 s12, s1;
	v5 =	vsub.f32 v5, v4  }
0x1cd: {  	v6 =	vld [tilespmem:s0+$0x200]  }
0x1ce: {  	v7 =	vmul.f32 $1.442695020e+00, v5;
	_ =	sdelay $0x1  }
0x1cf: {  	s14 =	simm.s32 $0x20;
	s1 =	simm.s32 $0x100;
	(erf) = vpow2.f32 v7  }
0x1d0: {  	s0 =	sand.u32 $0x70, s14;
	s15 =	sand.u32 $0x3C00, s1  }
0x1d1: {  	s12 =	sor.u32 s0, s15;
	v8 =	vsub.f32 v6, v4  }
0x1d2: {  	v6 =	vld [tilespmem:s12+$0x200]  }
0x1d3: {  	s0 =	simm.s32 $0x30;
	v5 =	vimm.f32 $0.0e+00;
	v7 =	vmul.f32 $1.442695020e+00, v8  }
.LBB2_37:
0x1d4: {  	p0 =	sne.s32 s0, $0x570  }
.Ltmp21:
0x1d5: {  	s12 =	sand.u32 $0x70, s0;
	s1 =	sadd.s32 $0x80, s1;
	(erf) = vpow2.f32 v7;
	(pc) =	sbr.rel @p0 .LBB2_37-.Ltmp21, $4  }
0x1d6: {  	s0 =	sadd.s32 $0x10, s0;
	s14 =	sand.u32 $0x3C00, s1  }
0x1d7: {  	s12 =	sor.u32 s12, s14;
	v7 =	vsub.f32 v6, v4  }
0x1d8: {  	v6 =	vld [tilespmem:s12+$0x200];
	v8 =	vpop (erf)  }
0x1d9: {  	v7 =	vmul.f32 $1.442695020e+00, v7;
	v5 =	vadd.f32 v8, v5  }
0x1da: {  	_ =	sdelay $0x2  }
0x1db: {  	v6 =	vsub.f32 v6, v4  }
0x1dc: {  	v3 =	vsub.f32 v3, v4  }
0x1dd: {  	v59 =	vmul.f32 $1.442695020e+00, v6  }
0x1de: {  	(erf) = vpow2.f32 v7;
	v3 =	vmul.f32 $1.442695020e+00, v3  }
0x1df: {  	(erf) = vpow2.f32 v59  }
0x1e0: {  	(erf) = vpow2.f32 v3;
	_ =	sdelay $0x4  }
0x1e1: {  	v60 =	vld [tilespmem:$0x3680];
	v3 =	vpop (erf)  }
0x1e2: {  	v3 =	vadd.f32 v3, v5  }
0x1e3: {  	p0 =	slt.s32 s23, s30;
	v61 =	vpop (erf)  }
0x1e4: {  	p1 =	sge.s32 @!p0 s23, s31;
	v3 =	vadd.f32 v61, v3;
	v62 =	vpop (erf)  }
0x1e5: {  	p0 =	por p0, p1;
	v63 =	vpop (erf)  }
.Ltmp22:
0x1e6: {  	v3 =	vadd.f32 v62, v3;
	v4 =	vmul.f32 v60, v63;
	(pc) =	sbr.rel @p0 .LBB2_42-.Ltmp22, $3  }
0x1e7: {  	_ = 	snop  }
0x1e8: {  	v3 =	vadd.f32 v4, v3;
	_ =	sdelay $0x1  }
0x1e9: {  	[tilespmem:$0x3680] =	vst v3  }
0x1ea: {  	s1 =	simm.s32 $0x0  }
0x1eb: {  	s0 =	sand.u32 $0x70, s1;
	s12 =	sand.u32 $0x3C00, s1  }
0x1ec: {  	s14 =	ssub.s32 s23, s30;
	v3 =	vld [tilespmem:$0x3E80];
	s12 =	sor.u32 s0, s12  }
0x1ed: {  	v4 =	vimm.f32 $0.0e+00;
	v5 =	vmov s14;
	s0 =	simm.s32 $0x10;
	v6 =	vld [tilespmem:s12+$0x200];
	s12 =	simm.s32 $0x0  }
.LBB2_40:
0x1ee: {  	p0 =	sne.s32 s0, $0x570  }
.Ltmp23:
0x1ef: {  	_ = 	snop;
	(pc) =	sbr.rel @p0 .LBB2_40-.Ltmp23, $4  }
0x1f0: {  	v7 =	vor.u32 s1, v2;
	s12 =	sadd.s32 $0x80, s12  }
0x1f1: {  	s14 =	sand.u32 $0x70, s0;
	s15 =	sand.u32 $0x3C00, s12;
	vm0 =	veq.s32 v7, v5  }
0x1f2: {  	s14 =	sor.u32 s14, s15;
	v7 =	vnsel vm0, $0x0, v6  }
0x1f3: {  	s1 =	smov.u32 s0;
	s0 =	sadd.s32 $0x10, s0;
	v6 =	vld [tilespmem:s14+$0x200];
	v4 =	vadd.f32 v7, v4  }
0x1f4: {  	_ =	sdelay $0x1  }
0x1f5: {  	v7 =	vor.u32 s1, v2  }
0x1f6: {  	vm0 =	veq.s32 v7, v5  }
0x1f7: {  	v5 =	vnsel vm0, $0x0, v6  }
0x1f8: {  	v4 =	vadd.f32 v5, v4;
	_ =	sdelay $0x1  }
0x1f9: {  	v3 =	vadd.f32 v4, v3;
	_ =	sdelay $0x1  }
0x1fa: {  	[tilespmem:$0x3E80] =	vst v3  }
.LBB2_42:
0x1fb: {  	s0 =	simm.s32 $0x0  }
0x1fc: {  	s1 =	sand.u32 $0x70, s0;
	s12 =	sand.u32 $0x3C00, s0  }
0x1fd: {  	s12 =	sor.u32 s1, s12  }
0x1fe: {  	v4 =	vimm.f32 $-3.000000010e+38;
	v5 =	vimm.f32 $0.0e+00;
	s1 =	simm.s32 $0x10;
	v6 =	vld [tilespmem:s12+$0x280]  }
.LBB2_43:
0x1ff: {  	p0 =	sne.s32 s1, $0x570  }
.Ltmp24:
0x200: {  	_ = 	snop;
	(pc) =	sbr.rel @p0 .LBB2_43-.Ltmp24, $4  }
0x201: {  	s0 =	sadd.s32 $0x80, s0  }
0x202: {  	s12 =	sand.u32 $0x70, s1;
	s14 =	sand.u32 $0x3C00, s0  }
0x203: {  	s12 =	sor.u32 s12, s14  }
0x204: {  	s1 =	sadd.s32 $0x10, s1;
	v4 =	vmax.f32 v4, v6;
	v5 =	vadd.f32 v6, v5;
	v6 =	vld [tilespmem:s12+$0x280]  }
0x205: {  	v3 =	vld [tilespmem:$0x3300]  }
0x206: {  	v7 =	vld [tilespmem:$0x3B00];
	_ =	sdelay $0x2  }
0x207: {  	v5 =	vadd.f32 v6, v5  }
0x208: {  	v4 =	vmax.f32 v4, v6  }
0x209: {  	s0 =	simm.s32 $0x0;
	v4 =	vmax.f32 v3, v4;
	v5 =	vadd.f32 v7, v5  }
0x20a: {  	s1 =	sand.u32 $0x70, s0;
	s0 =	sand.u32 $0x3C00, s0;
	[tilespmem:$0x3300] =	vst v4  }
0x20b: {  	s0 =	sor.u32 s1, s0;
	[tilespmem:$0x3B00] =	vst v5  }
0x20c: {  	v5 =	vld [tilespmem:s0+$0x280];
	_ =	sdelay $0x2  }
0x20d: {  	s12 =	simm.s32 $0x10;
	s15 =	simm.s32 $0x80  }
0x20e: {  	s12 =	sand.u32 $0x70, s12;
	s1 =	sand.u32 $0x3C00, s15  }
0x20f: {  	s0 =	sor.u32 s12, s1;
	v5 =	vsub.f32 v5, v4  }
0x210: {  	v6 =	vld [tilespmem:s0+$0x280]  }
0x211: {  	v7 =	vmul.f32 $1.442695020e+00, v5;
	_ =	sdelay $0x1  }
0x212: {  	s14 =	simm.s32 $0x20;
	s1 =	simm.s32 $0x100;
	(erf) = vpow2.f32 v7  }
0x213: {  	s0 =	sand.u32 $0x70, s14;
	s15 =	sand.u32 $0x3C00, s1  }
0x214: {  	s12 =	sor.u32 s0, s15;
	v8 =	vsub.f32 v6, v4  }
0x215: {  	v6 =	vld [tilespmem:s12+$0x280]  }
0x216: {  	s0 =	simm.s32 $0x30;
	v5 =	vimm.f32 $0.0e+00;
	v7 =	vmul.f32 $1.442695020e+00, v8  }
.LBB2_45:
0x217: {  	p0 =	sne.s32 s0, $0x570  }
.Ltmp25:
0x218: {  	s12 =	sand.u32 $0x70, s0;
	s1 =	sadd.s32 $0x80, s1;
	(erf) = vpow2.f32 v7;
	(pc) =	sbr.rel @p0 .LBB2_45-.Ltmp25, $4  }
0x219: {  	s0 =	sadd.s32 $0x10, s0;
	s14 =	sand.u32 $0x3C00, s1  }
0x21a: {  	s12 =	sor.u32 s12, s14;
	v7 =	vsub.f32 v6, v4  }
0x21b: {  	v6 =	vld [tilespmem:s12+$0x280];
	v8 =	vpop (erf)  }
0x21c: {  	v7 =	vmul.f32 $1.442695020e+00, v7;
	v5 =	vadd.f32 v8, v5  }
0x21d: {  	_ =	sdelay $0x2  }
0x21e: {  	v6 =	vsub.f32 v6, v4  }
0x21f: {  	v3 =	vsub.f32 v3, v4  }
0x220: {  	v59 =	vmul.f32 $1.442695020e+00, v6  }
0x221: {  	(erf) = vpow2.f32 v7;
	v3 =	vmul.f32 $1.442695020e+00, v3  }
0x222: {  	(erf) = vpow2.f32 v59  }
0x223: {  	(erf) = vpow2.f32 v3;
	_ =	sdelay $0x4  }
0x224: {  	v60 =	vld [tilespmem:$0x3700];
	v3 =	vpop (erf)  }
0x225: {  	v3 =	vadd.f32 v3, v5  }
0x226: {  	p0 =	slt.s32 s22, s30;
	v61 =	vpop (erf)  }
0x227: {  	p1 =	sge.s32 @!p0 s22, s31;
	v3 =	vadd.f32 v61, v3;
	v62 =	vpop (erf)  }
0x228: {  	p0 =	por p0, p1;
	v63 =	vpop (erf)  }
.Ltmp26:
0x229: {  	v3 =	vadd.f32 v62, v3;
	v4 =	vmul.f32 v60, v63;
	(pc) =	sbr.rel @p0 .LBB2_50-.Ltmp26, $3  }
0x22a: {  	_ = 	snop  }
0x22b: {  	v3 =	vadd.f32 v4, v3;
	_ =	sdelay $0x1  }
0x22c: {  	[tilespmem:$0x3700] =	vst v3  }
0x22d: {  	s1 =	simm.s32 $0x0  }
0x22e: {  	s0 =	sand.u32 $0x70, s1;
	s12 =	sand.u32 $0x3C00, s1  }
0x22f: {  	s14 =	ssub.s32 s22, s30;
	v3 =	vld [tilespmem:$0x3F00];
	s12 =	sor.u32 s0, s12  }
0x230: {  	v4 =	vimm.f32 $0.0e+00;
	v5 =	vmov s14;
	s0 =	simm.s32 $0x10;
	v6 =	vld [tilespmem:s12+$0x280];
	s12 =	simm.s32 $0x0  }
.LBB2_48:
0x231: {  	p0 =	sne.s32 s0, $0x570  }
.Ltmp27:
0x232: {  	_ = 	snop;
	(pc) =	sbr.rel @p0 .LBB2_48-.Ltmp27, $4  }
0x233: {  	v7 =	vor.u32 s1, v2;
	s12 =	sadd.s32 $0x80, s12  }
0x234: {  	s14 =	sand.u32 $0x70, s0;
	s15 =	sand.u32 $0x3C00, s12;
	vm0 =	veq.s32 v7, v5  }
0x235: {  	s14 =	sor.u32 s14, s15;
	v7 =	vnsel vm0, $0x0, v6  }
0x236: {  	s1 =	smov.u32 s0;
	s0 =	sadd.s32 $0x10, s0;
	v6 =	vld [tilespmem:s14+$0x280];
	v4 =	vadd.f32 v7, v4  }
0x237: {  	_ =	sdelay $0x1  }
0x238: {  	v7 =	vor.u32 s1, v2  }
0x239: {  	vm0 =	veq.s32 v7, v5  }
0x23a: {  	v5 =	vnsel vm0, $0x0, v6  }
0x23b: {  	v4 =	vadd.f32 v5, v4;
	_ =	sdelay $0x1  }
0x23c: {  	v3 =	vadd.f32 v4, v3;
	_ =	sdelay $0x1  }
0x23d: {  	[tilespmem:$0x3F00] =	vst v3  }
.LBB2_50:
0x23e: {  	s0 =	simm.s32 $0x0  }
0x23f: {  	s1 =	sand.u32 $0x70, s0;
	s12 =	sand.u32 $0x3C00, s0  }
0x240: {  	s12 =	sor.u32 s1, s12  }
0x241: {  	v4 =	vimm.f32 $-3.000000010e+38;
	v5 =	vimm.f32 $0.0e+00;
	s1 =	simm.s32 $0x10;
	v6 =	vld [tilespmem:s12+$0x300]  }
.LBB2_51:
0x242: {  	p0 =	sne.s32 s1, $0x570  }
.Ltmp28:
0x243: {  	_ = 	snop;
	(pc) =	sbr.rel @p0 .LBB2_51-.Ltmp28, $4  }
0x244: {  	s0 =	sadd.s32 $0x80, s0  }
0x245: {  	s12 =	sand.u32 $0x70, s1;
	s14 =	sand.u32 $0x3C00, s0  }
0x246: {  	s12 =	sor.u32 s12, s14  }
0x247: {  	s1 =	sadd.s32 $0x10, s1;
	v4 =	vmax.f32 v4, v6;
	v5 =	vadd.f32 v6, v5;
	v6 =	vld [tilespmem:s12+$0x300]  }
0x248: {  	v3 =	vld [tilespmem:$0x3380]  }
0x249: {  	v7 =	vld [tilespmem:$0x3B80];
	_ =	sdelay $0x2  }
0x24a: {  	v5 =	vadd.f32 v6, v5  }
0x24b: {  	v4 =	vmax.f32 v4, v6  }
0x24c: {  	s0 =	simm.s32 $0x0;
	v4 =	vmax.f32 v3, v4;
	v5 =	vadd.f32 v7, v5  }
0x24d: {  	s1 =	sand.u32 $0x70, s0;
	s0 =	sand.u32 $0x3C00, s0;
	[tilespmem:$0x3380] =	vst v4  }
0x24e: {  	s0 =	sor.u32 s1, s0;
	[tilespmem:$0x3B80] =	vst v5  }
0x24f: {  	v5 =	vld [tilespmem:s0+$0x300];
	_ =	sdelay $0x2  }
0x250: {  	s12 =	simm.s32 $0x10;
	s15 =	simm.s32 $0x80  }
0x251: {  	s12 =	sand.u32 $0x70, s12;
	s1 =	sand.u32 $0x3C00, s15  }
0x252: {  	s0 =	sor.u32 s12, s1;
	v5 =	vsub.f32 v5, v4  }
0x253: {  	v6 =	vld [tilespmem:s0+$0x300]  }
0x254: {  	v7 =	vmul.f32 $1.442695020e+00, v5;
	_ =	sdelay $0x1  }
0x255: {  	s14 =	simm.s32 $0x20;
	s1 =	simm.s32 $0x100;
	(erf) = vpow2.f32 v7  }
0x256: {  	s0 =	sand.u32 $0x70, s14;
	s15 =	sand.u32 $0x3C00, s1  }
0x257: {  	s12 =	sor.u32 s0, s15;
	v8 =	vsub.f32 v6, v4  }
0x258: {  	v6 =	vld [tilespmem:s12+$0x300]  }
0x259: {  	s0 =	simm.s32 $0x30;
	v5 =	vimm.f32 $0.0e+00;
	v7 =	vmul.f32 $1.442695020e+00, v8  }
.LBB2_53:
0x25a: {  	p0 =	sne.s32 s0, $0x570  }
.Ltmp29:
0x25b: {  	s12 =	sand.u32 $0x70, s0;
	s1 =	sadd.s32 $0x80, s1;
	(erf) = vpow2.f32 v7;
	(pc) =	sbr.rel @p0 .LBB2_53-.Ltmp29, $4  }
0x25c: {  	s0 =	sadd.s32 $0x10, s0;
	s14 =	sand.u32 $0x3C00, s1  }
0x25d: {  	s12 =	sor.u32 s12, s14;
	v7 =	vsub.f32 v6, v4  }
0x25e: {  	v6 =	vld [tilespmem:s12+$0x300];
	v8 =	vpop (erf)  }
0x25f: {  	v7 =	vmul.f32 $1.442695020e+00, v7;
	v5 =	vadd.f32 v8, v5  }
0x260: {  	_ =	sdelay $0x2  }
0x261: {  	v6 =	vsub.f32 v6, v4  }
0x262: {  	v3 =	vsub.f32 v3, v4  }
0x263: {  	v59 =	vmul.f32 $1.442695020e+00, v6  }
0x264: {  	(erf) = vpow2.f32 v7;
	v3 =	vmul.f32 $1.442695020e+00, v3  }
0x265: {  	(erf) = vpow2.f32 v59  }
0x266: {  	(erf) = vpow2.f32 v3;
	_ =	sdelay $0x4  }
0x267: {  	v60 =	vld [tilespmem:$0x3780];
	v3 =	vpop (erf)  }
0x268: {  	v3 =	vadd.f32 v3, v5  }
0x269: {  	p0 =	slt.s32 s21, s30;
	v61 =	vpop (erf)  }
0x26a: {  	p1 =	sge.s32 @!p0 s21, s31;
	v3 =	vadd.f32 v61, v3;
	v62 =	vpop (erf)  }
0x26b: {  	p0 =	por p0, p1;
	v63 =	vpop (erf)  }
.Ltmp30:
0x26c: {  	v3 =	vadd.f32 v62, v3;
	v4 =	vmul.f32 v60, v63;
	(pc) =	sbr.rel @p0 .LBB2_58-.Ltmp30, $3  }
0x26d: {  	_ = 	snop  }
0x26e: {  	v3 =	vadd.f32 v4, v3;
	_ =	sdelay $0x1  }
0x26f: {  	[tilespmem:$0x3780] =	vst v3  }
0x270: {  	s1 =	simm.s32 $0x0  }
0x271: {  	s0 =	sand.u32 $0x70, s1;
	s12 =	sand.u32 $0x3C00, s1  }
0x272: {  	s14 =	ssub.s32 s21, s30;
	v3 =	vld [tilespmem:$0x3F80];
	s12 =	sor.u32 s0, s12  }
0x273: {  	v4 =	vimm.f32 $0.0e+00;
	v5 =	vmov s14;
	s0 =	simm.s32 $0x10;
	v6 =	vld [tilespmem:s12+$0x300];
	s12 =	simm.s32 $0x0  }
.LBB2_56:
0x274: {  	p0 =	sne.s32 s0, $0x570  }
.Ltmp31:
0x275: {  	_ = 	snop;
	(pc) =	sbr.rel @p0 .LBB2_56-.Ltmp31, $4  }
0x276: {  	v7 =	vor.u32 s1, v2;
	s12 =	sadd.s32 $0x80, s12  }
0x277: {  	s14 =	sand.u32 $0x70, s0;
	s15 =	sand.u32 $0x3C00, s12;
	vm0 =	veq.s32 v7, v5  }
0x278: {  	s14 =	sor.u32 s14, s15;
	v7 =	vnsel vm0, $0x0, v6  }
0x279: {  	s1 =	smov.u32 s0;
	s0 =	sadd.s32 $0x10, s0;
	v6 =	vld [tilespmem:s14+$0x300];
	v4 =	vadd.f32 v7, v4  }
0x27a: {  	_ =	sdelay $0x1  }
0x27b: {  	v7 =	vor.u32 s1, v2  }
0x27c: {  	vm0 =	veq.s32 v7, v5  }
0x27d: {  	v5 =	vnsel vm0, $0x0, v6  }
0x27e: {  	v4 =	vadd.f32 v5, v4;
	_ =	sdelay $0x1  }
0x27f: {  	v3 =	vadd.f32 v4, v3;
	_ =	sdelay $0x1  }
0x280: {  	[tilespmem:$0x3F80] =	vst v3  }
.LBB2_58:
0x281: {  	s1 =	simm.s32 $0x0  }
0x282: {  	s0 =	sand.u32 $0x7, s1  }
0x283: {  	s0 =	sshll.u32 s0, $0x4  }
0x284: {  	s0 =	sadd.s32 $0x0, s0  }
0x285: {  	s12 =	sor.u32 $0x380, s0  }
0x286: {  	v6 =	vld [tilespmem:s12+$0x0]  }
0x287: {  	v4 =	vimm.f32 $-3.000000010e+38;
	v5 =	vimm.f32 $0.0e+00;
	s0 =	simm.s32 $0x10;
	s12 =	simm.s32 $0x1  }
.LBB2_59:
0x288: {  	s14 =	sand.u32 $0x7, s12;
	p0 =	sne.s32 s0, $0x570;
	s0 =	sadd.s32 $0x10, s0  }
.Ltmp32:
0x289: {  	s1 =	sadd.s32 $0x80, s1;
	s14 =	sshll.u32 s14, $0x4;
	(pc) =	sbr.rel @p0 .LBB2_59-.Ltmp32, $4  }
0x28a: {  	s14 =	sadd.s32 s14, s1  }
0x28b: {  	s14 =	sor.u32 $0x380, s14;
	v4 =	vmax.f32 v4, v6;
	v5 =	vadd.f32 v6, v5  }
0x28c: {  	v6 =	vld [tilespmem:s14+$0x0]  }
0x28d: {  	s12 =	sadd.s32 $0x1, s12  }
0x28e: {  	v3 =	vld [tilespmem:$0x3400]  }
0x28f: {  	v7 =	vld [tilespmem:$0x3C00];
	_ =	sdelay $0x2  }
0x290: {  	s0 =	simm.s32 $0x0;
	v5 =	vadd.f32 v6, v5  }
0x291: {  	s0 =	sand.u32 $0x7, s0;
	v4 =	vmax.f32 v4, v6  }
0x292: {  	s0 =	sshll.u32 s0, $0x4;
	v4 =	vmax.f32 v3, v4;
	v5 =	vadd.f32 v7, v5  }
0x293: {  	s0 =	sadd.s32 $0x0, s0;
	[tilespmem:$0x3400] =	vst v4  }
0x294: {  	s0 =	sor.u32 $0x380, s0;
	[tilespmem:$0x3C00] =	vst v5  }
0x295: {  	v5 =	vld [tilespmem:s0+$0x0]  }
0x296: {  	s1 =	simm.s32 $0x1  }
0x297: {  	s1 =	sand.u32 $0x7, s1  }
0x298: {  	s1 =	sshll.u32 s1, $0x4  }
0x299: {  	s14 =	sadd.s32 $0x80, s1  }
0x29a: {  	s0 =	sor.u32 $0x380, s14;
	v5 =	vsub.f32 v5, v4  }
0x29b: {  	v6 =	vld [tilespmem:s0+$0x0]  }
0x29c: {  	s15 =	simm.s32 $0x2;
	v7 =	vmul.f32 $1.442695020e+00, v5  }
0x29d: {  	s0 =	sand.u32 $0x7, s15  }
0x29e: {  	s0 =	sshll.u32 s0, $0x4;
	(erf) = vpow2.f32 v7  }
0x29f: {  	s0 =	sadd.s32 $0x100, s0  }
0x2a0: {  	s12 =	sor.u32 $0x380, s0;
	v8 =	vsub.f32 v6, v4  }
0x2a1: {  	v6 =	vld [tilespmem:s12+$0x0]  }
0x2a2: {  	s1 =	simm.s32 $0x30;
	s0 =	simm.s32 $0x100;
	s12 =	simm.s32 $0x3;
	v5 =	vimm.f32 $0.0e+00;
	v7 =	vmul.f32 $1.442695020e+00, v8  }
.LBB2_61:
0x2a3: {  	s14 =	sand.u32 $0x7, s12;
	p0 =	sne.s32 s1, $0x570;
	s1 =	sadd.s32 $0x10, s1  }
.Ltmp33:
0x2a4: {  	s0 =	sadd.s32 $0x80, s0;
	s14 =	sshll.u32 s14, $0x4;
	(erf) = vpow2.f32 v7;
	(pc) =	sbr.rel @p0 .LBB2_61-.Ltmp33, $4  }
0x2a5: {  	s14 =	sadd.s32 s14, s0  }
0x2a6: {  	s14 =	sor.u32 $0x380, s14;
	v7 =	vsub.f32 v6, v4  }
0x2a7: {  	v6 =	vld [tilespmem:s14+$0x0];
	v8 =	vpop (erf)  }
0x2a8: {  	s12 =	sadd.s32 $0x1, s12;
	v7 =	vmul.f32 $1.442695020e+00, v7;
	v5 =	vadd.f32 v8, v5  }
0x2a9: {  	_ =	sdelay $0x2  }
0x2aa: {  	v6 =	vsub.f32 v6, v4  }
0x2ab: {  	v3 =	vsub.f32 v3, v4  }
0x2ac: {  	v59 =	vmul.f32 $1.442695020e+00, v6  }
0x2ad: {  	(erf) = vpow2.f32 v7;
	v3 =	vmul.f32 $1.442695020e+00, v3  }
0x2ae: {  	(erf) = vpow2.f32 v59  }
0x2af: {  	(erf) = vpow2.f32 v3;
	_ =	sdelay $0x4  }
0x2b0: {  	v60 =	vld [tilespmem:$0x3800];
	v3 =	vpop (erf)  }
0x2b1: {  	v3 =	vadd.f32 v3, v5  }
0x2b2: {  	p0 =	slt.s32 s20, s30;
	v61 =	vpop (erf)  }
0x2b3: {  	p1 =	sge.s32 @!p0 s20, s31;
	v3 =	vadd.f32 v61, v3;
	v62 =	vpop (erf)  }
0x2b4: {  	p0 =	por p0, p1;
	v63 =	vpop (erf)  }
.Ltmp34:
0x2b5: {  	v3 =	vadd.f32 v62, v3;
	v4 =	vmul.f32 v60, v63;
	(pc) =	sbr.rel @p0 .LBB2_66-.Ltmp34, $3  }
0x2b6: {  	_ = 	snop  }
0x2b7: {  	v3 =	vadd.f32 v4, v3;
	_ =	sdelay $0x1  }
0x2b8: {  	[tilespmem:$0x3800] =	vst v3  }
0x2b9: {  	s31 =	simm.s32 $0x0  }
0x2ba: {  	s0 =	sand.u32 $0x7, s31  }
0x2bb: {  	s0 =	sshll.u32 s0, $0x4  }
0x2bc: {  	s0 =	sadd.s32 $0x0, s0  }
0x2bd: {  	s1 =	ssub.s32 s20, s30;
	v3 =	vld [tilespmem:$0x4000];
	s12 =	sor.u32 $0x380, s0  }
0x2be: {  	v4 =	vimm.f32 $0.0e+00;
	v5 =	vmov s1;
	s1 =	simm.s32 $0x1;
	s0 =	simm.s32 $0x10;
	v6 =	vld [tilespmem:s12+$0x0];
	s12 =	simm.s32 $0x0  }
.LBB2_64:
0x2bf: {  	s14 =	sand.u32 $0x7, s1  }
0x2c0: {  	p0 =	sne.s32 s0, $0x570;
	s15 =	smov.u32 s0;
	s0 =	sadd.s32 $0x10, s0  }
.Ltmp35:
0x2c1: {  	v7 =	vor.u32 s31, v2;
	s12 =	sadd.s32 $0x80, s12;
	s14 =	sshll.u32 s14, $0x4;
	(pc) =	sbr.rel @p0 .LBB2_64-.Ltmp35, $4  }
0x2c2: {  	vm0 =	veq.s32 v7, v5;
	s31 =	smov.u32 s15;
	s14 =	sadd.s32 s14, s12  }
0x2c3: {  	s14 =	sor.u32 $0x380, s14;
	v7 =	vnsel vm0, $0x0, v6  }
0x2c4: {  	v6 =	vld [tilespmem:s14+$0x0];
	v4 =	vadd.f32 v7, v4  }
0x2c5: {  	s1 =	sadd.s32 $0x1, s1  }
0x2c6: {  	_ = 	snop  }
0x2c7: {  	v7 =	vor.u32 s31, v2  }
0x2c8: {  	vm0 =	veq.s32 v7, v5  }
0x2c9: {  	v5 =	vnsel vm0, $0x0, v6  }
.Ltmp36:
0x2ca: {  	v4 =	vadd.f32 v5, v4;
	(pc) =	sbr.rel .LBB2_66-.Ltmp36, $3  }
0x2cb: {  	_ = 	snop  }
0x2cc: {  	v3 =	vadd.f32 v4, v3;
	_ =	sdelay $0x1  }
0x2cd: {  	[tilespmem:$0x4000] =	vst v3  }
.LBB2_68:
0x2ce: {  	_ =	sfence.sel $0x180000  }
0x2cf: {  	[bflag:$0x0] =	sbarrier.arrive $0xFFFF  }
0x2d0: {  	_ =	strace $0x90000047  }
0x2d1: {  	s0 =	stileid.u32;
	[bflag:$0x2] =	sbarrier.arrive $0xFFFF  }
0x2d2: {  	p0 =	sne.s32 s0, $0x0;
	s0 =	rddreg [dreg:$0x2]  }
0x2d3: {  	s0 =	sadd.s32 @!p0 $0x100000, s0  }
0x2d4: {  	[sflag:s0] =	ssyncadd.tile.s32 @!p0 $0x1;
	_ =	shalt  }
.Lfunc_end2:
_tile_overlayer_lowered:
.L_overlay_start_2:
0x2d5: {  	(tag) =	ssettag $0x2  }
0x2d6: {  	s0 =	rddreg [dreg:$0x0];
	s2 =	stileid.u32  }
0x2d7: {  	s1 =	rddreg [dreg:$0x1];
	p0 =	sne.s32 s2, $0x0  }
0x2d8: {  	s3 =	rddreg [dreg:$0x2];
	[bflag:$0x3] =	sbarrier.arrive $0xFFFF;
	s2 =	simm.s32 @!p0 $0x1C01  }
0x2d9: {  	[timem:s3], [sflag:s2] =	dma.local @!p0 [hbm:s0], s1  }
0x2da: {  	s0 =	simm.s32 @!p0 $0x1  }
0x2db: {  	_ =	swait.ge @!p0 [sflag:s0], s1  }
0x2dc: {  	s1 =	ssub.s32 @!p0 $0x0, s1;
	[sflag:s0] =	ssyncset.done @!p0 $0x0  }
0x2dd: {  	[sflag:s0] =	ssyncadd.s32 @!p0 s1  }
0x2de: {  	[bflag:$0x3] =	sbarrier.arrive $0xFFFF  }
0x2df: {  	_ =	shalt  }

</sc_bundles>
